<compile_context>
chip_gen: v7x
topology: tpu7x:2x2x1
jax: 0.10.2.dev20260603
libtpu: 0.0.44.dev20260713+nightly
codegen_flags: <defaults>
</compile_context>

<pallas_src>
import functools

import jax
import jax.numpy as jnp
from jax import lax
from jax.experimental import pallas as pl
from jax.experimental.pallas import tpu as pltpu
from jax.experimental.pallas import tpu_sc as plsc

SR = 137.8
P = 128
B = 4
N = 512
T = 4134
SIGMA = 3.6 / 1000.0 * SR
INV_SIG = 1.0 / SIGMA
W = 6
T_CAP = 4134.0

NC = 2
L = 16
NPG = 8
NP = N + L
NSUB = 2
SUBP = 8


def _take16(x, idx):
    dnums = lax.GatherDimensionNumbers(
        offset_dims=(), collapsed_slice_dims=(0,), start_index_map=(0,))
    return lax.gather(x, idx[:, None], dnums, (1,),
                      mode=lax.GatherScatterMode.PROMISE_IN_BOUNDS)


def _render_sc(sf, ef, vel, pit, zrows):
    mesh = plsc.VectorSubcoreMesh(core_axis_name="c", subcore_axis_name="s")

    @functools.partial(
        pl.kernel,
        mesh=mesh,
        out_type=jax.ShapeDtypeStruct((B, 3 * P, T), jnp.float32),
        scratch_types=[
            pltpu.VMEM((NP,), jnp.float32),
            pltpu.VMEM((NP,), jnp.float32),
            pltpu.VMEM((NP,), jnp.float32),
            pltpu.VMEM((NP,), jnp.int32),
            pltpu.VMEM((NSUB * NP,), jnp.int32),
            pltpu.VMEM((SUBP, T), jnp.float32),
            pltpu.VMEM((SUBP, T), jnp.float32),
            pltpu.VMEM((SUBP, T), jnp.float32),
            pltpu.SemaphoreType.DMA,
            pltpu.SemaphoreType.DMA,
        ],
        compiler_params=pltpu.CompilerParams(use_tc_tiling_on_sc=True,
                                             needs_layout_passes=False),
    )
    def k(sf_hbm, ef_hbm, vel_hbm, pit_hbm, z_hbm, out_hbm,
          sfv, efv, velv, pitv, wl, bon, bsus, bvel, osem, zsem):
        cid = lax.axis_index("c")
        sid = lax.axis_index("s")
        wid = sid * NC + cid
        b = wid // NPG
        pg = wid % NPG
        plo = pg * 16

        bufs = (bon, bsus, bvel)

        zdescs = [pltpu.make_async_copy(z_hbm, bf, zsem) for bf in bufs]
        for cp in zdescs:
            cp.start()

        pltpu.sync_copy(sf_hbm.at[b], sfv)
        pltpu.sync_copy(ef_hbm.at[b], efv)
        pltpu.sync_copy(vel_hbm.at[b], velv)
        pltpu.sync_copy(pit_hbm.at[b], pitv)

        iota = lax.broadcasted_iota(jnp.int32, (L,), 0)

        ngrps = []
        for sub in range(NSUB):
            slo = plo + sub * SUBP

            def route(i, cnt, slo=slo, sub=sub):
                p16 = pitv[pl.ds(i * L, L)]
                sel = (p16 >= slo) & (p16 < slo + SUBP)
                pos = sub * NP + cnt + plsc.cumsum(jnp.where(sel, 1, 0)) - 1
                plsc.store_scatter(wl, [pos], i * L + iota, mask=sel)
                return cnt + plsc.all_reduce_population_count(sel)[0]
            cnt = lax.fori_loop(0, N // L, route, 0)
            wl[pl.ds(sub * NP + cnt, L)] = jnp.full((L,), N, jnp.int32)
            ngrps.append((cnt + (L - 1)) // L)

        for sub in range(NSUB):
            slo = plo + sub * SUBP

            for cp in zdescs:
                cp.wait()

            def grp_body(g, _, slo=slo, sub=sub):
                ids = wl[pl.ds(sub * NP + g * L, L)]
                sfg = plsc.load_gather(sfv, [ids])
                efg = plsc.load_gather(efv, [ids])
                velg = plsc.load_gather(velv, [ids])
                pitg = plsc.load_gather(pitv, [ids])

                s0i = sfg.astype(jnp.int32)
                cfi = efg.astype(jnp.int32)
                ceii = cfi + jnp.where(cfi.astype(jnp.float32) < efg, 1, 0)
                s0g = s0i.astype(jnp.float32)
                e0g = jnp.minimum(ceii.astype(jnp.float32), T_CAP)
                lo16 = jnp.maximum(s0i - W, 0) & ~(L - 1)
                hi16 = jnp.minimum(ceii + (W + 1), T)
                row16 = pitg - slo

                def lane_body(j, _):
                    lane = jnp.zeros((L,), jnp.int32) + j
                    m = iota == j
                    sfb = _take16(sfg, lane)
                    efb = _take16(efg, lane)
                    velb = _take16(velg, lane)
                    s0b = _take16(s0g, lane)
                    e0b = _take16(e0g, lane)
                    loj = jnp.sum(jnp.where(m, lo16, 0))
                    hij = jnp.sum(jnp.where(m, hi16, 0))
                    rowj = jnp.sum(jnp.where(m, row16, 0))
                    ntrip = (jnp.maximum(hij - loj, 0) + (L - 1)) // L

                    def frame_body(kk, _):
                        t0 = loj + kk * L
                        tvi = t0 + iota
                        tvf = tvi.astype(jnp.float32)
                        zon = (tvf - sfb) * INV_SIG
                        on = jnp.exp(-0.5 * zon * zon) * velb
                        box = jnp.where((tvf >= s0b) & (tvf < e0b), 1.0, 0.0)
                        zof = (tvf - efb) * INV_SIG
                        g10 = jnp.where(tvf >= efb,
                                        jnp.exp(-0.5 * zof * zof) * 0.1, 0.0)
                        sus = box + g10
                        velc = sus * velb
                        plsc.addupdate(bon.at[rowj, pl.ds(t0, L)], on)
                        plsc.addupdate(bsus.at[rowj, pl.ds(t0, L)], sus)
                        plsc.addupdate(bvel.at[rowj, pl.ds(t0, L)], velc)
                        return 0

                    lax.fori_loop(0, ntrip, frame_body, 0)
                    return 0
                lax.fori_loop(0, L, lane_body, 0)
                return 0

            lax.fori_loop(0, ngrps[sub], grp_body, 0)

            def clip_grp(g, _, sub=sub):
                ids = wl[pl.ds(sub * NP + g * L, L)]
                sfg = plsc.load_gather(sfv, [ids])
                efg = plsc.load_gather(efv, [ids])
                pitg = plsc.load_gather(pitv, [ids])
                s0i = sfg.astype(jnp.int32)
                cfi = efg.astype(jnp.int32)
                ceii = cfi + jnp.where(cfi.astype(jnp.float32) < efg, 1, 0)
                lo16 = jnp.maximum(s0i - W, 0) & ~(L - 1)
                hi16 = jnp.minimum(ceii + (W + 1), T)
                row16 = pitg - (plo + sub * SUBP)

                def clane(j, _):
                    m = iota == j
                    loj = jnp.sum(jnp.where(m, lo16, 0))
                    hij = jnp.sum(jnp.where(m, hi16, 0))
                    rowj = jnp.sum(jnp.where(m, row16, 0))
                    ntrip = (jnp.maximum(hij - loj, 0) + (L - 1)) // L

                    def cbody(kk, _):
                        sl = pl.ds(loj + kk * L, L)
                        bon[rowj, sl] = jnp.clip(bon[rowj, sl], 0.0, 1.0)
                        sl = pl.ds(loj + kk * L, L)
                        bsus[rowj, sl] = jnp.clip(bsus[rowj, sl], 0.0, 1.0)
                        sl = pl.ds(loj + kk * L, L)
                        bvel[rowj, sl] = jnp.clip(bvel[rowj, sl], 0.0, 1.0)
                        return 0
                    lax.fori_loop(0, ntrip, cbody, 0)
                    return 0
                lax.fori_loop(0, L, clane, 0)
                return 0
            lax.fori_loop(0, ngrps[sub], clip_grp, 0)

            odescs = [
                pltpu.make_async_copy(bon, out_hbm.at[b, pl.ds(slo, SUBP)],
                                      osem),
                pltpu.make_async_copy(bsus, out_hbm.at[b, pl.ds(P + slo, SUBP)],
                                      osem),
                pltpu.make_async_copy(bvel, out_hbm.at[b, pl.ds(2 * P + slo, SUBP)],
                                      osem),
            ]
            for cp in odescs:
                cp.start()
            if sub + 1 < NSUB:
                zdescs = []
                for ch in range(3):
                    odescs[ch].wait()
                    zcp = pltpu.make_async_copy(z_hbm, bufs[ch], zsem)
                    zcp.start()
                    zdescs.append(zcp)
            else:
                for cp in odescs:
                    cp.wait()

    return k(sf, ef, vel, pit, zrows)


def kernel(note_start, note_end, note_vel, note_pitch, dur_sec):
    sr = jnp.float32(SR)
    sf = (note_start * sr).astype(jnp.float32)
    ef = (note_end * sr).astype(jnp.float32)
    vel = note_vel.astype(jnp.float32)
    pit = jnp.clip(note_pitch.astype(jnp.int32), 0, P - 1)
    pad = ((0, 0), (0, L))
    sf = jnp.pad(sf, pad, constant_values=-1e6)
    ef = jnp.pad(ef, pad, constant_values=-1e6)
    vel = jnp.pad(vel, pad, constant_values=0.0)
    pit = jnp.pad(pit, pad, constant_values=-1)
    zrows = jnp.zeros((SUBP, T), jnp.float32)
    return _render_sc(sf, ef, vel, pit, zrows)

# --- scband reference (transcript-rebuilt; emitter-appended) ---
"""Pipeline reference for scband-sync-rendering-module-22677427323453 (READ-ONLY COPY).

The authoritative reference and input builder live on the scoring server;
editing this copy changes nothing except your own understanding.
"""

import jax, jax.numpy as jnp
import numpy as np
import math

D_IN = 384
P = D_IN // 3
SR = 137.8
SIG_ON = 3.6 / 1000.0 * SR
SIG_OFF = 3.6 / 1000.0 * SR
B = 4
N = 512
DUR = 30


def setup_inputs(seed: int = 0) -> dict:
    key = jax.random.key(seed)
    k1, k2, k3, k4 = jax.random.split(key, 4)
    note_start = jax.random.uniform(k1, (B, N), dtype=jnp.float32) * (DUR - 2.0)
    note_end = note_start + jax.random.uniform(k2, (B, N), dtype=jnp.float32) * 2.0 + 0.05
    note_vel = jax.random.uniform(k3, (B, N), dtype=jnp.float32)
    note_pitch = jax.random.randint(k4, (B, N), 0, P)
    return {"note_start": note_start, "note_end": note_end, "note_vel": note_vel,
            "note_pitch": note_pitch, "dur_sec": DUR}


def _render(note_start, note_end, note_vel, note_pitch, t_h, t_h_f):
    time_axis = jnp.arange(t_h, dtype=jnp.float32)
    sf = note_start * SR  # [B, N] start frames
    ef = note_end * SR    # [B, N] end frames
    sigma_on = max(SIG_ON, 1e-4)
    sigma_off = max(SIG_OFF, 1e-4)
    t = time_axis[None, None, :]  # [1,1,T]

    # onset gaussian (only if vel > 0)
    onset_c = jnp.exp(-0.5 * ((t - sf[..., None]) / sigma_on) ** 2) * note_vel[..., None]
    onset_c = jnp.where(note_vel[..., None] > 0.0, onset_c, 0.0)

    # sustain box: frames in [max(floor(sf),0), min(ceil(ef), t_h))
    s0 = jnp.maximum(jnp.floor(sf), 0.0)
    e0 = jnp.minimum(jnp.ceil(ef), t_h_f)
    box = ((t >= s0[..., None]) & (t < e0[..., None])).astype(jnp.float32)

    # release gaussian where time >= end_frame
    sus_g = jnp.exp(-0.5 * ((t - ef[..., None]) / sigma_off) ** 2)
    rel = (t >= ef[..., None]).astype(jnp.float32)

    sustain_c = box + sus_g * rel * 0.1
    vel_c = box * note_vel[..., None] + sus_g * rel * note_vel[..., None] * 0.1

    pidx = jnp.clip(note_pitch, 0, P - 1)

    def scat(contrib, p):
        # scatter-add per-note time rows into pitch rows
        return jnp.zeros((P, t_h), dtype=jnp.float32).at[p].add(contrib)

    onset = jax.vmap(scat)(onset_c, pidx)
    sustain = jax.vmap(scat)(sustain_c, pidx)
    velocity = jax.vmap(scat)(vel_c, pidx)

    out = jnp.concatenate([onset, sustain, velocity], axis=1)  # [B, 3P, T]
    return jnp.clip(out, 0.0, 1.0)


def reference(note_start, note_end, note_vel, note_pitch, dur_sec):
    t_h = int(math.floor(float(DUR) * SR))
    t_h_f = jnp.floor(jnp.asarray(dur_sec).astype(jnp.float32) * SR)
    return _render(note_start, note_end, note_vel, note_pitch, t_h, t_h_f)

if __name__ == "__main__":
    import jax
    _d = setup_inputs()
    print(jax.jit(kernel)(*tuple(_d.values())))

</pallas_src>

<mosaic_0001>
#map = affine_map<(d0, d1) -> (0, 0)>
#map1 = affine_map<(d0, d1) -> (0, 0, 0)>
module attributes {stable_mosaic.version = 14 : i64} {
  func.func @k(%arg0: i32, %arg1: i32, %arg2: memref<4x528xf32, #tpu.memory_space<hbm>>, %arg3: memref<4x528xf32, #tpu.memory_space<hbm>>, %arg4: memref<4x528xf32, #tpu.memory_space<hbm>>, %arg5: memref<4x528xi32, #tpu.memory_space<hbm>>, %arg6: memref<8x4134xf32, #tpu.memory_space<hbm>>, %arg7: memref<4x384x4134xf32, #tpu.memory_space<hbm>>, %arg8: memref<528xf32, #tpu.memory_space<vmem>>, %arg9: memref<528xf32, #tpu.memory_space<vmem>>, %arg10: memref<528xf32, #tpu.memory_space<vmem>>, %arg11: memref<528xi32, #tpu.memory_space<vmem>>, %arg12: memref<1056xi32, #tpu.memory_space<vmem>>, %arg13: memref<8x4134xf32, #tpu.memory_space<vmem>>, %arg14: memref<8x4134xf32, #tpu.memory_space<vmem>>, %arg15: memref<8x4134xf32, #tpu.memory_space<vmem>>, %arg16: memref<!tpu.dma_semaphore, #tpu.memory_space<semaphore_mem>>, %arg17: memref<!tpu.dma_semaphore, #tpu.memory_space<semaphore_mem>>) attributes {dimension_semantics = [#tpu.dimension_semantics<core_parallel>, #tpu.dimension_semantics<subcore_parallel>], iteration_bounds = array<i64: 2, 16>, scalar_prefetch = 0 : i64, scratch_operands = 10 : i64, tpu.core_type = #tpu.core_type<sc_vector_subcore>, window_params = [{transform_indices = #map}, {transform_indices = #map}, {transform_indices = #map}, {transform_indices = #map}, {transform_indices = #map}, {transform_indices = #map1}]} {
    %mul3A = arith.constant 2 : i32
    %mul3A_0 = arith.muli %arg1, %mul3A : i32
    %add3A = arith.addi %mul3A_0, %arg0 : i32
    %jit3A = arith.constant 8 : i32
    %div3A = arith.divsi %add3A, %jit3A : i32
    %sign3A = arith.constant 0 : i32
    %sign3A_1 = arith.cmpi sgt, %add3A, %sign3A : i32
    %sign3A_2 = arith.extui %sign3A_1 : i1 to i32
    %sign3A_3 = arith.constant 0 : i32
    %sign3A_4 = arith.cmpi slt, %add3A, %sign3A_3 : i32
    %sign3A_5 = arith.extui %sign3A_4 : i1 to i32
    %sign3A_6 = arith.subi %sign3A_2, %sign3A_5 : i32
    %sign3A_7 = arith.constant 0 : i32
    %sign3A_8 = arith.cmpi sgt, %jit3A, %sign3A_7 : i32
    %sign3A_9 = arith.extui %sign3A_8 : i1 to i32
    %sign3A_10 = arith.constant 0 : i32
    %sign3A_11 = arith.cmpi slt, %jit3A, %sign3A_10 : i32
    %sign3A_12 = arith.extui %sign3A_11 : i1 to i32
    %sign3A_13 = arith.subi %sign3A_9, %sign3A_12 : i32
    %ne3A = arith.cmpi ne, %sign3A_6, %sign3A_13 : i32
    %rem3A = arith.remsi %add3A, %jit3A : i32
    %ne3A_14 = arith.constant 0 : i32
    %ne3A_15 = arith.cmpi ne, %rem3A, %ne3A_14 : i32
    %and3A = arith.andi %ne3A, %ne3A_15 : i1
    %sub3A = arith.constant 1 : i32
    %sub3A_16 = arith.subi %div3A, %sub3A : i32
    %select_n3A = arith.select %and3A, %sub3A_16, %div3A : i32
    %jit3A_17 = arith.constant 8 : i32
    %eq3A = arith.constant 0 : i32
    %eq3A_18 = arith.cmpi eq, %jit3A_17, %eq3A : i32
    %jit3A_19 = arith.constant 1 : i32
    %select_n3A_20 = arith.select %eq3A_18, %jit3A_19, %jit3A_17 : i32
    %rem3A_21 = arith.remsi %add3A, %select_n3A_20 : i32
    %ne3A_22 = arith.constant 0 : i32
    %ne3A_23 = arith.cmpi ne, %rem3A_21, %ne3A_22 : i32
    %lt3A = arith.constant 0 : i32
    %lt3A_24 = arith.cmpi slt, %rem3A_21, %lt3A : i32
    %lt3A_25 = arith.constant 0 : i32
    %lt3A_26 = arith.cmpi slt, %select_n3A_20, %lt3A_25 : i32
    %ne3A_27 = arith.xori %lt3A_24, %lt3A_26 : i1
    %and3A_28 = arith.andi %ne3A_27, %ne3A_23 : i1
    %add3A_29 = arith.addi %rem3A_21, %select_n3A_20 : i32
    %select_n3A_30 = arith.select %and3A_28, %add3A_29, %rem3A_21 : i32
    %mul3A_31 = arith.constant 16 : i32
    %mul3A_32 = arith.muli %select_n3A_30, %mul3A_31 : i32
    tpu.enqueue_dma source(%arg6 : memref<8x4134xf32, #tpu.memory_space<hbm>>) target(%arg13 : memref<8x4134xf32, #tpu.memory_space<vmem>>) target_semaphore(%arg17 : memref<!tpu.dma_semaphore, #tpu.memory_space<semaphore_mem>>)
    tpu.enqueue_dma source(%arg6 : memref<8x4134xf32, #tpu.memory_space<hbm>>) target(%arg14 : memref<8x4134xf32, #tpu.memory_space<vmem>>) target_semaphore(%arg17 : memref<!tpu.dma_semaphore, #tpu.memory_space<semaphore_mem>>)
    tpu.enqueue_dma source(%arg6 : memref<8x4134xf32, #tpu.memory_space<hbm>>) target(%arg15 : memref<8x4134xf32, #tpu.memory_space<vmem>>) target_semaphore(%arg17 : memref<!tpu.dma_semaphore, #tpu.memory_space<semaphore_mem>>)
    "tpu.region"() ({
      %run_scoped3A = tpu.sem_alloc : memref<!tpu.dma_semaphore, #tpu.memory_space<semaphore_mem>>
      %dma_start3A_241 = arith.constant 0 : i32
      %dma_start3A_242 = tpu.memref_slice %arg2[%select_n3A, %dma_start3A_241] : memref<4x528xf32, #tpu.memory_space<hbm>> -> memref<1x528xf32, #tpu.memory_space<hbm>>
      %dma_start3A_243 = tpu.memref_squeeze %dma_start3A_242 : memref<1x528xf32, #tpu.memory_space<hbm>> -> memref<528xf32, #tpu.memory_space<hbm>>
      %dma_start3A_244 = arith.constant 0 : i32
      %dma_start3A_245 = tpu.memref_slice %arg2[%select_n3A, %dma_start3A_244] : memref<4x528xf32, #tpu.memory_space<hbm>> -> memref<1x528xf32, #tpu.memory_space<hbm>>
      %dma_start3A_246 = tpu.memref_squeeze %dma_start3A_245 : memref<1x528xf32, #tpu.memory_space<hbm>> -> memref<528xf32, #tpu.memory_space<hbm>>
      tpu.enqueue_dma source(%dma_start3A_246 : memref<528xf32, #tpu.memory_space<hbm>>) target(%arg8 : memref<528xf32, #tpu.memory_space<vmem>>) target_semaphore(%run_scoped3A : memref<!tpu.dma_semaphore, #tpu.memory_space<semaphore_mem>>)
      %dma_wait3A_247 = arith.constant 0 : i32
      %dma_wait3A_248 = tpu.memref_slice %arg2[%select_n3A, %dma_wait3A_247] : memref<4x528xf32, #tpu.memory_space<hbm>> -> memref<1x528xf32, #tpu.memory_space<hbm>>
      %dma_wait3A_249 = tpu.memref_squeeze %dma_wait3A_248 : memref<1x528xf32, #tpu.memory_space<hbm>> -> memref<528xf32, #tpu.memory_space<hbm>>
      %dma_wait3A_250 = arith.constant 0 : i32
      %dma_wait3A_251 = tpu.memref_slice %arg2[%select_n3A, %dma_wait3A_250] : memref<4x528xf32, #tpu.memory_space<hbm>> -> memref<1x528xf32, #tpu.memory_space<hbm>>
      %dma_wait3A_252 = tpu.memref_squeeze %dma_wait3A_251 : memref<1x528xf32, #tpu.memory_space<hbm>> -> memref<528xf32, #tpu.memory_space<hbm>>
      tpu.wait_dma2 semaphore(%run_scoped3A : memref<!tpu.dma_semaphore, #tpu.memory_space<semaphore_mem>>) src(%dma_wait3A_252 : memref<528xf32, #tpu.memory_space<hbm>>) dst(%arg8 : memref<528xf32, #tpu.memory_space<vmem>>)
      tpu.yield
    }) : () -> ()
    "tpu.region"() ({
      %run_scoped3A = tpu.sem_alloc : memref<!tpu.dma_semaphore, #tpu.memory_space<semaphore_mem>>
      %dma_start3A_241 = arith.constant 0 : i32
      %dma_start3A_242 = tpu.memref_slice %arg3[%select_n3A, %dma_start3A_241] : memref<4x528xf32, #tpu.memory_space<hbm>> -> memref<1x528xf32, #tpu.memory_space<hbm>>
      %dma_start3A_243 = tpu.memref_squeeze %dma_start3A_242 : memref<1x528xf32, #tpu.memory_space<hbm>> -> memref<528xf32, #tpu.memory_space<hbm>>
      %dma_start3A_244 = arith.constant 0 : i32
      %dma_start3A_245 = tpu.memref_slice %arg3[%select_n3A, %dma_start3A_244] : memref<4x528xf32, #tpu.memory_space<hbm>> -> memref<1x528xf32, #tpu.memory_space<hbm>>
      %dma_start3A_246 = tpu.memref_squeeze %dma_start3A_245 : memref<1x528xf32, #tpu.memory_space<hbm>> -> memref<528xf32, #tpu.memory_space<hbm>>
      tpu.enqueue_dma source(%dma_start3A_246 : memref<528xf32, #tpu.memory_space<hbm>>) target(%arg9 : memref<528xf32, #tpu.memory_space<vmem>>) target_semaphore(%run_scoped3A : memref<!tpu.dma_semaphore, #tpu.memory_space<semaphore_mem>>)
      %dma_wait3A_247 = arith.constant 0 : i32
      %dma_wait3A_248 = tpu.memref_slice %arg3[%select_n3A, %dma_wait3A_247] : memref<4x528xf32, #tpu.memory_space<hbm>> -> memref<1x528xf32, #tpu.memory_space<hbm>>
      %dma_wait3A_249 = tpu.memref_squeeze %dma_wait3A_248 : memref<1x528xf32, #tpu.memory_space<hbm>> -> memref<528xf32, #tpu.memory_space<hbm>>
      %dma_wait3A_250 = arith.constant 0 : i32
      %dma_wait3A_251 = tpu.memref_slice %arg3[%select_n3A, %dma_wait3A_250] : memref<4x528xf32, #tpu.memory_space<hbm>> -> memref<1x528xf32, #tpu.memory_space<hbm>>
      %dma_wait3A_252 = tpu.memref_squeeze %dma_wait3A_251 : memref<1x528xf32, #tpu.memory_space<hbm>> -> memref<528xf32, #tpu.memory_space<hbm>>
      tpu.wait_dma2 semaphore(%run_scoped3A : memref<!tpu.dma_semaphore, #tpu.memory_space<semaphore_mem>>) src(%dma_wait3A_252 : memref<528xf32, #tpu.memory_space<hbm>>) dst(%arg9 : memref<528xf32, #tpu.memory_space<vmem>>)
      tpu.yield
    }) : () -> ()
    "tpu.region"() ({
      %run_scoped3A = tpu.sem_alloc : memref<!tpu.dma_semaphore, #tpu.memory_space<semaphore_mem>>
      %dma_start3A_241 = arith.constant 0 : i32
      %dma_start3A_242 = tpu.memref_slice %arg4[%select_n3A, %dma_start3A_241] : memref<4x528xf32, #tpu.memory_space<hbm>> -> memref<1x528xf32, #tpu.memory_space<hbm>>
      %dma_start3A_243 = tpu.memref_squeeze %dma_start3A_242 : memref<1x528xf32, #tpu.memory_space<hbm>> -> memref<528xf32, #tpu.memory_space<hbm>>
      %dma_start3A_244 = arith.constant 0 : i32
      %dma_start3A_245 = tpu.memref_slice %arg4[%select_n3A, %dma_start3A_244] : memref<4x528xf32, #tpu.memory_space<hbm>> -> memref<1x528xf32, #tpu.memory_space<hbm>>
      %dma_start3A_246 = tpu.memref_squeeze %dma_start3A_245 : memref<1x528xf32, #tpu.memory_space<hbm>> -> memref<528xf32, #tpu.memory_space<hbm>>
      tpu.enqueue_dma source(%dma_start3A_246 : memref<528xf32, #tpu.memory_space<hbm>>) target(%arg10 : memref<528xf32, #tpu.memory_space<vmem>>) target_semaphore(%run_scoped3A : memref<!tpu.dma_semaphore, #tpu.memory_space<semaphore_mem>>)
      %dma_wait3A_247 = arith.constant 0 : i32
      %dma_wait3A_248 = tpu.memref_slice %arg4[%select_n3A, %dma_wait3A_247] : memref<4x528xf32, #tpu.memory_space<hbm>> -> memref<1x528xf32, #tpu.memory_space<hbm>>
      %dma_wait3A_249 = tpu.memref_squeeze %dma_wait3A_248 : memref<1x528xf32, #tpu.memory_space<hbm>> -> memref<528xf32, #tpu.memory_space<hbm>>
      %dma_wait3A_250 = arith.constant 0 : i32
      %dma_wait3A_251 = tpu.memref_slice %arg4[%select_n3A, %dma_wait3A_250] : memref<4x528xf32, #tpu.memory_space<hbm>> -> memref<1x528xf32, #tpu.memory_space<hbm>>
      %dma_wait3A_252 = tpu.memref_squeeze %dma_wait3A_251 : memref<1x528xf32, #tpu.memory_space<hbm>> -> memref<528xf32, #tpu.memory_space<hbm>>
      tpu.wait_dma2 semaphore(%run_scoped3A : memref<!tpu.dma_semaphore, #tpu.memory_space<semaphore_mem>>) src(%dma_wait3A_252 : memref<528xf32, #tpu.memory_space<hbm>>) dst(%arg10 : memref<528xf32, #tpu.memory_space<vmem>>)
      tpu.yield
    }) : () -> ()
    "tpu.region"() ({
      %run_scoped3A = tpu.sem_alloc : memref<!tpu.dma_semaphore, #tpu.memory_space<semaphore_mem>>
      %dma_start3A_241 = arith.constant 0 : i32
      %dma_start3A_242 = tpu.memref_slice %arg5[%select_n3A, %dma_start3A_241] : memref<4x528xi32, #tpu.memory_space<hbm>> -> memref<1x528xi32, #tpu.memory_space<hbm>>
      %dma_start3A_243 = tpu.memref_squeeze %dma_start3A_242 : memref<1x528xi32, #tpu.memory_space<hbm>> -> memref<528xi32, #tpu.memory_space<hbm>>
      %dma_start3A_244 = arith.constant 0 : i32
      %dma_start3A_245 = tpu.memref_slice %arg5[%select_n3A, %dma_start3A_244] : memref<4x528xi32, #tpu.memory_space<hbm>> -> memref<1x528xi32, #tpu.memory_space<hbm>>
      %dma_start3A_246 = tpu.memref_squeeze %dma_start3A_245 : memref<1x528xi32, #tpu.memory_space<hbm>> -> memref<528xi32, #tpu.memory_space<hbm>>
      tpu.enqueue_dma source(%dma_start3A_246 : memref<528xi32, #tpu.memory_space<hbm>>) target(%arg11 : memref<528xi32, #tpu.memory_space<vmem>>) target_semaphore(%run_scoped3A : memref<!tpu.dma_semaphore, #tpu.memory_space<semaphore_mem>>)
      %dma_wait3A_247 = arith.constant 0 : i32
      %dma_wait3A_248 = tpu.memref_slice %arg5[%select_n3A, %dma_wait3A_247] : memref<4x528xi32, #tpu.memory_space<hbm>> -> memref<1x528xi32, #tpu.memory_space<hbm>>
      %dma_wait3A_249 = tpu.memref_squeeze %dma_wait3A_248 : memref<1x528xi32, #tpu.memory_space<hbm>> -> memref<528xi32, #tpu.memory_space<hbm>>
      %dma_wait3A_250 = arith.constant 0 : i32
      %dma_wait3A_251 = tpu.memref_slice %arg5[%select_n3A, %dma_wait3A_250] : memref<4x528xi32, #tpu.memory_space<hbm>> -> memref<1x528xi32, #tpu.memory_space<hbm>>
      %dma_wait3A_252 = tpu.memref_squeeze %dma_wait3A_251 : memref<1x528xi32, #tpu.memory_space<hbm>> -> memref<528xi32, #tpu.memory_space<hbm>>
      tpu.wait_dma2 semaphore(%run_scoped3A : memref<!tpu.dma_semaphore, #tpu.memory_space<semaphore_mem>>) src(%dma_wait3A_252 : memref<528xi32, #tpu.memory_space<hbm>>) dst(%arg11 : memref<528xi32, #tpu.memory_space<vmem>>)
      tpu.yield
    }) : () -> ()
    %iota3A = tpu.iota {dimensions = array<i32: 0>} : vector<16xi32>
    %add3A_33 = arith.constant 0 : i32
    %add3A_34 = arith.addi %mul3A_32, %add3A_33 : i32
    %scan3A = arith.constant 0 : i32
    %scan3A_35 = arith.constant 0 : i32
    %scan3A_36 = arith.constant 32 : i32
    %scan3A_37 = arith.addi %scan3A_35, %scan3A_36 : i32
    %scan3A_38 = arith.constant 1 : i32
    %scan3A_39 = scf.for %scan3A_241 = %scan3A_35 to %scan3A_37 step %scan3A_38 iter_args(%scan3A_242 = %scan3A) -> (i32)  : i32 {
      %mul3A_243 = arith.constant 16 : i32
      %mul3A_244 = arith.muli %scan3A_241, %mul3A_243 : i32
      %get3A = arith.index_cast %mul3A_244 : i32 to index
      %get3A_245 = tpu.vector_load %arg11[%get3A] {strides = array<i32>} : memref<528xi32, #tpu.memory_space<vmem>>, vector<16xi32>,
      %ge3A = vector.broadcast %add3A_34 : i32 to vector<16xi32>
      %ge3A_246 = arith.cmpi sge, %get3A_245, %ge3A : vector<16xi32>
      %add3A_247 = arith.constant 8 : i32
      %add3A_248 = arith.addi %add3A_34, %add3A_247 : i32
      %lt3A_249 = vector.broadcast %add3A_248 : i32 to vector<16xi32>
      %lt3A_250 = arith.cmpi slt, %get3A_245, %lt3A_249 : vector<16xi32>
      %and3A_251 = arith.andi %ge3A_246, %lt3A_250 : vector<16xi1>
      %add3A_252 = arith.constant 0 : i32
      %add3A_253 = arith.addi %add3A_252, %scan3A_242 : i32
      %jit3A_254 = arith.constant 1 : i32
      %jit3A_255 = arith.constant 0 : i32
      %broadcast_in_dim3A_256 = vector.broadcast %jit3A_254 : i32 to vector<16xi32>
      %broadcast_in_dim3A_257 = vector.broadcast %jit3A_255 : i32 to vector<16xi32>
      %select_n3A_258 = arith.select %and3A_251, %broadcast_in_dim3A_256, %broadcast_in_dim3A_257 : vector<16xi1>, vector<16xi32>
      %broadcast_in_dim3A_259 = arith.constant true
      %broadcast_in_dim3A_260 = vector.broadcast %broadcast_in_dim3A_259 : i1 to vector<16xi1>
      %masked_cumsum3A = tpu.scan <sum>, %select_n3A_258 masked %broadcast_in_dim3A_260 : vector<16xi32>, vector<16xi1> -> vector<16xi32>
      %add3A_261 = vector.broadcast %add3A_253 : i32 to vector<16xi32>
      %add3A_262 = arith.addi %add3A_261, %masked_cumsum3A : vector<16xi32>
      %sub3A_263 = arith.constant 1 : i32
      %sub3A_264 = vector.broadcast %sub3A_263 : i32 to vector<16xi32>
      %sub3A_265 = arith.subi %add3A_262, %sub3A_264 : vector<16xi32>
      %mul3A_266 = arith.constant 16 : i32
      %mul3A_267 = arith.muli %scan3A_241, %mul3A_266 : i32
      %add3A_268 = vector.broadcast %mul3A_267 : i32 to vector<16xi32>
      %add3A_269 = arith.addi %add3A_268, %iota3A : vector<16xi32>
      tpu.vector_store_idx %arg12[%sub3A_265], %add3A_269 masked %and3A_251 : memref<1056xi32, #tpu.memory_space<vmem>>[vector<16xi32>], vector<16xi32>, vector<16xi1>
      %all_reduce_population_count3A = tpu.all_reduce %and3A_251 {dim = 0 : i64, kind = #tpu.reduction_kind<sum>} : vector<16xi1> -> vector<16xi32>
      %slice3A = vector.extract_strided_slice %all_reduce_population_count3A {offsets = [0], sizes = [1], strides = [1]} : vector<16xi32> to vector<1xi32>
      %squeeze3A = vector.extract %slice3A[0] : i32 from vector<1xi32>
      %add3A_270 = arith.addi %scan3A_242, %squeeze3A : i32
      scf.yield %add3A_270 : i32
    }
    %scan3A_40 = arith.constant 32 : i32
    %broadcast_in_dim3A = arith.constant 512 : i32
    %broadcast_in_dim3A_41 = vector.broadcast %broadcast_in_dim3A : i32 to vector<16xi32>
    %add3A_42 = arith.constant 0 : i32
    %add3A_43 = arith.addi %add3A_42, %scan3A_39 : i32
    %swap3A = arith.index_cast %add3A_43 : i32 to index
    %swap3A_44 = tpu.vector_load %arg12[%swap3A] {strides = array<i32>} : memref<1056xi32, #tpu.memory_space<vmem>>, vector<16xi32>,
    tpu.vector_store %arg12[%swap3A], %broadcast_in_dim3A_41 {strides = array<i32>} : memref<1056xi32, #tpu.memory_space<vmem>>, vector<16xi32>,
    %add3A_45 = arith.constant 15 : i32
    %add3A_46 = arith.addi %scan3A_39, %add3A_45 : i32
    %jit3A_47 = arith.constant 16 : i32
    %div3A_48 = arith.divsi %add3A_46, %jit3A_47 : i32
    %sign3A_49 = arith.constant 0 : i32
    %sign3A_50 = arith.cmpi sgt, %add3A_46, %sign3A_49 : i32
    %sign3A_51 = arith.extui %sign3A_50 : i1 to i32
    %sign3A_52 = arith.constant 0 : i32
    %sign3A_53 = arith.cmpi slt, %add3A_46, %sign3A_52 : i32
    %sign3A_54 = arith.extui %sign3A_53 : i1 to i32
    %sign3A_55 = arith.subi %sign3A_51, %sign3A_54 : i32
    %sign3A_56 = arith.constant 0 : i32
    %sign3A_57 = arith.cmpi sgt, %jit3A_47, %sign3A_56 : i32
    %sign3A_58 = arith.extui %sign3A_57 : i1 to i32
    %sign3A_59 = arith.constant 0 : i32
    %sign3A_60 = arith.cmpi slt, %jit3A_47, %sign3A_59 : i32
    %sign3A_61 = arith.extui %sign3A_60 : i1 to i32
    %sign3A_62 = arith.subi %sign3A_58, %sign3A_61 : i32
    %ne3A_63 = arith.cmpi ne, %sign3A_55, %sign3A_62 : i32
    %rem3A_64 = arith.remsi %add3A_46, %jit3A_47 : i32
    %ne3A_65 = arith.constant 0 : i32
    %ne3A_66 = arith.cmpi ne, %rem3A_64, %ne3A_65 : i32
    %and3A_67 = arith.andi %ne3A_63, %ne3A_66 : i1
    %sub3A_68 = arith.constant 1 : i32
    %sub3A_69 = arith.subi %div3A_48, %sub3A_68 : i32
    %select_n3A_70 = arith.select %and3A_67, %sub3A_69, %div3A_48 : i32
    %add3A_71 = arith.constant 8 : i32
    %add3A_72 = arith.addi %mul3A_32, %add3A_71 : i32
    %scan3A_73 = arith.constant 0 : i32
    %scan3A_74 = arith.constant 0 : i32
    %scan3A_75 = arith.constant 32 : i32
    %scan3A_76 = arith.addi %scan3A_74, %scan3A_75 : i32
    %scan3A_77 = arith.constant 1 : i32
    %scan3A_78 = scf.for %scan3A_241 = %scan3A_74 to %scan3A_76 step %scan3A_77 iter_args(%scan3A_242 = %scan3A_73) -> (i32)  : i32 {
      %mul3A_243 = arith.constant 16 : i32
      %mul3A_244 = arith.muli %scan3A_241, %mul3A_243 : i32
      %get3A = arith.index_cast %mul3A_244 : i32 to index
      %get3A_245 = tpu.vector_load %arg11[%get3A] {strides = array<i32>} : memref<528xi32, #tpu.memory_space<vmem>>, vector<16xi32>,
      %ge3A = vector.broadcast %add3A_72 : i32 to vector<16xi32>
      %ge3A_246 = arith.cmpi sge, %get3A_245, %ge3A : vector<16xi32>
      %add3A_247 = arith.constant 8 : i32
      %add3A_248 = arith.addi %add3A_72, %add3A_247 : i32
      %lt3A_249 = vector.broadcast %add3A_248 : i32 to vector<16xi32>
      %lt3A_250 = arith.cmpi slt, %get3A_245, %lt3A_249 : vector<16xi32>
      %and3A_251 = arith.andi %ge3A_246, %lt3A_250 : vector<16xi1>
      %add3A_252 = arith.constant 528 : i32
      %add3A_253 = arith.addi %add3A_252, %scan3A_242 : i32
      %jit3A_254 = arith.constant 1 : i32
      %jit3A_255 = arith.constant 0 : i32
      %broadcast_in_dim3A_256 = vector.broadcast %jit3A_254 : i32 to vector<16xi32>
      %broadcast_in_dim3A_257 = vector.broadcast %jit3A_255 : i32 to vector<16xi32>
      %select_n3A_258 = arith.select %and3A_251, %broadcast_in_dim3A_256, %broadcast_in_dim3A_257 : vector<16xi1>, vector<16xi32>
      %broadcast_in_dim3A_259 = arith.constant true
      %broadcast_in_dim3A_260 = vector.broadcast %broadcast_in_dim3A_259 : i1 to vector<16xi1>
      %masked_cumsum3A = tpu.scan <sum>, %select_n3A_258 masked %broadcast_in_dim3A_260 : vector<16xi32>, vector<16xi1> -> vector<16xi32>
      %add3A_261 = vector.broadcast %add3A_253 : i32 to vector<16xi32>
      %add3A_262 = arith.addi %add3A_261, %masked_cumsum3A : vector<16xi32>
      %sub3A_263 = arith.constant 1 : i32
      %sub3A_264 = vector.broadcast %sub3A_263 : i32 to vector<16xi32>
      %sub3A_265 = arith.subi %add3A_262, %sub3A_264 : vector<16xi32>
      %mul3A_266 = arith.constant 16 : i32
      %mul3A_267 = arith.muli %scan3A_241, %mul3A_266 : i32
      %add3A_268 = vector.broadcast %mul3A_267 : i32 to vector<16xi32>
      %add3A_269 = arith.addi %add3A_268, %iota3A : vector<16xi32>
      tpu.vector_store_idx %arg12[%sub3A_265], %add3A_269 masked %and3A_251 : memref<1056xi32, #tpu.memory_space<vmem>>[vector<16xi32>], vector<16xi32>, vector<16xi1>
      %all_reduce_population_count3A = tpu.all_reduce %and3A_251 {dim = 0 : i64, kind = #tpu.reduction_kind<sum>} : vector<16xi1> -> vector<16xi32>
      %slice3A = vector.extract_strided_slice %all_reduce_population_count3A {offsets = [0], sizes = [1], strides = [1]} : vector<16xi32> to vector<1xi32>
      %squeeze3A = vector.extract %slice3A[0] : i32 from vector<1xi32>
      %add3A_270 = arith.addi %scan3A_242, %squeeze3A : i32
      scf.yield %add3A_270 : i32
    }
    %scan3A_79 = arith.constant 32 : i32
    %broadcast_in_dim3A_80 = arith.constant 512 : i32
    %broadcast_in_dim3A_81 = vector.broadcast %broadcast_in_dim3A_80 : i32 to vector<16xi32>
    %add3A_82 = arith.constant 528 : i32
    %add3A_83 = arith.addi %add3A_82, %scan3A_78 : i32
    %swap3A_84 = arith.index_cast %add3A_83 : i32 to index
    %swap3A_85 = tpu.vector_load %arg12[%swap3A_84] {strides = array<i32>} : memref<1056xi32, #tpu.memory_space<vmem>>, vector<16xi32>,
    tpu.vector_store %arg12[%swap3A_84], %broadcast_in_dim3A_81 {strides = array<i32>} : memref<1056xi32, #tpu.memory_space<vmem>>, vector<16xi32>,
    %add3A_86 = arith.constant 15 : i32
    %add3A_87 = arith.addi %scan3A_78, %add3A_86 : i32
    %jit3A_88 = arith.constant 16 : i32
    %div3A_89 = arith.divsi %add3A_87, %jit3A_88 : i32
    %sign3A_90 = arith.constant 0 : i32
    %sign3A_91 = arith.cmpi sgt, %add3A_87, %sign3A_90 : i32
    %sign3A_92 = arith.extui %sign3A_91 : i1 to i32
    %sign3A_93 = arith.constant 0 : i32
    %sign3A_94 = arith.cmpi slt, %add3A_87, %sign3A_93 : i32
    %sign3A_95 = arith.extui %sign3A_94 : i1 to i32
    %sign3A_96 = arith.subi %sign3A_92, %sign3A_95 : i32
    %sign3A_97 = arith.constant 0 : i32
    %sign3A_98 = arith.cmpi sgt, %jit3A_88, %sign3A_97 : i32
    %sign3A_99 = arith.extui %sign3A_98 : i1 to i32
    %sign3A_100 = arith.constant 0 : i32
    %sign3A_101 = arith.cmpi slt, %jit3A_88, %sign3A_100 : i32
    %sign3A_102 = arith.extui %sign3A_101 : i1 to i32
    %sign3A_103 = arith.subi %sign3A_99, %sign3A_102 : i32
    %ne3A_104 = arith.cmpi ne, %sign3A_96, %sign3A_103 : i32
    %rem3A_105 = arith.remsi %add3A_87, %jit3A_88 : i32
    %ne3A_106 = arith.constant 0 : i32
    %ne3A_107 = arith.cmpi ne, %rem3A_105, %ne3A_106 : i32
    %and3A_108 = arith.andi %ne3A_104, %ne3A_107 : i1
    %sub3A_109 = arith.constant 1 : i32
    %sub3A_110 = arith.subi %div3A_89, %sub3A_109 : i32
    %select_n3A_111 = arith.select %and3A_108, %sub3A_110, %div3A_89 : i32
    %add3A_112 = arith.constant 0 : i32
    %add3A_113 = arith.addi %mul3A_32, %add3A_112 : i32
    tpu.wait_dma2 semaphore(%arg17 : memref<!tpu.dma_semaphore, #tpu.memory_space<semaphore_mem>>) src(%arg6 : memref<8x4134xf32, #tpu.memory_space<hbm>>) dst(%arg13 : memref<8x4134xf32, #tpu.memory_space<vmem>>)
    tpu.wait_dma2 semaphore(%arg17 : memref<!tpu.dma_semaphore, #tpu.memory_space<semaphore_mem>>) src(%arg6 : memref<8x4134xf32, #tpu.memory_space<hbm>>) dst(%arg14 : memref<8x4134xf32, #tpu.memory_space<vmem>>)
    tpu.wait_dma2 semaphore(%arg17 : memref<!tpu.dma_semaphore, #tpu.memory_space<semaphore_mem>>) src(%arg6 : memref<8x4134xf32, #tpu.memory_space<hbm>>) dst(%arg15 : memref<8x4134xf32, #tpu.memory_space<vmem>>)
    %while3A = arith.constant 0 : i32
    %while3A_114 = arith.constant 0 : i32
    %while3A_115 = arith.subi %select_n3A_70, %while3A : i32
    %while3A_116 = arith.addi %while3A, %while3A_115 : i32
    %while3A_117 = arith.constant 1 : i32
    %while3A_118 = arith.divsi %while3A_115, %while3A_117 : i32
    %while3A_119 = arith.muli %while3A_118, %while3A_117 : i32
    %while3A_120 = arith.addi %while3A, %while3A_119 : i32
    %while3A_121 = arith.constant 1 : i32
    %while3A_122 = scf.for %while3A_241 = %while3A to %while3A_120 step %while3A_121 iter_args(%while3A_242 = %while3A_114) -> (i32)  : i32 {
      %mul3A_243 = arith.constant 16 : i32
      %mul3A_244 = arith.muli %while3A_241, %mul3A_243 : i32
      %add3A_245 = arith.constant 0 : i32
      %add3A_246 = arith.addi %add3A_245, %mul3A_244 : i32
      %get3A = arith.index_cast %add3A_246 : i32 to index
      %get3A_247 = tpu.vector_load %arg12[%get3A] {strides = array<i32>} : memref<1056xi32, #tpu.memory_space<vmem>>, vector<16xi32>,
      %gather3A = tpu.vector_load_idx %arg8[%get3A_247] : memref<528xf32, #tpu.memory_space<vmem>>[vector<16xi32>], vector<16xf32>,
      %gather3A_248 = tpu.vector_load_idx %arg9[%get3A_247] : memref<528xf32, #tpu.memory_space<vmem>>[vector<16xi32>], vector<16xf32>,
      %gather3A_249 = tpu.vector_load_idx %arg10[%get3A_247] : memref<528xf32, #tpu.memory_space<vmem>>[vector<16xi32>], vector<16xf32>,
      %gather3A_250 = tpu.vector_load_idx %arg11[%get3A_247] : memref<528xi32, #tpu.memory_space<vmem>>[vector<16xi32>], vector<16xi32>,
      %convert_element_type3A = arith.fptosi %gather3A : vector<16xf32> to vector<16xi32>
      %convert_element_type3A_251 = arith.fptosi %gather3A_248 : vector<16xf32> to vector<16xi32>
      %convert_element_type3A_252 = arith.sitofp %convert_element_type3A_251 : vector<16xi32> to vector<16xf32>
      %lt3A_253 = arith.cmpf olt, %convert_element_type3A_252, %gather3A_248 : vector<16xf32>
      %jit3A_254 = arith.constant 1 : i32
      %jit3A_255 = arith.constant 0 : i32
      %broadcast_in_dim3A_256 = vector.broadcast %jit3A_254 : i32 to vector<16xi32>
      %broadcast_in_dim3A_257 = vector.broadcast %jit3A_255 : i32 to vector<16xi32>
      %select_n3A_258 = arith.select %lt3A_253, %broadcast_in_dim3A_256, %broadcast_in_dim3A_257 : vector<16xi1>, vector<16xi32>
      %add3A_259 = arith.addi %convert_element_type3A_251, %select_n3A_258 : vector<16xi32>
      %convert_element_type3A_260 = arith.sitofp %convert_element_type3A : vector<16xi32> to vector<16xf32>
      %convert_element_type3A_261 = arith.sitofp %add3A_259 : vector<16xi32> to vector<16xf32>
      %min3A = arith.constant 4.134000e+03 : f32
      %min3A_262 = vector.broadcast %min3A : f32 to vector<16xf32>
      %min3A_263 = arith.minimumf %convert_element_type3A_261, %min3A_262 : vector<16xf32>
      %sub3A_264 = arith.constant 6 : i32
      %sub3A_265 = vector.broadcast %sub3A_264 : i32 to vector<16xi32>
      %sub3A_266 = arith.subi %convert_element_type3A, %sub3A_265 : vector<16xi32>
      %max3A = arith.constant 0 : i32
      %max3A_267 = vector.broadcast %max3A : i32 to vector<16xi32>
      %max3A_268 = arith.maxsi %sub3A_266, %max3A_267 : vector<16xi32>
      %and3A_269 = arith.constant -16 : i32
      %and3A_270 = vector.broadcast %and3A_269 : i32 to vector<16xi32>
      %and3A_271 = arith.andi %max3A_268, %and3A_270 : vector<16xi32>
      %add3A_272 = arith.constant 7 : i32
      %add3A_273 = vector.broadcast %add3A_272 : i32 to vector<16xi32>
      %add3A_274 = arith.addi %add3A_259, %add3A_273 : vector<16xi32>
      %min3A_275 = arith.constant 4134 : i32
      %min3A_276 = vector.broadcast %min3A_275 : i32 to vector<16xi32>
      %min3A_277 = arith.minsi %add3A_274, %min3A_276 : vector<16xi32>
      %sub3A_278 = vector.broadcast %add3A_113 : i32 to vector<16xi32>
      %sub3A_279 = arith.subi %gather3A_250, %sub3A_278 : vector<16xi32>
      %scan3A_280 = arith.constant 0 : i32
      %scan3A_281 = arith.constant 0 : i32
      %scan3A_282 = arith.constant 16 : i32
      %scan3A_283 = arith.addi %scan3A_281, %scan3A_282 : i32
      %scan3A_284 = arith.constant 1 : i32
      %scan3A_285 = scf.for %scan3A_288 = %scan3A_281 to %scan3A_283 step %scan3A_284 iter_args(%scan3A_289 = %scan3A_280) -> (i32)  : i32 {
        %broadcast_in_dim3A_290 = arith.constant 0 : i32
        %broadcast_in_dim3A_291 = vector.broadcast %broadcast_in_dim3A_290 : i32 to vector<16xi32>
        %add3A_292 = vector.broadcast %scan3A_288 : i32 to vector<16xi32>
        %add3A_293 = arith.addi %broadcast_in_dim3A_291, %add3A_292 : vector<16xi32>
        %eq3A_294 = vector.broadcast %scan3A_288 : i32 to vector<16xi32>
        %eq3A_295 = arith.cmpi eq, %iota3A, %eq3A_294 : vector<16xi32>
        %broadcast_in_dim3A_296 = vector.shape_cast %add3A_293 : vector<16xi32> to vector<16x1xi32>
        %gather3A_297 = vector.shape_cast %broadcast_in_dim3A_296 : vector<16x1xi32> to vector<16xi32>
        %gather3A_298 = tpu.dynamic_gather %gather3A[%gather3A_297] in [0] : vector<16xf32>, vector<16xi32> -> vector<16xf32>
        %broadcast_in_dim3A_299 = vector.shape_cast %add3A_293 : vector<16xi32> to vector<16x1xi32>
        %gather3A_300 = vector.shape_cast %broadcast_in_dim3A_299 : vector<16x1xi32> to vector<16xi32>
        %gather3A_301 = tpu.dynamic_gather %gather3A_248[%gather3A_300] in [0] : vector<16xf32>, vector<16xi32> -> vector<16xf32>
        %broadcast_in_dim3A_302 = vector.shape_cast %add3A_293 : vector<16xi32> to vector<16x1xi32>
        %gather3A_303 = vector.shape_cast %broadcast_in_dim3A_302 : vector<16x1xi32> to vector<16xi32>
        %gather3A_304 = tpu.dynamic_gather %gather3A_249[%gather3A_303] in [0] : vector<16xf32>, vector<16xi32> -> vector<16xf32>
        %broadcast_in_dim3A_305 = vector.shape_cast %add3A_293 : vector<16xi32> to vector<16x1xi32>
        %gather3A_306 = vector.shape_cast %broadcast_in_dim3A_305 : vector<16x1xi32> to vector<16xi32>
        %gather3A_307 = tpu.dynamic_gather %convert_element_type3A_260[%gather3A_306] in [0] : vector<16xf32>, vector<16xi32> -> vector<16xf32>
        %broadcast_in_dim3A_308 = vector.shape_cast %add3A_293 : vector<16xi32> to vector<16x1xi32>
        %gather3A_309 = vector.shape_cast %broadcast_in_dim3A_308 : vector<16x1xi32> to vector<16xi32>
        %gather3A_310 = tpu.dynamic_gather %min3A_263[%gather3A_309] in [0] : vector<16xf32>, vector<16xi32> -> vector<16xf32>
        %jit3A_311 = arith.constant 0 : i32
        %broadcast_in_dim3A_312 = vector.broadcast %jit3A_311 : i32 to vector<16xi32>
        %select_n3A_313 = arith.select %eq3A_295, %and3A_271, %broadcast_in_dim3A_312 : vector<16xi1>, vector<16xi32>
        %reduce_sum3A = arith.constant true
        %reduce_sum3A_314 = vector.broadcast %reduce_sum3A : i1 to vector<16xi1>
        %reduce_sum3A_315 = tpu.scan <sum>, %select_n3A_313 masked %reduce_sum3A_314 : vector<16xi32>, vector<16xi1> -> vector<16xi32>
        %reduce_sum3A_316 = vector.extract %reduce_sum3A_315[15] : i32 from vector<16xi32>
        %jit3A_317 = arith.constant 0 : i32
        %broadcast_in_dim3A_318 = vector.broadcast %jit3A_317 : i32 to vector<16xi32>
        %select_n3A_319 = arith.select %eq3A_295, %min3A_277, %broadcast_in_dim3A_318 : vector<16xi1>, vector<16xi32>
        %reduce_sum3A_320 = arith.constant true
        %reduce_sum3A_321 = vector.broadcast %reduce_sum3A_320 : i1 to vector<16xi1>
        %reduce_sum3A_322 = tpu.scan <sum>, %select_n3A_319 masked %reduce_sum3A_321 : vector<16xi32>, vector<16xi1> -> vector<16xi32>
        %reduce_sum3A_323 = vector.extract %reduce_sum3A_322[15] : i32 from vector<16xi32>
        %jit3A_324 = arith.constant 0 : i32
        %broadcast_in_dim3A_325 = vector.broadcast %jit3A_324 : i32 to vector<16xi32>
        %select_n3A_326 = arith.select %eq3A_295, %sub3A_279, %broadcast_in_dim3A_325 : vector<16xi1>, vector<16xi32>
        %reduce_sum3A_327 = arith.constant true
        %reduce_sum3A_328 = vector.broadcast %reduce_sum3A_327 : i1 to vector<16xi1>
        %reduce_sum3A_329 = tpu.scan <sum>, %select_n3A_326 masked %reduce_sum3A_328 : vector<16xi32>, vector<16xi1> -> vector<16xi32>
        %reduce_sum3A_330 = vector.extract %reduce_sum3A_329[15] : i32 from vector<16xi32>
        %sub3A_331 = arith.subi %reduce_sum3A_323, %reduce_sum3A_316 : i32
        %max3A_332 = arith.constant 0 : i32
        %max3A_333 = arith.maxsi %sub3A_331, %max3A_332 : i32
        %add3A_334 = arith.constant 15 : i32
        %add3A_335 = arith.addi %max3A_333, %add3A_334 : i32
        %jit3A_336 = arith.constant 16 : i32
        %div3A_337 = arith.divsi %add3A_335, %jit3A_336 : i32
        %sign3A_338 = arith.constant 0 : i32
        %sign3A_339 = arith.cmpi sgt, %add3A_335, %sign3A_338 : i32
        %sign3A_340 = arith.extui %sign3A_339 : i1 to i32
        %sign3A_341 = arith.constant 0 : i32
        %sign3A_342 = arith.cmpi slt, %add3A_335, %sign3A_341 : i32
        %sign3A_343 = arith.extui %sign3A_342 : i1 to i32
        %sign3A_344 = arith.subi %sign3A_340, %sign3A_343 : i32
        %sign3A_345 = arith.constant 0 : i32
        %sign3A_346 = arith.cmpi sgt, %jit3A_336, %sign3A_345 : i32
        %sign3A_347 = arith.extui %sign3A_346 : i1 to i32
        %sign3A_348 = arith.constant 0 : i32
        %sign3A_349 = arith.cmpi slt, %jit3A_336, %sign3A_348 : i32
        %sign3A_350 = arith.extui %sign3A_349 : i1 to i32
        %sign3A_351 = arith.subi %sign3A_347, %sign3A_350 : i32
        %ne3A_352 = arith.cmpi ne, %sign3A_344, %sign3A_351 : i32
        %rem3A_353 = arith.remsi %add3A_335, %jit3A_336 : i32
        %ne3A_354 = arith.constant 0 : i32
        %ne3A_355 = arith.cmpi ne, %rem3A_353, %ne3A_354 : i32
        %and3A_356 = arith.andi %ne3A_352, %ne3A_355 : i1
        %sub3A_357 = arith.constant 1 : i32
        %sub3A_358 = arith.subi %div3A_337, %sub3A_357 : i32
        %select_n3A_359 = arith.select %and3A_356, %sub3A_358, %div3A_337 : i32
        %while3A_360 = arith.constant 0 : i32
        %while3A_361 = arith.constant 0 : i32
        %while3A_362 = arith.subi %select_n3A_359, %while3A_360 : i32
        %while3A_363 = arith.addi %while3A_360, %while3A_362 : i32
        %while3A_364 = arith.constant 1 : i32
        %while3A_365 = arith.divsi %while3A_362, %while3A_364 : i32
        %while3A_366 = arith.muli %while3A_365, %while3A_364 : i32
        %while3A_367 = arith.addi %while3A_360, %while3A_366 : i32
        %while3A_368 = arith.constant 1 : i32
        %while3A_369 = scf.for %while3A_373 = %while3A_360 to %while3A_367 step %while3A_368 iter_args(%while3A_374 = %while3A_361) -> (i32)  : i32 {
          %mul3A_375 = arith.constant 16 : i32
          %mul3A_376 = arith.muli %while3A_373, %mul3A_375 : i32
          %add3A_377 = arith.addi %reduce_sum3A_316, %mul3A_376 : i32
          %add3A_378 = vector.broadcast %add3A_377 : i32 to vector<16xi32>
          %add3A_379 = arith.addi %add3A_378, %iota3A : vector<16xi32>
          %convert_element_type3A_380 = arith.sitofp %add3A_379 : vector<16xi32> to vector<16xf32>
          %sub3A_381 = arith.subf %convert_element_type3A_380, %gather3A_298 : vector<16xf32>
          %mul3A_382 = arith.constant 2.01580381 : f32
          %mul3A_383 = vector.broadcast %mul3A_382 : f32 to vector<16xf32>
          %mul3A_384 = arith.mulf %sub3A_381, %mul3A_383 : vector<16xf32>
          %mul3A_385 = arith.constant -5.000000e-01 : f32
          %mul3A_386 = vector.broadcast %mul3A_385 : f32 to vector<16xf32>
          %mul3A_387 = arith.mulf %mul3A_386, %mul3A_384 : vector<16xf32>
          %mul3A_388 = arith.mulf %mul3A_387, %mul3A_384 : vector<16xf32>
          %exp3A = math.exp %mul3A_388 : vector<16xf32>
          %mul3A_389 = arith.mulf %exp3A, %gather3A_304 : vector<16xf32>
          %ge3A = arith.cmpf oge, %convert_element_type3A_380, %gather3A_307 : vector<16xf32>
          %lt3A_390 = arith.cmpf olt, %convert_element_type3A_380, %gather3A_310 : vector<16xf32>
          %and3A_391 = arith.andi %ge3A, %lt3A_390 : vector<16xi1>
          %jit3A_392 = arith.constant 1.000000e+00 : f32
          %jit3A_393 = arith.constant 0.000000e+00 : f32
          %broadcast_in_dim3A_394 = vector.broadcast %jit3A_392 : f32 to vector<16xf32>
          %broadcast_in_dim3A_395 = vector.broadcast %jit3A_393 : f32 to vector<16xf32>
          %select_n3A_396 = arith.select %and3A_391, %broadcast_in_dim3A_394, %broadcast_in_dim3A_395 : vector<16xi1>, vector<16xf32>
          %sub3A_397 = arith.subf %convert_element_type3A_380, %gather3A_301 : vector<16xf32>
          %mul3A_398 = arith.constant 2.01580381 : f32
          %mul3A_399 = vector.broadcast %mul3A_398 : f32 to vector<16xf32>
          %mul3A_400 = arith.mulf %sub3A_397, %mul3A_399 : vector<16xf32>
          %ge3A_401 = arith.cmpf oge, %convert_element_type3A_380, %gather3A_301 : vector<16xf32>
          %mul3A_402 = arith.constant -5.000000e-01 : f32
          %mul3A_403 = vector.broadcast %mul3A_402 : f32 to vector<16xf32>
          %mul3A_404 = arith.mulf %mul3A_403, %mul3A_400 : vector<16xf32>
          %mul3A_405 = arith.mulf %mul3A_404, %mul3A_400 : vector<16xf32>
          %exp3A_406 = math.exp %mul3A_405 : vector<16xf32>
          %mul3A_407 = arith.constant 1.000000e-01 : f32
          %mul3A_408 = vector.broadcast %mul3A_407 : f32 to vector<16xf32>
          %mul3A_409 = arith.mulf %exp3A_406, %mul3A_408 : vector<16xf32>
          %jit3A_410 = arith.constant 0.000000e+00 : f32
          %broadcast_in_dim3A_411 = vector.broadcast %jit3A_410 : f32 to vector<16xf32>
          %select_n3A_412 = arith.select %ge3A_401, %mul3A_409, %broadcast_in_dim3A_411 : vector<16xi1>, vector<16xf32>
          %add3A_413 = arith.addf %select_n3A_396, %select_n3A_412 : vector<16xf32>
          %mul3A_414 = arith.mulf %add3A_413, %gather3A_304 : vector<16xf32>
          %swap3A_415 = arith.index_cast %reduce_sum3A_330 : i32 to index
          %swap3A_416 = arith.index_cast %add3A_377 : i32 to index
          %swap3A_417 = tpu.vector_load %arg13[%swap3A_415, %swap3A_416] {strides = array<i32>} : memref<8x4134xf32, #tpu.memory_space<vmem>>, vector<16xf32>,
          tpu.vector_store %arg13[%swap3A_415, %swap3A_416], %mul3A_389 {add = true, strides = array<i32>} : memref<8x4134xf32, #tpu.memory_space<vmem>>, vector<16xf32>,
          %swap3A_418 = arith.index_cast %reduce_sum3A_330 : i32 to index
          %swap3A_419 = arith.index_cast %add3A_377 : i32 to index
          %swap3A_420 = tpu.vector_load %arg14[%swap3A_418, %swap3A_419] {strides = array<i32>} : memref<8x4134xf32, #tpu.memory_space<vmem>>, vector<16xf32>,
          tpu.vector_store %arg14[%swap3A_418, %swap3A_419], %add3A_413 {add = true, strides = array<i32>} : memref<8x4134xf32, #tpu.memory_space<vmem>>, vector<16xf32>,
          %swap3A_421 = arith.index_cast %reduce_sum3A_330 : i32 to index
          %swap3A_422 = arith.index_cast %add3A_377 : i32 to index
          %swap3A_423 = tpu.vector_load %arg15[%swap3A_421, %swap3A_422] {strides = array<i32>} : memref<8x4134xf32, #tpu.memory_space<vmem>>, vector<16xf32>,
          tpu.vector_store %arg15[%swap3A_421, %swap3A_422], %mul3A_414 {add = true, strides = array<i32>} : memref<8x4134xf32, #tpu.memory_space<vmem>>, vector<16xf32>,
          %while3A_424 = arith.constant 0 : i32
          scf.yield %while3A_424 : i32
        }
        %while3A_370 = arith.constant 1 : i32
        %while3A_371 = scf.for %while3A_373 = %while3A_367 to %while3A_363 step %while3A_370 iter_args(%while3A_374 = %while3A_369) -> (i32)  : i32 {
          %mul3A_375 = arith.constant 16 : i32
          %mul3A_376 = arith.muli %while3A_373, %mul3A_375 : i32
          %add3A_377 = arith.addi %reduce_sum3A_316, %mul3A_376 : i32
          %add3A_378 = vector.broadcast %add3A_377 : i32 to vector<16xi32>
          %add3A_379 = arith.addi %add3A_378, %iota3A : vector<16xi32>
          %convert_element_type3A_380 = arith.sitofp %add3A_379 : vector<16xi32> to vector<16xf32>
          %sub3A_381 = arith.subf %convert_element_type3A_380, %gather3A_298 : vector<16xf32>
          %mul3A_382 = arith.constant 2.01580381 : f32
          %mul3A_383 = vector.broadcast %mul3A_382 : f32 to vector<16xf32>
          %mul3A_384 = arith.mulf %sub3A_381, %mul3A_383 : vector<16xf32>
          %mul3A_385 = arith.constant -5.000000e-01 : f32
          %mul3A_386 = vector.broadcast %mul3A_385 : f32 to vector<16xf32>
          %mul3A_387 = arith.mulf %mul3A_386, %mul3A_384 : vector<16xf32>
          %mul3A_388 = arith.mulf %mul3A_387, %mul3A_384 : vector<16xf32>
          %exp3A = math.exp %mul3A_388 : vector<16xf32>
          %mul3A_389 = arith.mulf %exp3A, %gather3A_304 : vector<16xf32>
          %ge3A = arith.cmpf oge, %convert_element_type3A_380, %gather3A_307 : vector<16xf32>
          %lt3A_390 = arith.cmpf olt, %convert_element_type3A_380, %gather3A_310 : vector<16xf32>
          %and3A_391 = arith.andi %ge3A, %lt3A_390 : vector<16xi1>
          %jit3A_392 = arith.constant 1.000000e+00 : f32
          %jit3A_393 = arith.constant 0.000000e+00 : f32
          %broadcast_in_dim3A_394 = vector.broadcast %jit3A_392 : f32 to vector<16xf32>
          %broadcast_in_dim3A_395 = vector.broadcast %jit3A_393 : f32 to vector<16xf32>
          %select_n3A_396 = arith.select %and3A_391, %broadcast_in_dim3A_394, %broadcast_in_dim3A_395 : vector<16xi1>, vector<16xf32>
          %sub3A_397 = arith.subf %convert_element_type3A_380, %gather3A_301 : vector<16xf32>
          %mul3A_398 = arith.constant 2.01580381 : f32
          %mul3A_399 = vector.broadcast %mul3A_398 : f32 to vector<16xf32>
          %mul3A_400 = arith.mulf %sub3A_397, %mul3A_399 : vector<16xf32>
          %ge3A_401 = arith.cmpf oge, %convert_element_type3A_380, %gather3A_301 : vector<16xf32>
          %mul3A_402 = arith.constant -5.000000e-01 : f32
          %mul3A_403 = vector.broadcast %mul3A_402 : f32 to vector<16xf32>
          %mul3A_404 = arith.mulf %mul3A_403, %mul3A_400 : vector<16xf32>
          %mul3A_405 = arith.mulf %mul3A_404, %mul3A_400 : vector<16xf32>
          %exp3A_406 = math.exp %mul3A_405 : vector<16xf32>
          %mul3A_407 = arith.constant 1.000000e-01 : f32
          %mul3A_408 = vector.broadcast %mul3A_407 : f32 to vector<16xf32>
          %mul3A_409 = arith.mulf %exp3A_406, %mul3A_408 : vector<16xf32>
          %jit3A_410 = arith.constant 0.000000e+00 : f32
          %broadcast_in_dim3A_411 = vector.broadcast %jit3A_410 : f32 to vector<16xf32>
          %select_n3A_412 = arith.select %ge3A_401, %mul3A_409, %broadcast_in_dim3A_411 : vector<16xi1>, vector<16xf32>
          %add3A_413 = arith.addf %select_n3A_396, %select_n3A_412 : vector<16xf32>
          %mul3A_414 = arith.mulf %add3A_413, %gather3A_304 : vector<16xf32>
          %swap3A_415 = arith.index_cast %reduce_sum3A_330 : i32 to index
          %swap3A_416 = arith.index_cast %add3A_377 : i32 to index
          %swap3A_417 = tpu.vector_load %arg13[%swap3A_415, %swap3A_416] {strides = array<i32>} : memref<8x4134xf32, #tpu.memory_space<vmem>>, vector<16xf32>,
          tpu.vector_store %arg13[%swap3A_415, %swap3A_416], %mul3A_389 {add = true, strides = array<i32>} : memref<8x4134xf32, #tpu.memory_space<vmem>>, vector<16xf32>,
          %swap3A_418 = arith.index_cast %reduce_sum3A_330 : i32 to index
          %swap3A_419 = arith.index_cast %add3A_377 : i32 to index
          %swap3A_420 = tpu.vector_load %arg14[%swap3A_418, %swap3A_419] {strides = array<i32>} : memref<8x4134xf32, #tpu.memory_space<vmem>>, vector<16xf32>,
          tpu.vector_store %arg14[%swap3A_418, %swap3A_419], %add3A_413 {add = true, strides = array<i32>} : memref<8x4134xf32, #tpu.memory_space<vmem>>, vector<16xf32>,
          %swap3A_421 = arith.index_cast %reduce_sum3A_330 : i32 to index
          %swap3A_422 = arith.index_cast %add3A_377 : i32 to index
          %swap3A_423 = tpu.vector_load %arg15[%swap3A_421, %swap3A_422] {strides = array<i32>} : memref<8x4134xf32, #tpu.memory_space<vmem>>, vector<16xf32>,
          tpu.vector_store %arg15[%swap3A_421, %swap3A_422], %mul3A_414 {add = true, strides = array<i32>} : memref<8x4134xf32, #tpu.memory_space<vmem>>, vector<16xf32>,
          %while3A_424 = arith.constant 0 : i32
          scf.yield %while3A_424 : i32
        }
        %scan3A_372 = arith.constant 0 : i32
        scf.yield %scan3A_372 : i32
      }
      %scan3A_286 = arith.constant 16 : i32
      %while3A_287 = arith.constant 0 : i32
      scf.yield %while3A_287 : i32
    }
    %while3A_123 = arith.constant 1 : i32
    %while3A_124 = scf.for %while3A_241 = %while3A_120 to %while3A_116 step %while3A_123 iter_args(%while3A_242 = %while3A_122) -> (i32)  : i32 {
      %mul3A_243 = arith.constant 16 : i32
      %mul3A_244 = arith.muli %while3A_241, %mul3A_243 : i32
      %add3A_245 = arith.constant 0 : i32
      %add3A_246 = arith.addi %add3A_245, %mul3A_244 : i32
      %get3A = arith.index_cast %add3A_246 : i32 to index
      %get3A_247 = tpu.vector_load %arg12[%get3A] {strides = array<i32>} : memref<1056xi32, #tpu.memory_space<vmem>>, vector<16xi32>,
      %gather3A = tpu.vector_load_idx %arg8[%get3A_247] : memref<528xf32, #tpu.memory_space<vmem>>[vector<16xi32>], vector<16xf32>,
      %gather3A_248 = tpu.vector_load_idx %arg9[%get3A_247] : memref<528xf32, #tpu.memory_space<vmem>>[vector<16xi32>], vector<16xf32>,
      %gather3A_249 = tpu.vector_load_idx %arg10[%get3A_247] : memref<528xf32, #tpu.memory_space<vmem>>[vector<16xi32>], vector<16xf32>,
      %gather3A_250 = tpu.vector_load_idx %arg11[%get3A_247] : memref<528xi32, #tpu.memory_space<vmem>>[vector<16xi32>], vector<16xi32>,
      %convert_element_type3A = arith.fptosi %gather3A : vector<16xf32> to vector<16xi32>
      %convert_element_type3A_251 = arith.fptosi %gather3A_248 : vector<16xf32> to vector<16xi32>
      %convert_element_type3A_252 = arith.sitofp %convert_element_type3A_251 : vector<16xi32> to vector<16xf32>
      %lt3A_253 = arith.cmpf olt, %convert_element_type3A_252, %gather3A_248 : vector<16xf32>
      %jit3A_254 = arith.constant 1 : i32
      %jit3A_255 = arith.constant 0 : i32
      %broadcast_in_dim3A_256 = vector.broadcast %jit3A_254 : i32 to vector<16xi32>
      %broadcast_in_dim3A_257 = vector.broadcast %jit3A_255 : i32 to vector<16xi32>
      %select_n3A_258 = arith.select %lt3A_253, %broadcast_in_dim3A_256, %broadcast_in_dim3A_257 : vector<16xi1>, vector<16xi32>
      %add3A_259 = arith.addi %convert_element_type3A_251, %select_n3A_258 : vector<16xi32>
      %convert_element_type3A_260 = arith.sitofp %convert_element_type3A : vector<16xi32> to vector<16xf32>
      %convert_element_type3A_261 = arith.sitofp %add3A_259 : vector<16xi32> to vector<16xf32>
      %min3A = arith.constant 4.134000e+03 : f32
      %min3A_262 = vector.broadcast %min3A : f32 to vector<16xf32>
      %min3A_263 = arith.minimumf %convert_element_type3A_261, %min3A_262 : vector<16xf32>
      %sub3A_264 = arith.constant 6 : i32
      %sub3A_265 = vector.broadcast %sub3A_264 : i32 to vector<16xi32>
      %sub3A_266 = arith.subi %convert_element_type3A, %sub3A_265 : vector<16xi32>
      %max3A = arith.constant 0 : i32
      %max3A_267 = vector.broadcast %max3A : i32 to vector<16xi32>
      %max3A_268 = arith.maxsi %sub3A_266, %max3A_267 : vector<16xi32>
      %and3A_269 = arith.constant -16 : i32
      %and3A_270 = vector.broadcast %and3A_269 : i32 to vector<16xi32>
      %and3A_271 = arith.andi %max3A_268, %and3A_270 : vector<16xi32>
      %add3A_272 = arith.constant 7 : i32
      %add3A_273 = vector.broadcast %add3A_272 : i32 to vector<16xi32>
      %add3A_274 = arith.addi %add3A_259, %add3A_273 : vector<16xi32>
      %min3A_275 = arith.constant 4134 : i32
      %min3A_276 = vector.broadcast %min3A_275 : i32 to vector<16xi32>
      %min3A_277 = arith.minsi %add3A_274, %min3A_276 : vector<16xi32>
      %sub3A_278 = vector.broadcast %add3A_113 : i32 to vector<16xi32>
      %sub3A_279 = arith.subi %gather3A_250, %sub3A_278 : vector<16xi32>
      %scan3A_280 = arith.constant 0 : i32
      %scan3A_281 = arith.constant 0 : i32
      %scan3A_282 = arith.constant 16 : i32
      %scan3A_283 = arith.addi %scan3A_281, %scan3A_282 : i32
      %scan3A_284 = arith.constant 1 : i32
      %scan3A_285 = scf.for %scan3A_288 = %scan3A_281 to %scan3A_283 step %scan3A_284 iter_args(%scan3A_289 = %scan3A_280) -> (i32)  : i32 {
        %broadcast_in_dim3A_290 = arith.constant 0 : i32
        %broadcast_in_dim3A_291 = vector.broadcast %broadcast_in_dim3A_290 : i32 to vector<16xi32>
        %add3A_292 = vector.broadcast %scan3A_288 : i32 to vector<16xi32>
        %add3A_293 = arith.addi %broadcast_in_dim3A_291, %add3A_292 : vector<16xi32>
        %eq3A_294 = vector.broadcast %scan3A_288 : i32 to vector<16xi32>
        %eq3A_295 = arith.cmpi eq, %iota3A, %eq3A_294 : vector<16xi32>
        %broadcast_in_dim3A_296 = vector.shape_cast %add3A_293 : vector<16xi32> to vector<16x1xi32>
        %gather3A_297 = vector.shape_cast %broadcast_in_dim3A_296 : vector<16x1xi32> to vector<16xi32>
        %gather3A_298 = tpu.dynamic_gather %gather3A[%gather3A_297] in [0] : vector<16xf32>, vector<16xi32> -> vector<16xf32>
        %broadcast_in_dim3A_299 = vector.shape_cast %add3A_293 : vector<16xi32> to vector<16x1xi32>
        %gather3A_300 = vector.shape_cast %broadcast_in_dim3A_299 : vector<16x1xi32> to vector<16xi32>
        %gather3A_301 = tpu.dynamic_gather %gather3A_248[%gather3A_300] in [0] : vector<16xf32>, vector<16xi32> -> vector<16xf32>
        %broadcast_in_dim3A_302 = vector.shape_cast %add3A_293 : vector<16xi32> to vector<16x1xi32>
        %gather3A_303 = vector.shape_cast %broadcast_in_dim3A_302 : vector<16x1xi32> to vector<16xi32>
        %gather3A_304 = tpu.dynamic_gather %gather3A_249[%gather3A_303] in [0] : vector<16xf32>, vector<16xi32> -> vector<16xf32>
        %broadcast_in_dim3A_305 = vector.shape_cast %add3A_293 : vector<16xi32> to vector<16x1xi32>
        %gather3A_306 = vector.shape_cast %broadcast_in_dim3A_305 : vector<16x1xi32> to vector<16xi32>
        %gather3A_307 = tpu.dynamic_gather %convert_element_type3A_260[%gather3A_306] in [0] : vector<16xf32>, vector<16xi32> -> vector<16xf32>
        %broadcast_in_dim3A_308 = vector.shape_cast %add3A_293 : vector<16xi32> to vector<16x1xi32>
        %gather3A_309 = vector.shape_cast %broadcast_in_dim3A_308 : vector<16x1xi32> to vector<16xi32>
        %gather3A_310 = tpu.dynamic_gather %min3A_263[%gather3A_309] in [0] : vector<16xf32>, vector<16xi32> -> vector<16xf32>
        %jit3A_311 = arith.constant 0 : i32
        %broadcast_in_dim3A_312 = vector.broadcast %jit3A_311 : i32 to vector<16xi32>
        %select_n3A_313 = arith.select %eq3A_295, %and3A_271, %broadcast_in_dim3A_312 : vector<16xi1>, vector<16xi32>
        %reduce_sum3A = arith.constant true
        %reduce_sum3A_314 = vector.broadcast %reduce_sum3A : i1 to vector<16xi1>
        %reduce_sum3A_315 = tpu.scan <sum>, %select_n3A_313 masked %reduce_sum3A_314 : vector<16xi32>, vector<16xi1> -> vector<16xi32>
        %reduce_sum3A_316 = vector.extract %reduce_sum3A_315[15] : i32 from vector<16xi32>
        %jit3A_317 = arith.constant 0 : i32
        %broadcast_in_dim3A_318 = vector.broadcast %jit3A_317 : i32 to vector<16xi32>
        %select_n3A_319 = arith.select %eq3A_295, %min3A_277, %broadcast_in_dim3A_318 : vector<16xi1>, vector<16xi32>
        %reduce_sum3A_320 = arith.constant true
        %reduce_sum3A_321 = vector.broadcast %reduce_sum3A_320 : i1 to vector<16xi1>
        %reduce_sum3A_322 = tpu.scan <sum>, %select_n3A_319 masked %reduce_sum3A_321 : vector<16xi32>, vector<16xi1> -> vector<16xi32>
        %reduce_sum3A_323 = vector.extract %reduce_sum3A_322[15] : i32 from vector<16xi32>
        %jit3A_324 = arith.constant 0 : i32
        %broadcast_in_dim3A_325 = vector.broadcast %jit3A_324 : i32 to vector<16xi32>
        %select_n3A_326 = arith.select %eq3A_295, %sub3A_279, %broadcast_in_dim3A_325 : vector<16xi1>, vector<16xi32>
        %reduce_sum3A_327 = arith.constant true
        %reduce_sum3A_328 = vector.broadcast %reduce_sum3A_327 : i1 to vector<16xi1>
        %reduce_sum3A_329 = tpu.scan <sum>, %select_n3A_326 masked %reduce_sum3A_328 : vector<16xi32>, vector<16xi1> -> vector<16xi32>
        %reduce_sum3A_330 = vector.extract %reduce_sum3A_329[15] : i32 from vector<16xi32>
        %sub3A_331 = arith.subi %reduce_sum3A_323, %reduce_sum3A_316 : i32
        %max3A_332 = arith.constant 0 : i32
        %max3A_333 = arith.maxsi %sub3A_331, %max3A_332 : i32
        %add3A_334 = arith.constant 15 : i32
        %add3A_335 = arith.addi %max3A_333, %add3A_334 : i32
        %jit3A_336 = arith.constant 16 : i32
        %div3A_337 = arith.divsi %add3A_335, %jit3A_336 : i32
        %sign3A_338 = arith.constant 0 : i32
        %sign3A_339 = arith.cmpi sgt, %add3A_335, %sign3A_338 : i32
        %sign3A_340 = arith.extui %sign3A_339 : i1 to i32
        %sign3A_341 = arith.constant 0 : i32
        %sign3A_342 = arith.cmpi slt, %add3A_335, %sign3A_341 : i32
        %sign3A_343 = arith.extui %sign3A_342 : i1 to i32
        %sign3A_344 = arith.subi %sign3A_340, %sign3A_343 : i32
        %sign3A_345 = arith.constant 0 : i32
        %sign3A_346 = arith.cmpi sgt, %jit3A_336, %sign3A_345 : i32
        %sign3A_347 = arith.extui %sign3A_346 : i1 to i32
        %sign3A_348 = arith.constant 0 : i32
        %sign3A_349 = arith.cmpi slt, %jit3A_336, %sign3A_348 : i32
        %sign3A_350 = arith.extui %sign3A_349 : i1 to i32
        %sign3A_351 = arith.subi %sign3A_347, %sign3A_350 : i32
        %ne3A_352 = arith.cmpi ne, %sign3A_344, %sign3A_351 : i32
        %rem3A_353 = arith.remsi %add3A_335, %jit3A_336 : i32
        %ne3A_354 = arith.constant 0 : i32
        %ne3A_355 = arith.cmpi ne, %rem3A_353, %ne3A_354 : i32
        %and3A_356 = arith.andi %ne3A_352, %ne3A_355 : i1
        %sub3A_357 = arith.constant 1 : i32
        %sub3A_358 = arith.subi %div3A_337, %sub3A_357 : i32
        %select_n3A_359 = arith.select %and3A_356, %sub3A_358, %div3A_337 : i32
        %while3A_360 = arith.constant 0 : i32
        %while3A_361 = arith.constant 0 : i32
        %while3A_362 = arith.subi %select_n3A_359, %while3A_360 : i32
        %while3A_363 = arith.addi %while3A_360, %while3A_362 : i32
        %while3A_364 = arith.constant 1 : i32
        %while3A_365 = arith.divsi %while3A_362, %while3A_364 : i32
        %while3A_366 = arith.muli %while3A_365, %while3A_364 : i32
        %while3A_367 = arith.addi %while3A_360, %while3A_366 : i32
        %while3A_368 = arith.constant 1 : i32
        %while3A_369 = scf.for %while3A_373 = %while3A_360 to %while3A_367 step %while3A_368 iter_args(%while3A_374 = %while3A_361) -> (i32)  : i32 {
          %mul3A_375 = arith.constant 16 : i32
          %mul3A_376 = arith.muli %while3A_373, %mul3A_375 : i32
          %add3A_377 = arith.addi %reduce_sum3A_316, %mul3A_376 : i32
          %add3A_378 = vector.broadcast %add3A_377 : i32 to vector<16xi32>
          %add3A_379 = arith.addi %add3A_378, %iota3A : vector<16xi32>
          %convert_element_type3A_380 = arith.sitofp %add3A_379 : vector<16xi32> to vector<16xf32>
          %sub3A_381 = arith.subf %convert_element_type3A_380, %gather3A_298 : vector<16xf32>
          %mul3A_382 = arith.constant 2.01580381 : f32
          %mul3A_383 = vector.broadcast %mul3A_382 : f32 to vector<16xf32>
          %mul3A_384 = arith.mulf %sub3A_381, %mul3A_383 : vector<16xf32>
          %mul3A_385 = arith.constant -5.000000e-01 : f32
          %mul3A_386 = vector.broadcast %mul3A_385 : f32 to vector<16xf32>
          %mul3A_387 = arith.mulf %mul3A_386, %mul3A_384 : vector<16xf32>
          %mul3A_388 = arith.mulf %mul3A_387, %mul3A_384 : vector<16xf32>
          %exp3A = math.exp %mul3A_388 : vector<16xf32>
          %mul3A_389 = arith.mulf %exp3A, %gather3A_304 : vector<16xf32>
          %ge3A = arith.cmpf oge, %convert_element_type3A_380, %gather3A_307 : vector<16xf32>
          %lt3A_390 = arith.cmpf olt, %convert_element_type3A_380, %gather3A_310 : vector<16xf32>
          %and3A_391 = arith.andi %ge3A, %lt3A_390 : vector<16xi1>
          %jit3A_392 = arith.constant 1.000000e+00 : f32
          %jit3A_393 = arith.constant 0.000000e+00 : f32
          %broadcast_in_dim3A_394 = vector.broadcast %jit3A_392 : f32 to vector<16xf32>
          %broadcast_in_dim3A_395 = vector.broadcast %jit3A_393 : f32 to vector<16xf32>
          %select_n3A_396 = arith.select %and3A_391, %broadcast_in_dim3A_394, %broadcast_in_dim3A_395 : vector<16xi1>, vector<16xf32>
          %sub3A_397 = arith.subf %convert_element_type3A_380, %gather3A_301 : vector<16xf32>
          %mul3A_398 = arith.constant 2.01580381 : f32
          %mul3A_399 = vector.broadcast %mul3A_398 : f32 to vector<16xf32>
          %mul3A_400 = arith.mulf %sub3A_397, %mul3A_399 : vector<16xf32>
          %ge3A_401 = arith.cmpf oge, %convert_element_type3A_380, %gather3A_301 : vector<16xf32>
          %mul3A_402 = arith.constant -5.000000e-01 : f32
          %mul3A_403 = vector.broadcast %mul3A_402 : f32 to vector<16xf32>
          %mul3A_404 = arith.mulf %mul3A_403, %mul3A_400 : vector<16xf32>
          %mul3A_405 = arith.mulf %mul3A_404, %mul3A_400 : vector<16xf32>
          %exp3A_406 = math.exp %mul3A_405 : vector<16xf32>
          %mul3A_407 = arith.constant 1.000000e-01 : f32
          %mul3A_408 = vector.broadcast %mul3A_407 : f32 to vector<16xf32>
          %mul3A_409 = arith.mulf %exp3A_406, %mul3A_408 : vector<16xf32>
          %jit3A_410 = arith.constant 0.000000e+00 : f32
          %broadcast_in_dim3A_411 = vector.broadcast %jit3A_410 : f32 to vector<16xf32>
          %select_n3A_412 = arith.select %ge3A_401, %mul3A_409, %broadcast_in_dim3A_411 : vector<16xi1>, vector<16xf32>
          %add3A_413 = arith.addf %select_n3A_396, %select_n3A_412 : vector<16xf32>
          %mul3A_414 = arith.mulf %add3A_413, %gather3A_304 : vector<16xf32>
          %swap3A_415 = arith.index_cast %reduce_sum3A_330 : i32 to index
          %swap3A_416 = arith.index_cast %add3A_377 : i32 to index
          %swap3A_417 = tpu.vector_load %arg13[%swap3A_415, %swap3A_416] {strides = array<i32>} : memref<8x4134xf32, #tpu.memory_space<vmem>>, vector<16xf32>,
          tpu.vector_store %arg13[%swap3A_415, %swap3A_416], %mul3A_389 {add = true, strides = array<i32>} : memref<8x4134xf32, #tpu.memory_space<vmem>>, vector<16xf32>,
          %swap3A_418 = arith.index_cast %reduce_sum3A_330 : i32 to index
          %swap3A_419 = arith.index_cast %add3A_377 : i32 to index
          %swap3A_420 = tpu.vector_load %arg14[%swap3A_418, %swap3A_419] {strides = array<i32>} : memref<8x4134xf32, #tpu.memory_space<vmem>>, vector<16xf32>,
          tpu.vector_store %arg14[%swap3A_418, %swap3A_419], %add3A_413 {add = true, strides = array<i32>} : memref<8x4134xf32, #tpu.memory_space<vmem>>, vector<16xf32>,
          %swap3A_421 = arith.index_cast %reduce_sum3A_330 : i32 to index
          %swap3A_422 = arith.index_cast %add3A_377 : i32 to index
          %swap3A_423 = tpu.vector_load %arg15[%swap3A_421, %swap3A_422] {strides = array<i32>} : memref<8x4134xf32, #tpu.memory_space<vmem>>, vector<16xf32>,
          tpu.vector_store %arg15[%swap3A_421, %swap3A_422], %mul3A_414 {add = true, strides = array<i32>} : memref<8x4134xf32, #tpu.memory_space<vmem>>, vector<16xf32>,
          %while3A_424 = arith.constant 0 : i32
          scf.yield %while3A_424 : i32
        }
        %while3A_370 = arith.constant 1 : i32
        %while3A_371 = scf.for %while3A_373 = %while3A_367 to %while3A_363 step %while3A_370 iter_args(%while3A_374 = %while3A_369) -> (i32)  : i32 {
          %mul3A_375 = arith.constant 16 : i32
          %mul3A_376 = arith.muli %while3A_373, %mul3A_375 : i32
          %add3A_377 = arith.addi %reduce_sum3A_316, %mul3A_376 : i32
          %add3A_378 = vector.broadcast %add3A_377 : i32 to vector<16xi32>
          %add3A_379 = arith.addi %add3A_378, %iota3A : vector<16xi32>
          %convert_element_type3A_380 = arith.sitofp %add3A_379 : vector<16xi32> to vector<16xf32>
          %sub3A_381 = arith.subf %convert_element_type3A_380, %gather3A_298 : vector<16xf32>
          %mul3A_382 = arith.constant 2.01580381 : f32
          %mul3A_383 = vector.broadcast %mul3A_382 : f32 to vector<16xf32>
          %mul3A_384 = arith.mulf %sub3A_381, %mul3A_383 : vector<16xf32>
          %mul3A_385 = arith.constant -5.000000e-01 : f32
          %mul3A_386 = vector.broadcast %mul3A_385 : f32 to vector<16xf32>
          %mul3A_387 = arith.mulf %mul3A_386, %mul3A_384 : vector<16xf32>
          %mul3A_388 = arith.mulf %mul3A_387, %mul3A_384 : vector<16xf32>
          %exp3A = math.exp %mul3A_388 : vector<16xf32>
          %mul3A_389 = arith.mulf %exp3A, %gather3A_304 : vector<16xf32>
          %ge3A = arith.cmpf oge, %convert_element_type3A_380, %gather3A_307 : vector<16xf32>
          %lt3A_390 = arith.cmpf olt, %convert_element_type3A_380, %gather3A_310 : vector<16xf32>
          %and3A_391 = arith.andi %ge3A, %lt3A_390 : vector<16xi1>
          %jit3A_392 = arith.constant 1.000000e+00 : f32
          %jit3A_393 = arith.constant 0.000000e+00 : f32
          %broadcast_in_dim3A_394 = vector.broadcast %jit3A_392 : f32 to vector<16xf32>
          %broadcast_in_dim3A_395 = vector.broadcast %jit3A_393 : f32 to vector<16xf32>
          %select_n3A_396 = arith.select %and3A_391, %broadcast_in_dim3A_394, %broadcast_in_dim3A_395 : vector<16xi1>, vector<16xf32>
          %sub3A_397 = arith.subf %convert_element_type3A_380, %gather3A_301 : vector<16xf32>
          %mul3A_398 = arith.constant 2.01580381 : f32
          %mul3A_399 = vector.broadcast %mul3A_398 : f32 to vector<16xf32>
          %mul3A_400 = arith.mulf %sub3A_397, %mul3A_399 : vector<16xf32>
          %ge3A_401 = arith.cmpf oge, %convert_element_type3A_380, %gather3A_301 : vector<16xf32>
          %mul3A_402 = arith.constant -5.000000e-01 : f32
          %mul3A_403 = vector.broadcast %mul3A_402 : f32 to vector<16xf32>
          %mul3A_404 = arith.mulf %mul3A_403, %mul3A_400 : vector<16xf32>
          %mul3A_405 = arith.mulf %mul3A_404, %mul3A_400 : vector<16xf32>
          %exp3A_406 = math.exp %mul3A_405 : vector<16xf32>
          %mul3A_407 = arith.constant 1.000000e-01 : f32
          %mul3A_408 = vector.broadcast %mul3A_407 : f32 to vector<16xf32>
          %mul3A_409 = arith.mulf %exp3A_406, %mul3A_408 : vector<16xf32>
          %jit3A_410 = arith.constant 0.000000e+00 : f32
          %broadcast_in_dim3A_411 = vector.broadcast %jit3A_410 : f32 to vector<16xf32>
          %select_n3A_412 = arith.select %ge3A_401, %mul3A_409, %broadcast_in_dim3A_411 : vector<16xi1>, vector<16xf32>
          %add3A_413 = arith.addf %select_n3A_396, %select_n3A_412 : vector<16xf32>
          %mul3A_414 = arith.mulf %add3A_413, %gather3A_304 : vector<16xf32>
          %swap3A_415 = arith.index_cast %reduce_sum3A_330 : i32 to index
          %swap3A_416 = arith.index_cast %add3A_377 : i32 to index
          %swap3A_417 = tpu.vector_load %arg13[%swap3A_415, %swap3A_416] {strides = array<i32>} : memref<8x4134xf32, #tpu.memory_space<vmem>>, vector<16xf32>,
          tpu.vector_store %arg13[%swap3A_415, %swap3A_416], %mul3A_389 {add = true, strides = array<i32>} : memref<8x4134xf32, #tpu.memory_space<vmem>>, vector<16xf32>,
          %swap3A_418 = arith.index_cast %reduce_sum3A_330 : i32 to index
          %swap3A_419 = arith.index_cast %add3A_377 : i32 to index
          %swap3A_420 = tpu.vector_load %arg14[%swap3A_418, %swap3A_419] {strides = array<i32>} : memref<8x4134xf32, #tpu.memory_space<vmem>>, vector<16xf32>,
          tpu.vector_store %arg14[%swap3A_418, %swap3A_419], %add3A_413 {add = true, strides = array<i32>} : memref<8x4134xf32, #tpu.memory_space<vmem>>, vector<16xf32>,
          %swap3A_421 = arith.index_cast %reduce_sum3A_330 : i32 to index
          %swap3A_422 = arith.index_cast %add3A_377 : i32 to index
          %swap3A_423 = tpu.vector_load %arg15[%swap3A_421, %swap3A_422] {strides = array<i32>} : memref<8x4134xf32, #tpu.memory_space<vmem>>, vector<16xf32>,
          tpu.vector_store %arg15[%swap3A_421, %swap3A_422], %mul3A_414 {add = true, strides = array<i32>} : memref<8x4134xf32, #tpu.memory_space<vmem>>, vector<16xf32>,
          %while3A_424 = arith.constant 0 : i32
          scf.yield %while3A_424 : i32
        }
        %scan3A_372 = arith.constant 0 : i32
        scf.yield %scan3A_372 : i32
      }
      %scan3A_286 = arith.constant 16 : i32
      %while3A_287 = arith.constant 0 : i32
      scf.yield %while3A_287 : i32
    }
    %while3A_125 = arith.constant 0 : i32
    %while3A_126 = arith.constant 0 : i32
    %while3A_127 = arith.subi %select_n3A_70, %while3A_125 : i32
    %while3A_128 = arith.addi %while3A_125, %while3A_127 : i32
    %while3A_129 = arith.constant 1 : i32
    %while3A_130 = arith.divsi %while3A_127, %while3A_129 : i32
    %while3A_131 = arith.muli %while3A_130, %while3A_129 : i32
    %while3A_132 = arith.addi %while3A_125, %while3A_131 : i32
    %while3A_133 = arith.constant 1 : i32
    %while3A_134 = scf.for %while3A_241 = %while3A_125 to %while3A_132 step %while3A_133 iter_args(%while3A_242 = %while3A_126) -> (i32)  : i32 {
      %mul3A_243 = arith.constant 16 : i32
      %mul3A_244 = arith.muli %while3A_241, %mul3A_243 : i32
      %add3A_245 = arith.constant 0 : i32
      %add3A_246 = arith.addi %add3A_245, %mul3A_244 : i32
      %get3A = arith.index_cast %add3A_246 : i32 to index
      %get3A_247 = tpu.vector_load %arg12[%get3A] {strides = array<i32>} : memref<1056xi32, #tpu.memory_space<vmem>>, vector<16xi32>,
      %gather3A = tpu.vector_load_idx %arg8[%get3A_247] : memref<528xf32, #tpu.memory_space<vmem>>[vector<16xi32>], vector<16xf32>,
      %gather3A_248 = tpu.vector_load_idx %arg9[%get3A_247] : memref<528xf32, #tpu.memory_space<vmem>>[vector<16xi32>], vector<16xf32>,
      %gather3A_249 = tpu.vector_load_idx %arg11[%get3A_247] : memref<528xi32, #tpu.memory_space<vmem>>[vector<16xi32>], vector<16xi32>,
      %convert_element_type3A = arith.fptosi %gather3A : vector<16xf32> to vector<16xi32>
      %convert_element_type3A_250 = arith.fptosi %gather3A_248 : vector<16xf32> to vector<16xi32>
      %convert_element_type3A_251 = arith.sitofp %convert_element_type3A_250 : vector<16xi32> to vector<16xf32>
      %lt3A_252 = arith.cmpf olt, %convert_element_type3A_251, %gather3A_248 : vector<16xf32>
      %jit3A_253 = arith.constant 1 : i32
      %jit3A_254 = arith.constant 0 : i32
      %broadcast_in_dim3A_255 = vector.broadcast %jit3A_253 : i32 to vector<16xi32>
      %broadcast_in_dim3A_256 = vector.broadcast %jit3A_254 : i32 to vector<16xi32>
      %select_n3A_257 = arith.select %lt3A_252, %broadcast_in_dim3A_255, %broadcast_in_dim3A_256 : vector<16xi1>, vector<16xi32>
      %add3A_258 = arith.addi %convert_element_type3A_250, %select_n3A_257 : vector<16xi32>
      %sub3A_259 = arith.constant 6 : i32
      %sub3A_260 = vector.broadcast %sub3A_259 : i32 to vector<16xi32>
      %sub3A_261 = arith.subi %convert_element_type3A, %sub3A_260 : vector<16xi32>
      %max3A = arith.constant 0 : i32
      %max3A_262 = vector.broadcast %max3A : i32 to vector<16xi32>
      %max3A_263 = arith.maxsi %sub3A_261, %max3A_262 : vector<16xi32>
      %and3A_264 = arith.constant -16 : i32
      %and3A_265 = vector.broadcast %and3A_264 : i32 to vector<16xi32>
      %and3A_266 = arith.andi %max3A_263, %and3A_265 : vector<16xi32>
      %add3A_267 = arith.constant 7 : i32
      %add3A_268 = vector.broadcast %add3A_267 : i32 to vector<16xi32>
      %add3A_269 = arith.addi %add3A_258, %add3A_268 : vector<16xi32>
      %min3A = arith.constant 4134 : i32
      %min3A_270 = vector.broadcast %min3A : i32 to vector<16xi32>
      %min3A_271 = arith.minsi %add3A_269, %min3A_270 : vector<16xi32>
      %add3A_272 = arith.constant 0 : i32
      %add3A_273 = arith.addi %mul3A_32, %add3A_272 : i32
      %sub3A_274 = vector.broadcast %add3A_273 : i32 to vector<16xi32>
      %sub3A_275 = arith.subi %gather3A_249, %sub3A_274 : vector<16xi32>
      %scan3A_276 = arith.constant 0 : i32
      %scan3A_277 = arith.constant 0 : i32
      %scan3A_278 = arith.constant 16 : i32
      %scan3A_279 = arith.addi %scan3A_277, %scan3A_278 : i32
      %scan3A_280 = arith.constant 1 : i32
      %scan3A_281 = scf.for %scan3A_284 = %scan3A_277 to %scan3A_279 step %scan3A_280 iter_args(%scan3A_285 = %scan3A_276) -> (i32)  : i32 {
        %eq3A_286 = vector.broadcast %scan3A_284 : i32 to vector<16xi32>
        %eq3A_287 = arith.cmpi eq, %iota3A, %eq3A_286 : vector<16xi32>
        %jit3A_288 = arith.constant 0 : i32
        %broadcast_in_dim3A_289 = vector.broadcast %jit3A_288 : i32 to vector<16xi32>
        %select_n3A_290 = arith.select %eq3A_287, %and3A_266, %broadcast_in_dim3A_289 : vector<16xi1>, vector<16xi32>
        %reduce_sum3A = arith.constant true
        %reduce_sum3A_291 = vector.broadcast %reduce_sum3A : i1 to vector<16xi1>
        %reduce_sum3A_292 = tpu.scan <sum>, %select_n3A_290 masked %reduce_sum3A_291 : vector<16xi32>, vector<16xi1> -> vector<16xi32>
        %reduce_sum3A_293 = vector.extract %reduce_sum3A_292[15] : i32 from vector<16xi32>
        %jit3A_294 = arith.constant 0 : i32
        %broadcast_in_dim3A_295 = vector.broadcast %jit3A_294 : i32 to vector<16xi32>
        %select_n3A_296 = arith.select %eq3A_287, %min3A_271, %broadcast_in_dim3A_295 : vector<16xi1>, vector<16xi32>
        %reduce_sum3A_297 = arith.constant true
        %reduce_sum3A_298 = vector.broadcast %reduce_sum3A_297 : i1 to vector<16xi1>
        %reduce_sum3A_299 = tpu.scan <sum>, %select_n3A_296 masked %reduce_sum3A_298 : vector<16xi32>, vector<16xi1> -> vector<16xi32>
        %reduce_sum3A_300 = vector.extract %reduce_sum3A_299[15] : i32 from vector<16xi32>
        %jit3A_301 = arith.constant 0 : i32
        %broadcast_in_dim3A_302 = vector.broadcast %jit3A_301 : i32 to vector<16xi32>
        %select_n3A_303 = arith.select %eq3A_287, %sub3A_275, %broadcast_in_dim3A_302 : vector<16xi1>, vector<16xi32>
        %reduce_sum3A_304 = arith.constant true
        %reduce_sum3A_305 = vector.broadcast %reduce_sum3A_304 : i1 to vector<16xi1>
        %reduce_sum3A_306 = tpu.scan <sum>, %select_n3A_303 masked %reduce_sum3A_305 : vector<16xi32>, vector<16xi1> -> vector<16xi32>
        %reduce_sum3A_307 = vector.extract %reduce_sum3A_306[15] : i32 from vector<16xi32>
        %sub3A_308 = arith.subi %reduce_sum3A_300, %reduce_sum3A_293 : i32
        %max3A_309 = arith.constant 0 : i32
        %max3A_310 = arith.maxsi %sub3A_308, %max3A_309 : i32
        %add3A_311 = arith.constant 15 : i32
        %add3A_312 = arith.addi %max3A_310, %add3A_311 : i32
        %jit3A_313 = arith.constant 16 : i32
        %div3A_314 = arith.divsi %add3A_312, %jit3A_313 : i32
        %sign3A_315 = arith.constant 0 : i32
        %sign3A_316 = arith.cmpi sgt, %add3A_312, %sign3A_315 : i32
        %sign3A_317 = arith.extui %sign3A_316 : i1 to i32
        %sign3A_318 = arith.constant 0 : i32
        %sign3A_319 = arith.cmpi slt, %add3A_312, %sign3A_318 : i32
        %sign3A_320 = arith.extui %sign3A_319 : i1 to i32
        %sign3A_321 = arith.subi %sign3A_317, %sign3A_320 : i32
        %sign3A_322 = arith.constant 0 : i32
        %sign3A_323 = arith.cmpi sgt, %jit3A_313, %sign3A_322 : i32
        %sign3A_324 = arith.extui %sign3A_323 : i1 to i32
        %sign3A_325 = arith.constant 0 : i32
        %sign3A_326 = arith.cmpi slt, %jit3A_313, %sign3A_325 : i32
        %sign3A_327 = arith.extui %sign3A_326 : i1 to i32
        %sign3A_328 = arith.subi %sign3A_324, %sign3A_327 : i32
        %ne3A_329 = arith.cmpi ne, %sign3A_321, %sign3A_328 : i32
        %rem3A_330 = arith.remsi %add3A_312, %jit3A_313 : i32
        %ne3A_331 = arith.constant 0 : i32
        %ne3A_332 = arith.cmpi ne, %rem3A_330, %ne3A_331 : i32
        %and3A_333 = arith.andi %ne3A_329, %ne3A_332 : i1
        %sub3A_334 = arith.constant 1 : i32
        %sub3A_335 = arith.subi %div3A_314, %sub3A_334 : i32
        %select_n3A_336 = arith.select %and3A_333, %sub3A_335, %div3A_314 : i32
        %while3A_337 = arith.constant 0 : i32
        %while3A_338 = arith.constant 0 : i32
        %while3A_339 = arith.subi %select_n3A_336, %while3A_337 : i32
        %while3A_340 = arith.addi %while3A_337, %while3A_339 : i32
        %while3A_341 = arith.constant 1 : i32
        %while3A_342 = arith.divsi %while3A_339, %while3A_341 : i32
        %while3A_343 = arith.muli %while3A_342, %while3A_341 : i32
        %while3A_344 = arith.addi %while3A_337, %while3A_343 : i32
        %while3A_345 = arith.constant 1 : i32
        %while3A_346 = scf.for %while3A_350 = %while3A_337 to %while3A_344 step %while3A_345 iter_args(%while3A_351 = %while3A_338) -> (i32)  : i32 {
          %mul3A_352 = arith.constant 16 : i32
          %mul3A_353 = arith.muli %while3A_350, %mul3A_352 : i32
          %add3A_354 = arith.addi %reduce_sum3A_293, %mul3A_353 : i32
          %get3A_355 = arith.index_cast %reduce_sum3A_307 : i32 to index
          %get3A_356 = arith.index_cast %add3A_354 : i32 to index
          %get3A_357 = tpu.vector_load %arg13[%get3A_355, %get3A_356] {strides = array<i32>} : memref<8x4134xf32, #tpu.memory_space<vmem>>, vector<16xf32>,
          %jit3A_358 = arith.constant 0.000000e+00 : f32
          %jit3A_359 = arith.constant 1.000000e+00 : f32
          %max3A_360 = vector.broadcast %jit3A_358 : f32 to vector<16xf32>
          %max3A_361 = arith.maximumf %max3A_360, %get3A_357 : vector<16xf32>
          %min3A_362 = vector.broadcast %jit3A_359 : f32 to vector<16xf32>
          %min3A_363 = arith.minimumf %min3A_362, %max3A_361 : vector<16xf32>
          %swap3A_364 = arith.index_cast %reduce_sum3A_307 : i32 to index
          %swap3A_365 = arith.index_cast %add3A_354 : i32 to index
          %swap3A_366 = tpu.vector_load %arg13[%swap3A_364, %swap3A_365] {strides = array<i32>} : memref<8x4134xf32, #tpu.memory_space<vmem>>, vector<16xf32>,
          tpu.vector_store %arg13[%swap3A_364, %swap3A_365], %min3A_363 {strides = array<i32>} : memref<8x4134xf32, #tpu.memory_space<vmem>>, vector<16xf32>,
          %mul3A_367 = arith.constant 16 : i32
          %mul3A_368 = arith.muli %while3A_350, %mul3A_367 : i32
          %add3A_369 = arith.addi %reduce_sum3A_293, %mul3A_368 : i32
          %get3A_370 = arith.index_cast %reduce_sum3A_307 : i32 to index
          %get3A_371 = arith.index_cast %add3A_369 : i32 to index
          %get3A_372 = tpu.vector_load %arg14[%get3A_370, %get3A_371] {strides = array<i32>} : memref<8x4134xf32, #tpu.memory_space<vmem>>, vector<16xf32>,
          %jit3A_373 = arith.constant 0.000000e+00 : f32
          %jit3A_374 = arith.constant 1.000000e+00 : f32
          %max3A_375 = vector.broadcast %jit3A_373 : f32 to vector<16xf32>
          %max3A_376 = arith.maximumf %max3A_375, %get3A_372 : vector<16xf32>
          %min3A_377 = vector.broadcast %jit3A_374 : f32 to vector<16xf32>
          %min3A_378 = arith.minimumf %min3A_377, %max3A_376 : vector<16xf32>
          %swap3A_379 = arith.index_cast %reduce_sum3A_307 : i32 to index
          %swap3A_380 = arith.index_cast %add3A_369 : i32 to index
          %swap3A_381 = tpu.vector_load %arg14[%swap3A_379, %swap3A_380] {strides = array<i32>} : memref<8x4134xf32, #tpu.memory_space<vmem>>, vector<16xf32>,
          tpu.vector_store %arg14[%swap3A_379, %swap3A_380], %min3A_378 {strides = array<i32>} : memref<8x4134xf32, #tpu.memory_space<vmem>>, vector<16xf32>,
          %mul3A_382 = arith.constant 16 : i32
          %mul3A_383 = arith.muli %while3A_350, %mul3A_382 : i32
          %add3A_384 = arith.addi %reduce_sum3A_293, %mul3A_383 : i32
          %get3A_385 = arith.index_cast %reduce_sum3A_307 : i32 to index
          %get3A_386 = arith.index_cast %add3A_384 : i32 to index
          %get3A_387 = tpu.vector_load %arg15[%get3A_385, %get3A_386] {strides = array<i32>} : memref<8x4134xf32, #tpu.memory_space<vmem>>, vector<16xf32>,
          %jit3A_388 = arith.constant 0.000000e+00 : f32
          %jit3A_389 = arith.constant 1.000000e+00 : f32
          %max3A_390 = vector.broadcast %jit3A_388 : f32 to vector<16xf32>
          %max3A_391 = arith.maximumf %max3A_390, %get3A_387 : vector<16xf32>
          %min3A_392 = vector.broadcast %jit3A_389 : f32 to vector<16xf32>
          %min3A_393 = arith.minimumf %min3A_392, %max3A_391 : vector<16xf32>
          %swap3A_394 = arith.index_cast %reduce_sum3A_307 : i32 to index
          %swap3A_395 = arith.index_cast %add3A_384 : i32 to index
          %swap3A_396 = tpu.vector_load %arg15[%swap3A_394, %swap3A_395] {strides = array<i32>} : memref<8x4134xf32, #tpu.memory_space<vmem>>, vector<16xf32>,
          tpu.vector_store %arg15[%swap3A_394, %swap3A_395], %min3A_393 {strides = array<i32>} : memref<8x4134xf32, #tpu.memory_space<vmem>>, vector<16xf32>,
          %while3A_397 = arith.constant 0 : i32
          scf.yield %while3A_397 : i32
        }
        %while3A_347 = arith.constant 1 : i32
        %while3A_348 = scf.for %while3A_350 = %while3A_344 to %while3A_340 step %while3A_347 iter_args(%while3A_351 = %while3A_346) -> (i32)  : i32 {
          %mul3A_352 = arith.constant 16 : i32
          %mul3A_353 = arith.muli %while3A_350, %mul3A_352 : i32
          %add3A_354 = arith.addi %reduce_sum3A_293, %mul3A_353 : i32
          %get3A_355 = arith.index_cast %reduce_sum3A_307 : i32 to index
          %get3A_356 = arith.index_cast %add3A_354 : i32 to index
          %get3A_357 = tpu.vector_load %arg13[%get3A_355, %get3A_356] {strides = array<i32>} : memref<8x4134xf32, #tpu.memory_space<vmem>>, vector<16xf32>,
          %jit3A_358 = arith.constant 0.000000e+00 : f32
          %jit3A_359 = arith.constant 1.000000e+00 : f32
          %max3A_360 = vector.broadcast %jit3A_358 : f32 to vector<16xf32>
          %max3A_361 = arith.maximumf %max3A_360, %get3A_357 : vector<16xf32>
          %min3A_362 = vector.broadcast %jit3A_359 : f32 to vector<16xf32>
          %min3A_363 = arith.minimumf %min3A_362, %max3A_361 : vector<16xf32>
          %swap3A_364 = arith.index_cast %reduce_sum3A_307 : i32 to index
          %swap3A_365 = arith.index_cast %add3A_354 : i32 to index
          %swap3A_366 = tpu.vector_load %arg13[%swap3A_364, %swap3A_365] {strides = array<i32>} : memref<8x4134xf32, #tpu.memory_space<vmem>>, vector<16xf32>,
          tpu.vector_store %arg13[%swap3A_364, %swap3A_365], %min3A_363 {strides = array<i32>} : memref<8x4134xf32, #tpu.memory_space<vmem>>, vector<16xf32>,
          %mul3A_367 = arith.constant 16 : i32
          %mul3A_368 = arith.muli %while3A_350, %mul3A_367 : i32
          %add3A_369 = arith.addi %reduce_sum3A_293, %mul3A_368 : i32
          %get3A_370 = arith.index_cast %reduce_sum3A_307 : i32 to index
          %get3A_371 = arith.index_cast %add3A_369 : i32 to index
          %get3A_372 = tpu.vector_load %arg14[%get3A_370, %get3A_371] {strides = array<i32>} : memref<8x4134xf32, #tpu.memory_space<vmem>>, vector<16xf32>,
          %jit3A_373 = arith.constant 0.000000e+00 : f32
          %jit3A_374 = arith.constant 1.000000e+00 : f32
          %max3A_375 = vector.broadcast %jit3A_373 : f32 to vector<16xf32>
          %max3A_376 = arith.maximumf %max3A_375, %get3A_372 : vector<16xf32>
          %min3A_377 = vector.broadcast %jit3A_374 : f32 to vector<16xf32>
          %min3A_378 = arith.minimumf %min3A_377, %max3A_376 : vector<16xf32>
          %swap3A_379 = arith.index_cast %reduce_sum3A_307 : i32 to index
          %swap3A_380 = arith.index_cast %add3A_369 : i32 to index
          %swap3A_381 = tpu.vector_load %arg14[%swap3A_379, %swap3A_380] {strides = array<i32>} : memref<8x4134xf32, #tpu.memory_space<vmem>>, vector<16xf32>,
          tpu.vector_store %arg14[%swap3A_379, %swap3A_380], %min3A_378 {strides = array<i32>} : memref<8x4134xf32, #tpu.memory_space<vmem>>, vector<16xf32>,
          %mul3A_382 = arith.constant 16 : i32
          %mul3A_383 = arith.muli %while3A_350, %mul3A_382 : i32
          %add3A_384 = arith.addi %reduce_sum3A_293, %mul3A_383 : i32
          %get3A_385 = arith.index_cast %reduce_sum3A_307 : i32 to index
          %get3A_386 = arith.index_cast %add3A_384 : i32 to index
          %get3A_387 = tpu.vector_load %arg15[%get3A_385, %get3A_386] {strides = array<i32>} : memref<8x4134xf32, #tpu.memory_space<vmem>>, vector<16xf32>,
          %jit3A_388 = arith.constant 0.000000e+00 : f32
          %jit3A_389 = arith.constant 1.000000e+00 : f32
          %max3A_390 = vector.broadcast %jit3A_388 : f32 to vector<16xf32>
          %max3A_391 = arith.maximumf %max3A_390, %get3A_387 : vector<16xf32>
          %min3A_392 = vector.broadcast %jit3A_389 : f32 to vector<16xf32>
          %min3A_393 = arith.minimumf %min3A_392, %max3A_391 : vector<16xf32>
          %swap3A_394 = arith.index_cast %reduce_sum3A_307 : i32 to index
          %swap3A_395 = arith.index_cast %add3A_384 : i32 to index
          %swap3A_396 = tpu.vector_load %arg15[%swap3A_394, %swap3A_395] {strides = array<i32>} : memref<8x4134xf32, #tpu.memory_space<vmem>>, vector<16xf32>,
          tpu.vector_store %arg15[%swap3A_394, %swap3A_395], %min3A_393 {strides = array<i32>} : memref<8x4134xf32, #tpu.memory_space<vmem>>, vector<16xf32>,
          %while3A_397 = arith.constant 0 : i32
          scf.yield %while3A_397 : i32
        }
        %scan3A_349 = arith.constant 0 : i32
        scf.yield %scan3A_349 : i32
      }
      %scan3A_282 = arith.constant 16 : i32
      %while3A_283 = arith.constant 0 : i32
      scf.yield %while3A_283 : i32
    }
    %while3A_135 = arith.constant 1 : i32
    %while3A_136 = scf.for %while3A_241 = %while3A_132 to %while3A_128 step %while3A_135 iter_args(%while3A_242 = %while3A_134) -> (i32)  : i32 {
      %mul3A_243 = arith.constant 16 : i32
      %mul3A_244 = arith.muli %while3A_241, %mul3A_243 : i32
      %add3A_245 = arith.constant 0 : i32
      %add3A_246 = arith.addi %add3A_245, %mul3A_244 : i32
      %get3A = arith.index_cast %add3A_246 : i32 to index
      %get3A_247 = tpu.vector_load %arg12[%get3A] {strides = array<i32>} : memref<1056xi32, #tpu.memory_space<vmem>>, vector<16xi32>,
      %gather3A = tpu.vector_load_idx %arg8[%get3A_247] : memref<528xf32, #tpu.memory_space<vmem>>[vector<16xi32>], vector<16xf32>,
      %gather3A_248 = tpu.vector_load_idx %arg9[%get3A_247] : memref<528xf32, #tpu.memory_space<vmem>>[vector<16xi32>], vector<16xf32>,
      %gather3A_249 = tpu.vector_load_idx %arg11[%get3A_247] : memref<528xi32, #tpu.memory_space<vmem>>[vector<16xi32>], vector<16xi32>,
      %convert_element_type3A = arith.fptosi %gather3A : vector<16xf32> to vector<16xi32>
      %convert_element_type3A_250 = arith.fptosi %gather3A_248 : vector<16xf32> to vector<16xi32>
      %convert_element_type3A_251 = arith.sitofp %convert_element_type3A_250 : vector<16xi32> to vector<16xf32>
      %lt3A_252 = arith.cmpf olt, %convert_element_type3A_251, %gather3A_248 : vector<16xf32>
      %jit3A_253 = arith.constant 1 : i32
      %jit3A_254 = arith.constant 0 : i32
      %broadcast_in_dim3A_255 = vector.broadcast %jit3A_253 : i32 to vector<16xi32>
      %broadcast_in_dim3A_256 = vector.broadcast %jit3A_254 : i32 to vector<16xi32>
      %select_n3A_257 = arith.select %lt3A_252, %broadcast_in_dim3A_255, %broadcast_in_dim3A_256 : vector<16xi1>, vector<16xi32>
      %add3A_258 = arith.addi %convert_element_type3A_250, %select_n3A_257 : vector<16xi32>
      %sub3A_259 = arith.constant 6 : i32
      %sub3A_260 = vector.broadcast %sub3A_259 : i32 to vector<16xi32>
      %sub3A_261 = arith.subi %convert_element_type3A, %sub3A_260 : vector<16xi32>
      %max3A = arith.constant 0 : i32
      %max3A_262 = vector.broadcast %max3A : i32 to vector<16xi32>
      %max3A_263 = arith.maxsi %sub3A_261, %max3A_262 : vector<16xi32>
      %and3A_264 = arith.constant -16 : i32
      %and3A_265 = vector.broadcast %and3A_264 : i32 to vector<16xi32>
      %and3A_266 = arith.andi %max3A_263, %and3A_265 : vector<16xi32>
      %add3A_267 = arith.constant 7 : i32
      %add3A_268 = vector.broadcast %add3A_267 : i32 to vector<16xi32>
      %add3A_269 = arith.addi %add3A_258, %add3A_268 : vector<16xi32>
      %min3A = arith.constant 4134 : i32
      %min3A_270 = vector.broadcast %min3A : i32 to vector<16xi32>
      %min3A_271 = arith.minsi %add3A_269, %min3A_270 : vector<16xi32>
      %add3A_272 = arith.constant 0 : i32
      %add3A_273 = arith.addi %mul3A_32, %add3A_272 : i32
      %sub3A_274 = vector.broadcast %add3A_273 : i32 to vector<16xi32>
      %sub3A_275 = arith.subi %gather3A_249, %sub3A_274 : vector<16xi32>
      %scan3A_276 = arith.constant 0 : i32
      %scan3A_277 = arith.constant 0 : i32
      %scan3A_278 = arith.constant 16 : i32
      %scan3A_279 = arith.addi %scan3A_277, %scan3A_278 : i32
      %scan3A_280 = arith.constant 1 : i32
      %scan3A_281 = scf.for %scan3A_284 = %scan3A_277 to %scan3A_279 step %scan3A_280 iter_args(%scan3A_285 = %scan3A_276) -> (i32)  : i32 {
        %eq3A_286 = vector.broadcast %scan3A_284 : i32 to vector<16xi32>
        %eq3A_287 = arith.cmpi eq, %iota3A, %eq3A_286 : vector<16xi32>
        %jit3A_288 = arith.constant 0 : i32
        %broadcast_in_dim3A_289 = vector.broadcast %jit3A_288 : i32 to vector<16xi32>
        %select_n3A_290 = arith.select %eq3A_287, %and3A_266, %broadcast_in_dim3A_289 : vector<16xi1>, vector<16xi32>
        %reduce_sum3A = arith.constant true
        %reduce_sum3A_291 = vector.broadcast %reduce_sum3A : i1 to vector<16xi1>
        %reduce_sum3A_292 = tpu.scan <sum>, %select_n3A_290 masked %reduce_sum3A_291 : vector<16xi32>, vector<16xi1> -> vector<16xi32>
        %reduce_sum3A_293 = vector.extract %reduce_sum3A_292[15] : i32 from vector<16xi32>
        %jit3A_294 = arith.constant 0 : i32
        %broadcast_in_dim3A_295 = vector.broadcast %jit3A_294 : i32 to vector<16xi32>
        %select_n3A_296 = arith.select %eq3A_287, %min3A_271, %broadcast_in_dim3A_295 : vector<16xi1>, vector<16xi32>
        %reduce_sum3A_297 = arith.constant true
        %reduce_sum3A_298 = vector.broadcast %reduce_sum3A_297 : i1 to vector<16xi1>
        %reduce_sum3A_299 = tpu.scan <sum>, %select_n3A_296 masked %reduce_sum3A_298 : vector<16xi32>, vector<16xi1> -> vector<16xi32>
        %reduce_sum3A_300 = vector.extract %reduce_sum3A_299[15] : i32 from vector<16xi32>
        %jit3A_301 = arith.constant 0 : i32
        %broadcast_in_dim3A_302 = vector.broadcast %jit3A_301 : i32 to vector<16xi32>
        %select_n3A_303 = arith.select %eq3A_287, %sub3A_275, %broadcast_in_dim3A_302 : vector<16xi1>, vector<16xi32>
        %reduce_sum3A_304 = arith.constant true
        %reduce_sum3A_305 = vector.broadcast %reduce_sum3A_304 : i1 to vector<16xi1>
        %reduce_sum3A_306 = tpu.scan <sum>, %select_n3A_303 masked %reduce_sum3A_305 : vector<16xi32>, vector<16xi1> -> vector<16xi32>
        %reduce_sum3A_307 = vector.extract %reduce_sum3A_306[15] : i32 from vector<16xi32>
        %sub3A_308 = arith.subi %reduce_sum3A_300, %reduce_sum3A_293 : i32
        %max3A_309 = arith.constant 0 : i32
        %max3A_310 = arith.maxsi %sub3A_308, %max3A_309 : i32
        %add3A_311 = arith.constant 15 : i32
        %add3A_312 = arith.addi %max3A_310, %add3A_311 : i32
        %jit3A_313 = arith.constant 16 : i32
        %div3A_314 = arith.divsi %add3A_312, %jit3A_313 : i32
        %sign3A_315 = arith.constant 0 : i32
        %sign3A_316 = arith.cmpi sgt, %add3A_312, %sign3A_315 : i32
        %sign3A_317 = arith.extui %sign3A_316 : i1 to i32
        %sign3A_318 = arith.constant 0 : i32
        %sign3A_319 = arith.cmpi slt, %add3A_312, %sign3A_318 : i32
        %sign3A_320 = arith.extui %sign3A_319 : i1 to i32
        %sign3A_321 = arith.subi %sign3A_317, %sign3A_320 : i32
        %sign3A_322 = arith.constant 0 : i32
        %sign3A_323 = arith.cmpi sgt, %jit3A_313, %sign3A_322 : i32
        %sign3A_324 = arith.extui %sign3A_323 : i1 to i32
        %sign3A_325 = arith.constant 0 : i32
        %sign3A_326 = arith.cmpi slt, %jit3A_313, %sign3A_325 : i32
        %sign3A_327 = arith.extui %sign3A_326 : i1 to i32
        %sign3A_328 = arith.subi %sign3A_324, %sign3A_327 : i32
        %ne3A_329 = arith.cmpi ne, %sign3A_321, %sign3A_328 : i32
        %rem3A_330 = arith.remsi %add3A_312, %jit3A_313 : i32
        %ne3A_331 = arith.constant 0 : i32
        %ne3A_332 = arith.cmpi ne, %rem3A_330, %ne3A_331 : i32
        %and3A_333 = arith.andi %ne3A_329, %ne3A_332 : i1
        %sub3A_334 = arith.constant 1 : i32
        %sub3A_335 = arith.subi %div3A_314, %sub3A_334 : i32
        %select_n3A_336 = arith.select %and3A_333, %sub3A_335, %div3A_314 : i32
        %while3A_337 = arith.constant 0 : i32
        %while3A_338 = arith.constant 0 : i32
        %while3A_339 = arith.subi %select_n3A_336, %while3A_337 : i32
        %while3A_340 = arith.addi %while3A_337, %while3A_339 : i32
        %while3A_341 = arith.constant 1 : i32
        %while3A_342 = arith.divsi %while3A_339, %while3A_341 : i32
        %while3A_343 = arith.muli %while3A_342, %while3A_341 : i32
        %while3A_344 = arith.addi %while3A_337, %while3A_343 : i32
        %while3A_345 = arith.constant 1 : i32
        %while3A_346 = scf.for %while3A_350 = %while3A_337 to %while3A_344 step %while3A_345 iter_args(%while3A_351 = %while3A_338) -> (i32)  : i32 {
          %mul3A_352 = arith.constant 16 : i32
          %mul3A_353 = arith.muli %while3A_350, %mul3A_352 : i32
          %add3A_354 = arith.addi %reduce_sum3A_293, %mul3A_353 : i32
          %get3A_355 = arith.index_cast %reduce_sum3A_307 : i32 to index
          %get3A_356 = arith.index_cast %add3A_354 : i32 to index
          %get3A_357 = tpu.vector_load %arg13[%get3A_355, %get3A_356] {strides = array<i32>} : memref<8x4134xf32, #tpu.memory_space<vmem>>, vector<16xf32>,
          %jit3A_358 = arith.constant 0.000000e+00 : f32
          %jit3A_359 = arith.constant 1.000000e+00 : f32
          %max3A_360 = vector.broadcast %jit3A_358 : f32 to vector<16xf32>
          %max3A_361 = arith.maximumf %max3A_360, %get3A_357 : vector<16xf32>
          %min3A_362 = vector.broadcast %jit3A_359 : f32 to vector<16xf32>
          %min3A_363 = arith.minimumf %min3A_362, %max3A_361 : vector<16xf32>
          %swap3A_364 = arith.index_cast %reduce_sum3A_307 : i32 to index
          %swap3A_365 = arith.index_cast %add3A_354 : i32 to index
          %swap3A_366 = tpu.vector_load %arg13[%swap3A_364, %swap3A_365] {strides = array<i32>} : memref<8x4134xf32, #tpu.memory_space<vmem>>, vector<16xf32>,
          tpu.vector_store %arg13[%swap3A_364, %swap3A_365], %min3A_363 {strides = array<i32>} : memref<8x4134xf32, #tpu.memory_space<vmem>>, vector<16xf32>,
          %mul3A_367 = arith.constant 16 : i32
          %mul3A_368 = arith.muli %while3A_350, %mul3A_367 : i32
          %add3A_369 = arith.addi %reduce_sum3A_293, %mul3A_368 : i32
          %get3A_370 = arith.index_cast %reduce_sum3A_307 : i32 to index
          %get3A_371 = arith.index_cast %add3A_369 : i32 to index
          %get3A_372 = tpu.vector_load %arg14[%get3A_370, %get3A_371] {strides = array<i32>} : memref<8x4134xf32, #tpu.memory_space<vmem>>, vector<16xf32>,
          %jit3A_373 = arith.constant 0.000000e+00 : f32
          %jit3A_374 = arith.constant 1.000000e+00 : f32
          %max3A_375 = vector.broadcast %jit3A_373 : f32 to vector<16xf32>
          %max3A_376 = arith.maximumf %max3A_375, %get3A_372 : vector<16xf32>
          %min3A_377 = vector.broadcast %jit3A_374 : f32 to vector<16xf32>
          %min3A_378 = arith.minimumf %min3A_377, %max3A_376 : vector<16xf32>
          %swap3A_379 = arith.index_cast %reduce_sum3A_307 : i32 to index
          %swap3A_380 = arith.index_cast %add3A_369 : i32 to index
          %swap3A_381 = tpu.vector_load %arg14[%swap3A_379, %swap3A_380] {strides = array<i32>} : memref<8x4134xf32, #tpu.memory_space<vmem>>, vector<16xf32>,
          tpu.vector_store %arg14[%swap3A_379, %swap3A_380], %min3A_378 {strides = array<i32>} : memref<8x4134xf32, #tpu.memory_space<vmem>>, vector<16xf32>,
          %mul3A_382 = arith.constant 16 : i32
          %mul3A_383 = arith.muli %while3A_350, %mul3A_382 : i32
          %add3A_384 = arith.addi %reduce_sum3A_293, %mul3A_383 : i32
          %get3A_385 = arith.index_cast %reduce_sum3A_307 : i32 to index
          %get3A_386 = arith.index_cast %add3A_384 : i32 to index
          %get3A_387 = tpu.vector_load %arg15[%get3A_385, %get3A_386] {strides = array<i32>} : memref<8x4134xf32, #tpu.memory_space<vmem>>, vector<16xf32>,
          %jit3A_388 = arith.constant 0.000000e+00 : f32
          %jit3A_389 = arith.constant 1.000000e+00 : f32
          %max3A_390 = vector.broadcast %jit3A_388 : f32 to vector<16xf32>
          %max3A_391 = arith.maximumf %max3A_390, %get3A_387 : vector<16xf32>
          %min3A_392 = vector.broadcast %jit3A_389 : f32 to vector<16xf32>
          %min3A_393 = arith.minimumf %min3A_392, %max3A_391 : vector<16xf32>
          %swap3A_394 = arith.index_cast %reduce_sum3A_307 : i32 to index
          %swap3A_395 = arith.index_cast %add3A_384 : i32 to index
          %swap3A_396 = tpu.vector_load %arg15[%swap3A_394, %swap3A_395] {strides = array<i32>} : memref<8x4134xf32, #tpu.memory_space<vmem>>, vector<16xf32>,
          tpu.vector_store %arg15[%swap3A_394, %swap3A_395], %min3A_393 {strides = array<i32>} : memref<8x4134xf32, #tpu.memory_space<vmem>>, vector<16xf32>,
          %while3A_397 = arith.constant 0 : i32
          scf.yield %while3A_397 : i32
        }
        %while3A_347 = arith.constant 1 : i32
        %while3A_348 = scf.for %while3A_350 = %while3A_344 to %while3A_340 step %while3A_347 iter_args(%while3A_351 = %while3A_346) -> (i32)  : i32 {
          %mul3A_352 = arith.constant 16 : i32
          %mul3A_353 = arith.muli %while3A_350, %mul3A_352 : i32
          %add3A_354 = arith.addi %reduce_sum3A_293, %mul3A_353 : i32
          %get3A_355 = arith.index_cast %reduce_sum3A_307 : i32 to index
          %get3A_356 = arith.index_cast %add3A_354 : i32 to index
          %get3A_357 = tpu.vector_load %arg13[%get3A_355, %get3A_356] {strides = array<i32>} : memref<8x4134xf32, #tpu.memory_space<vmem>>, vector<16xf32>,
          %jit3A_358 = arith.constant 0.000000e+00 : f32
          %jit3A_359 = arith.constant 1.000000e+00 : f32
          %max3A_360 = vector.broadcast %jit3A_358 : f32 to vector<16xf32>
          %max3A_361 = arith.maximumf %max3A_360, %get3A_357 : vector<16xf32>
          %min3A_362 = vector.broadcast %jit3A_359 : f32 to vector<16xf32>
          %min3A_363 = arith.minimumf %min3A_362, %max3A_361 : vector<16xf32>
          %swap3A_364 = arith.index_cast %reduce_sum3A_307 : i32 to index
          %swap3A_365 = arith.index_cast %add3A_354 : i32 to index
          %swap3A_366 = tpu.vector_load %arg13[%swap3A_364, %swap3A_365] {strides = array<i32>} : memref<8x4134xf32, #tpu.memory_space<vmem>>, vector<16xf32>,
          tpu.vector_store %arg13[%swap3A_364, %swap3A_365], %min3A_363 {strides = array<i32>} : memref<8x4134xf32, #tpu.memory_space<vmem>>, vector<16xf32>,
          %mul3A_367 = arith.constant 16 : i32
          %mul3A_368 = arith.muli %while3A_350, %mul3A_367 : i32
          %add3A_369 = arith.addi %reduce_sum3A_293, %mul3A_368 : i32
          %get3A_370 = arith.index_cast %reduce_sum3A_307 : i32 to index
          %get3A_371 = arith.index_cast %add3A_369 : i32 to index
          %get3A_372 = tpu.vector_load %arg14[%get3A_370, %get3A_371] {strides = array<i32>} : memref<8x4134xf32, #tpu.memory_space<vmem>>, vector<16xf32>,
          %jit3A_373 = arith.constant 0.000000e+00 : f32
          %jit3A_374 = arith.constant 1.000000e+00 : f32
          %max3A_375 = vector.broadcast %jit3A_373 : f32 to vector<16xf32>
          %max3A_376 = arith.maximumf %max3A_375, %get3A_372 : vector<16xf32>
          %min3A_377 = vector.broadcast %jit3A_374 : f32 to vector<16xf32>
          %min3A_378 = arith.minimumf %min3A_377, %max3A_376 : vector<16xf32>
          %swap3A_379 = arith.index_cast %reduce_sum3A_307 : i32 to index
          %swap3A_380 = arith.index_cast %add3A_369 : i32 to index
          %swap3A_381 = tpu.vector_load %arg14[%swap3A_379, %swap3A_380] {strides = array<i32>} : memref<8x4134xf32, #tpu.memory_space<vmem>>, vector<16xf32>,
          tpu.vector_store %arg14[%swap3A_379, %swap3A_380], %min3A_378 {strides = array<i32>} : memref<8x4134xf32, #tpu.memory_space<vmem>>, vector<16xf32>,
          %mul3A_382 = arith.constant 16 : i32
          %mul3A_383 = arith.muli %while3A_350, %mul3A_382 : i32
          %add3A_384 = arith.addi %reduce_sum3A_293, %mul3A_383 : i32
          %get3A_385 = arith.index_cast %reduce_sum3A_307 : i32 to index
          %get3A_386 = arith.index_cast %add3A_384 : i32 to index
          %get3A_387 = tpu.vector_load %arg15[%get3A_385, %get3A_386] {strides = array<i32>} : memref<8x4134xf32, #tpu.memory_space<vmem>>, vector<16xf32>,
          %jit3A_388 = arith.constant 0.000000e+00 : f32
          %jit3A_389 = arith.constant 1.000000e+00 : f32
          %max3A_390 = vector.broadcast %jit3A_388 : f32 to vector<16xf32>
          %max3A_391 = arith.maximumf %max3A_390, %get3A_387 : vector<16xf32>
          %min3A_392 = vector.broadcast %jit3A_389 : f32 to vector<16xf32>
          %min3A_393 = arith.minimumf %min3A_392, %max3A_391 : vector<16xf32>
          %swap3A_394 = arith.index_cast %reduce_sum3A_307 : i32 to index
          %swap3A_395 = arith.index_cast %add3A_384 : i32 to index
          %swap3A_396 = tpu.vector_load %arg15[%swap3A_394, %swap3A_395] {strides = array<i32>} : memref<8x4134xf32, #tpu.memory_space<vmem>>, vector<16xf32>,
          tpu.vector_store %arg15[%swap3A_394, %swap3A_395], %min3A_393 {strides = array<i32>} : memref<8x4134xf32, #tpu.memory_space<vmem>>, vector<16xf32>,
          %while3A_397 = arith.constant 0 : i32
          scf.yield %while3A_397 : i32
        }
        %scan3A_349 = arith.constant 0 : i32
        scf.yield %scan3A_349 : i32
      }
      %scan3A_282 = arith.constant 16 : i32
      %while3A_283 = arith.constant 0 : i32
      scf.yield %while3A_283 : i32
    }
    %add3A_137 = arith.constant 128 : i32
    %add3A_138 = arith.addi %add3A_137, %add3A_113 : i32
    %add3A_139 = arith.constant 256 : i32
    %add3A_140 = arith.addi %add3A_139, %add3A_113 : i32
    %dma_start3A = arith.constant 0 : i32
    %dma_start3A_141 = tpu.memref_slice %arg7[%select_n3A, %add3A_113, %dma_start3A] : memref<4x384x4134xf32, #tpu.memory_space<hbm>> -> memref<1x8x4134xf32, #tpu.memory_space<hbm>>
    %dma_start3A_142 = tpu.memref_squeeze %dma_start3A_141 : memref<1x8x4134xf32, #tpu.memory_space<hbm>> -> memref<8x4134xf32, #tpu.memory_space<hbm>>
    %dma_start3A_143 = arith.constant 0 : i32
    %dma_start3A_144 = tpu.memref_slice %arg7[%select_n3A, %add3A_113, %dma_start3A_143] : memref<4x384x4134xf32, #tpu.memory_space<hbm>> -> memref<1x8x4134xf32, #tpu.memory_space<hbm>>
    %dma_start3A_145 = tpu.memref_squeeze %dma_start3A_144 : memref<1x8x4134xf32, #tpu.memory_space<hbm>> -> memref<8x4134xf32, #tpu.memory_space<hbm>>
    tpu.enqueue_dma source(%arg13 : memref<8x4134xf32, #tpu.memory_space<vmem>>) target(%dma_start3A_145 : memref<8x4134xf32, #tpu.memory_space<hbm>>) target_semaphore(%arg16 : memref<!tpu.dma_semaphore, #tpu.memory_space<semaphore_mem>>)
    %dma_start3A_146 = arith.constant 0 : i32
    %dma_start3A_147 = tpu.memref_slice %arg7[%select_n3A, %add3A_138, %dma_start3A_146] : memref<4x384x4134xf32, #tpu.memory_space<hbm>> -> memref<1x8x4134xf32, #tpu.memory_space<hbm>>
    %dma_start3A_148 = tpu.memref_squeeze %dma_start3A_147 : memref<1x8x4134xf32, #tpu.memory_space<hbm>> -> memref<8x4134xf32, #tpu.memory_space<hbm>>
    %dma_start3A_149 = arith.constant 0 : i32
    %dma_start3A_150 = tpu.memref_slice %arg7[%select_n3A, %add3A_138, %dma_start3A_149] : memref<4x384x4134xf32, #tpu.memory_space<hbm>> -> memref<1x8x4134xf32, #tpu.memory_space<hbm>>
    %dma_start3A_151 = tpu.memref_squeeze %dma_start3A_150 : memref<1x8x4134xf32, #tpu.memory_space<hbm>> -> memref<8x4134xf32, #tpu.memory_space<hbm>>
    tpu.enqueue_dma source(%arg14 : memref<8x4134xf32, #tpu.memory_space<vmem>>) target(%dma_start3A_151 : memref<8x4134xf32, #tpu.memory_space<hbm>>) target_semaphore(%arg16 : memref<!tpu.dma_semaphore, #tpu.memory_space<semaphore_mem>>)
    %dma_start3A_152 = arith.constant 0 : i32
    %dma_start3A_153 = tpu.memref_slice %arg7[%select_n3A, %add3A_140, %dma_start3A_152] : memref<4x384x4134xf32, #tpu.memory_space<hbm>> -> memref<1x8x4134xf32, #tpu.memory_space<hbm>>
    %dma_start3A_154 = tpu.memref_squeeze %dma_start3A_153 : memref<1x8x4134xf32, #tpu.memory_space<hbm>> -> memref<8x4134xf32, #tpu.memory_space<hbm>>
    %dma_start3A_155 = arith.constant 0 : i32
    %dma_start3A_156 = tpu.memref_slice %arg7[%select_n3A, %add3A_140, %dma_start3A_155] : memref<4x384x4134xf32, #tpu.memory_space<hbm>> -> memref<1x8x4134xf32, #tpu.memory_space<hbm>>
    %dma_start3A_157 = tpu.memref_squeeze %dma_start3A_156 : memref<1x8x4134xf32, #tpu.memory_space<hbm>> -> memref<8x4134xf32, #tpu.memory_space<hbm>>
    tpu.enqueue_dma source(%arg15 : memref<8x4134xf32, #tpu.memory_space<vmem>>) target(%dma_start3A_157 : memref<8x4134xf32, #tpu.memory_space<hbm>>) target_semaphore(%arg16 : memref<!tpu.dma_semaphore, #tpu.memory_space<semaphore_mem>>)
    %dma_wait3A = arith.constant 0 : i32
    %dma_wait3A_158 = tpu.memref_slice %arg7[%select_n3A, %add3A_113, %dma_wait3A] : memref<4x384x4134xf32, #tpu.memory_space<hbm>> -> memref<1x8x4134xf32, #tpu.memory_space<hbm>>
    %dma_wait3A_159 = tpu.memref_squeeze %dma_wait3A_158 : memref<1x8x4134xf32, #tpu.memory_space<hbm>> -> memref<8x4134xf32, #tpu.memory_space<hbm>>
    %dma_wait3A_160 = arith.constant 0 : i32
    %dma_wait3A_161 = tpu.memref_slice %arg7[%select_n3A, %add3A_113, %dma_wait3A_160] : memref<4x384x4134xf32, #tpu.memory_space<hbm>> -> memref<1x8x4134xf32, #tpu.memory_space<hbm>>
    %dma_wait3A_162 = tpu.memref_squeeze %dma_wait3A_161 : memref<1x8x4134xf32, #tpu.memory_space<hbm>> -> memref<8x4134xf32, #tpu.memory_space<hbm>>
    tpu.wait_dma2 semaphore(%arg16 : memref<!tpu.dma_semaphore, #tpu.memory_space<semaphore_mem>>) src(%arg13 : memref<8x4134xf32, #tpu.memory_space<vmem>>) dst(%dma_wait3A_162 : memref<8x4134xf32, #tpu.memory_space<hbm>>)
    tpu.enqueue_dma source(%arg6 : memref<8x4134xf32, #tpu.memory_space<hbm>>) target(%arg13 : memref<8x4134xf32, #tpu.memory_space<vmem>>) target_semaphore(%arg17 : memref<!tpu.dma_semaphore, #tpu.memory_space<semaphore_mem>>)
    %dma_wait3A_163 = arith.constant 0 : i32
    %dma_wait3A_164 = tpu.memref_slice %arg7[%select_n3A, %add3A_138, %dma_wait3A_163] : memref<4x384x4134xf32, #tpu.memory_space<hbm>> -> memref<1x8x4134xf32, #tpu.memory_space<hbm>>
    %dma_wait3A_165 = tpu.memref_squeeze %dma_wait3A_164 : memref<1x8x4134xf32, #tpu.memory_space<hbm>> -> memref<8x4134xf32, #tpu.memory_space<hbm>>
    %dma_wait3A_166 = arith.constant 0 : i32
    %dma_wait3A_167 = tpu.memref_slice %arg7[%select_n3A, %add3A_138, %dma_wait3A_166] : memref<4x384x4134xf32, #tpu.memory_space<hbm>> -> memref<1x8x4134xf32, #tpu.memory_space<hbm>>
    %dma_wait3A_168 = tpu.memref_squeeze %dma_wait3A_167 : memref<1x8x4134xf32, #tpu.memory_space<hbm>> -> memref<8x4134xf32, #tpu.memory_space<hbm>>
    tpu.wait_dma2 semaphore(%arg16 : memref<!tpu.dma_semaphore, #tpu.memory_space<semaphore_mem>>) src(%arg14 : memref<8x4134xf32, #tpu.memory_space<vmem>>) dst(%dma_wait3A_168 : memref<8x4134xf32, #tpu.memory_space<hbm>>)
    tpu.enqueue_dma source(%arg6 : memref<8x4134xf32, #tpu.memory_space<hbm>>) target(%arg14 : memref<8x4134xf32, #tpu.memory_space<vmem>>) target_semaphore(%arg17 : memref<!tpu.dma_semaphore, #tpu.memory_space<semaphore_mem>>)
    %dma_wait3A_169 = arith.constant 0 : i32
    %dma_wait3A_170 = tpu.memref_slice %arg7[%select_n3A, %add3A_140, %dma_wait3A_169] : memref<4x384x4134xf32, #tpu.memory_space<hbm>> -> memref<1x8x4134xf32, #tpu.memory_space<hbm>>
    %dma_wait3A_171 = tpu.memref_squeeze %dma_wait3A_170 : memref<1x8x4134xf32, #tpu.memory_space<hbm>> -> memref<8x4134xf32, #tpu.memory_space<hbm>>
    %dma_wait3A_172 = arith.constant 0 : i32
    %dma_wait3A_173 = tpu.memref_slice %arg7[%select_n3A, %add3A_140, %dma_wait3A_172] : memref<4x384x4134xf32, #tpu.memory_space<hbm>> -> memref<1x8x4134xf32, #tpu.memory_space<hbm>>
    %dma_wait3A_174 = tpu.memref_squeeze %dma_wait3A_173 : memref<1x8x4134xf32, #tpu.memory_space<hbm>> -> memref<8x4134xf32, #tpu.memory_space<hbm>>
    tpu.wait_dma2 semaphore(%arg16 : memref<!tpu.dma_semaphore, #tpu.memory_space<semaphore_mem>>) src(%arg15 : memref<8x4134xf32, #tpu.memory_space<vmem>>) dst(%dma_wait3A_174 : memref<8x4134xf32, #tpu.memory_space<hbm>>)
    tpu.enqueue_dma source(%arg6 : memref<8x4134xf32, #tpu.memory_space<hbm>>) target(%arg15 : memref<8x4134xf32, #tpu.memory_space<vmem>>) target_semaphore(%arg17 : memref<!tpu.dma_semaphore, #tpu.memory_space<semaphore_mem>>)
    %add3A_175 = arith.constant 8 : i32
    %add3A_176 = arith.addi %mul3A_32, %add3A_175 : i32
    tpu.wait_dma2 semaphore(%arg17 : memref<!tpu.dma_semaphore, #tpu.memory_space<semaphore_mem>>) src(%arg6 : memref<8x4134xf32, #tpu.memory_space<hbm>>) dst(%arg13 : memref<8x4134xf32, #tpu.memory_space<vmem>>)
    tpu.wait_dma2 semaphore(%arg17 : memref<!tpu.dma_semaphore, #tpu.memory_space<semaphore_mem>>) src(%arg6 : memref<8x4134xf32, #tpu.memory_space<hbm>>) dst(%arg14 : memref<8x4134xf32, #tpu.memory_space<vmem>>)
    tpu.wait_dma2 semaphore(%arg17 : memref<!tpu.dma_semaphore, #tpu.memory_space<semaphore_mem>>) src(%arg6 : memref<8x4134xf32, #tpu.memory_space<hbm>>) dst(%arg15 : memref<8x4134xf32, #tpu.memory_space<vmem>>)
    %while3A_177 = arith.constant 0 : i32
    %while3A_178 = arith.constant 0 : i32
    %while3A_179 = arith.subi %select_n3A_111, %while3A_177 : i32
    %while3A_180 = arith.addi %while3A_177, %while3A_179 : i32
    %while3A_181 = arith.constant 1 : i32
    %while3A_182 = arith.divsi %while3A_179, %while3A_181 : i32
    %while3A_183 = arith.muli %while3A_182, %while3A_181 : i32
    %while3A_184 = arith.addi %while3A_177, %while3A_183 : i32
    %while3A_185 = arith.constant 1 : i32
    %while3A_186 = scf.for %while3A_241 = %while3A_177 to %while3A_184 step %while3A_185 iter_args(%while3A_242 = %while3A_178) -> (i32)  : i32 {
      %mul3A_243 = arith.constant 16 : i32
      %mul3A_244 = arith.muli %while3A_241, %mul3A_243 : i32
      %add3A_245 = arith.constant 528 : i32
      %add3A_246 = arith.addi %add3A_245, %mul3A_244 : i32
      %get3A = arith.index_cast %add3A_246 : i32 to index
      %get3A_247 = tpu.vector_load %arg12[%get3A] {strides = array<i32>} : memref<1056xi32, #tpu.memory_space<vmem>>, vector<16xi32>,
      %gather3A = tpu.vector_load_idx %arg8[%get3A_247] : memref<528xf32, #tpu.memory_space<vmem>>[vector<16xi32>], vector<16xf32>,
      %gather3A_248 = tpu.vector_load_idx %arg9[%get3A_247] : memref<528xf32, #tpu.memory_space<vmem>>[vector<16xi32>], vector<16xf32>,
      %gather3A_249 = tpu.vector_load_idx %arg10[%get3A_247] : memref<528xf32, #tpu.memory_space<vmem>>[vector<16xi32>], vector<16xf32>,
      %gather3A_250 = tpu.vector_load_idx %arg11[%get3A_247] : memref<528xi32, #tpu.memory_space<vmem>>[vector<16xi32>], vector<16xi32>,
      %convert_element_type3A = arith.fptosi %gather3A : vector<16xf32> to vector<16xi32>
      %convert_element_type3A_251 = arith.fptosi %gather3A_248 : vector<16xf32> to vector<16xi32>
      %convert_element_type3A_252 = arith.sitofp %convert_element_type3A_251 : vector<16xi32> to vector<16xf32>
      %lt3A_253 = arith.cmpf olt, %convert_element_type3A_252, %gather3A_248 : vector<16xf32>
      %jit3A_254 = arith.constant 1 : i32
      %jit3A_255 = arith.constant 0 : i32
      %broadcast_in_dim3A_256 = vector.broadcast %jit3A_254 : i32 to vector<16xi32>
      %broadcast_in_dim3A_257 = vector.broadcast %jit3A_255 : i32 to vector<16xi32>
      %select_n3A_258 = arith.select %lt3A_253, %broadcast_in_dim3A_256, %broadcast_in_dim3A_257 : vector<16xi1>, vector<16xi32>
      %add3A_259 = arith.addi %convert_element_type3A_251, %select_n3A_258 : vector<16xi32>
      %convert_element_type3A_260 = arith.sitofp %convert_element_type3A : vector<16xi32> to vector<16xf32>
      %convert_element_type3A_261 = arith.sitofp %add3A_259 : vector<16xi32> to vector<16xf32>
      %min3A = arith.constant 4.134000e+03 : f32
      %min3A_262 = vector.broadcast %min3A : f32 to vector<16xf32>
      %min3A_263 = arith.minimumf %convert_element_type3A_261, %min3A_262 : vector<16xf32>
      %sub3A_264 = arith.constant 6 : i32
      %sub3A_265 = vector.broadcast %sub3A_264 : i32 to vector<16xi32>
      %sub3A_266 = arith.subi %convert_element_type3A, %sub3A_265 : vector<16xi32>
      %max3A = arith.constant 0 : i32
      %max3A_267 = vector.broadcast %max3A : i32 to vector<16xi32>
      %max3A_268 = arith.maxsi %sub3A_266, %max3A_267 : vector<16xi32>
      %and3A_269 = arith.constant -16 : i32
      %and3A_270 = vector.broadcast %and3A_269 : i32 to vector<16xi32>
      %and3A_271 = arith.andi %max3A_268, %and3A_270 : vector<16xi32>
      %add3A_272 = arith.constant 7 : i32
      %add3A_273 = vector.broadcast %add3A_272 : i32 to vector<16xi32>
      %add3A_274 = arith.addi %add3A_259, %add3A_273 : vector<16xi32>
      %min3A_275 = arith.constant 4134 : i32
      %min3A_276 = vector.broadcast %min3A_275 : i32 to vector<16xi32>
      %min3A_277 = arith.minsi %add3A_274, %min3A_276 : vector<16xi32>
      %sub3A_278 = vector.broadcast %add3A_176 : i32 to vector<16xi32>
      %sub3A_279 = arith.subi %gather3A_250, %sub3A_278 : vector<16xi32>
      %scan3A_280 = arith.constant 0 : i32
      %scan3A_281 = arith.constant 0 : i32
      %scan3A_282 = arith.constant 16 : i32
      %scan3A_283 = arith.addi %scan3A_281, %scan3A_282 : i32
      %scan3A_284 = arith.constant 1 : i32
      %scan3A_285 = scf.for %scan3A_288 = %scan3A_281 to %scan3A_283 step %scan3A_284 iter_args(%scan3A_289 = %scan3A_280) -> (i32)  : i32 {
        %broadcast_in_dim3A_290 = arith.constant 0 : i32
        %broadcast_in_dim3A_291 = vector.broadcast %broadcast_in_dim3A_290 : i32 to vector<16xi32>
        %add3A_292 = vector.broadcast %scan3A_288 : i32 to vector<16xi32>
        %add3A_293 = arith.addi %broadcast_in_dim3A_291, %add3A_292 : vector<16xi32>
        %eq3A_294 = vector.broadcast %scan3A_288 : i32 to vector<16xi32>
        %eq3A_295 = arith.cmpi eq, %iota3A, %eq3A_294 : vector<16xi32>
        %broadcast_in_dim3A_296 = vector.shape_cast %add3A_293 : vector<16xi32> to vector<16x1xi32>
        %gather3A_297 = vector.shape_cast %broadcast_in_dim3A_296 : vector<16x1xi32> to vector<16xi32>
        %gather3A_298 = tpu.dynamic_gather %gather3A[%gather3A_297] in [0] : vector<16xf32>, vector<16xi32> -> vector<16xf32>
        %broadcast_in_dim3A_299 = vector.shape_cast %add3A_293 : vector<16xi32> to vector<16x1xi32>
        %gather3A_300 = vector.shape_cast %broadcast_in_dim3A_299 : vector<16x1xi32> to vector<16xi32>
        %gather3A_301 = tpu.dynamic_gather %gather3A_248[%gather3A_300] in [0] : vector<16xf32>, vector<16xi32> -> vector<16xf32>
        %broadcast_in_dim3A_302 = vector.shape_cast %add3A_293 : vector<16xi32> to vector<16x1xi32>
        %gather3A_303 = vector.shape_cast %broadcast_in_dim3A_302 : vector<16x1xi32> to vector<16xi32>
        %gather3A_304 = tpu.dynamic_gather %gather3A_249[%gather3A_303] in [0] : vector<16xf32>, vector<16xi32> -> vector<16xf32>
        %broadcast_in_dim3A_305 = vector.shape_cast %add3A_293 : vector<16xi32> to vector<16x1xi32>
        %gather3A_306 = vector.shape_cast %broadcast_in_dim3A_305 : vector<16x1xi32> to vector<16xi32>
        %gather3A_307 = tpu.dynamic_gather %convert_element_type3A_260[%gather3A_306] in [0] : vector<16xf32>, vector<16xi32> -> vector<16xf32>
        %broadcast_in_dim3A_308 = vector.shape_cast %add3A_293 : vector<16xi32> to vector<16x1xi32>
        %gather3A_309 = vector.shape_cast %broadcast_in_dim3A_308 : vector<16x1xi32> to vector<16xi32>
        %gather3A_310 = tpu.dynamic_gather %min3A_263[%gather3A_309] in [0] : vector<16xf32>, vector<16xi32> -> vector<16xf32>
        %jit3A_311 = arith.constant 0 : i32
        %broadcast_in_dim3A_312 = vector.broadcast %jit3A_311 : i32 to vector<16xi32>
        %select_n3A_313 = arith.select %eq3A_295, %and3A_271, %broadcast_in_dim3A_312 : vector<16xi1>, vector<16xi32>
        %reduce_sum3A = arith.constant true
        %reduce_sum3A_314 = vector.broadcast %reduce_sum3A : i1 to vector<16xi1>
        %reduce_sum3A_315 = tpu.scan <sum>, %select_n3A_313 masked %reduce_sum3A_314 : vector<16xi32>, vector<16xi1> -> vector<16xi32>
        %reduce_sum3A_316 = vector.extract %reduce_sum3A_315[15] : i32 from vector<16xi32>
        %jit3A_317 = arith.constant 0 : i32
        %broadcast_in_dim3A_318 = vector.broadcast %jit3A_317 : i32 to vector<16xi32>
        %select_n3A_319 = arith.select %eq3A_295, %min3A_277, %broadcast_in_dim3A_318 : vector<16xi1>, vector<16xi32>
        %reduce_sum3A_320 = arith.constant true
        %reduce_sum3A_321 = vector.broadcast %reduce_sum3A_320 : i1 to vector<16xi1>
        %reduce_sum3A_322 = tpu.scan <sum>, %select_n3A_319 masked %reduce_sum3A_321 : vector<16xi32>, vector<16xi1> -> vector<16xi32>
        %reduce_sum3A_323 = vector.extract %reduce_sum3A_322[15] : i32 from vector<16xi32>
        %jit3A_324 = arith.constant 0 : i32
        %broadcast_in_dim3A_325 = vector.broadcast %jit3A_324 : i32 to vector<16xi32>
        %select_n3A_326 = arith.select %eq3A_295, %sub3A_279, %broadcast_in_dim3A_325 : vector<16xi1>, vector<16xi32>
        %reduce_sum3A_327 = arith.constant true
        %reduce_sum3A_328 = vector.broadcast %reduce_sum3A_327 : i1 to vector<16xi1>
        %reduce_sum3A_329 = tpu.scan <sum>, %select_n3A_326 masked %reduce_sum3A_328 : vector<16xi32>, vector<16xi1> -> vector<16xi32>
        %reduce_sum3A_330 = vector.extract %reduce_sum3A_329[15] : i32 from vector<16xi32>
        %sub3A_331 = arith.subi %reduce_sum3A_323, %reduce_sum3A_316 : i32
        %max3A_332 = arith.constant 0 : i32
        %max3A_333 = arith.maxsi %sub3A_331, %max3A_332 : i32
        %add3A_334 = arith.constant 15 : i32
        %add3A_335 = arith.addi %max3A_333, %add3A_334 : i32
        %jit3A_336 = arith.constant 16 : i32
        %div3A_337 = arith.divsi %add3A_335, %jit3A_336 : i32
        %sign3A_338 = arith.constant 0 : i32
        %sign3A_339 = arith.cmpi sgt, %add3A_335, %sign3A_338 : i32
        %sign3A_340 = arith.extui %sign3A_339 : i1 to i32
        %sign3A_341 = arith.constant 0 : i32
        %sign3A_342 = arith.cmpi slt, %add3A_335, %sign3A_341 : i32
        %sign3A_343 = arith.extui %sign3A_342 : i1 to i32
        %sign3A_344 = arith.subi %sign3A_340, %sign3A_343 : i32
        %sign3A_345 = arith.constant 0 : i32
        %sign3A_346 = arith.cmpi sgt, %jit3A_336, %sign3A_345 : i32
        %sign3A_347 = arith.extui %sign3A_346 : i1 to i32
        %sign3A_348 = arith.constant 0 : i32
        %sign3A_349 = arith.cmpi slt, %jit3A_336, %sign3A_348 : i32
        %sign3A_350 = arith.extui %sign3A_349 : i1 to i32
        %sign3A_351 = arith.subi %sign3A_347, %sign3A_350 : i32
        %ne3A_352 = arith.cmpi ne, %sign3A_344, %sign3A_351 : i32
        %rem3A_353 = arith.remsi %add3A_335, %jit3A_336 : i32
        %ne3A_354 = arith.constant 0 : i32
        %ne3A_355 = arith.cmpi ne, %rem3A_353, %ne3A_354 : i32
        %and3A_356 = arith.andi %ne3A_352, %ne3A_355 : i1
        %sub3A_357 = arith.constant 1 : i32
        %sub3A_358 = arith.subi %div3A_337, %sub3A_357 : i32
        %select_n3A_359 = arith.select %and3A_356, %sub3A_358, %div3A_337 : i32
        %while3A_360 = arith.constant 0 : i32
        %while3A_361 = arith.constant 0 : i32
        %while3A_362 = arith.subi %select_n3A_359, %while3A_360 : i32
        %while3A_363 = arith.addi %while3A_360, %while3A_362 : i32
        %while3A_364 = arith.constant 1 : i32
        %while3A_365 = arith.divsi %while3A_362, %while3A_364 : i32
        %while3A_366 = arith.muli %while3A_365, %while3A_364 : i32
        %while3A_367 = arith.addi %while3A_360, %while3A_366 : i32
        %while3A_368 = arith.constant 1 : i32
        %while3A_369 = scf.for %while3A_373 = %while3A_360 to %while3A_367 step %while3A_368 iter_args(%while3A_374 = %while3A_361) -> (i32)  : i32 {
          %mul3A_375 = arith.constant 16 : i32
          %mul3A_376 = arith.muli %while3A_373, %mul3A_375 : i32
          %add3A_377 = arith.addi %reduce_sum3A_316, %mul3A_376 : i32
          %add3A_378 = vector.broadcast %add3A_377 : i32 to vector<16xi32>
          %add3A_379 = arith.addi %add3A_378, %iota3A : vector<16xi32>
          %convert_element_type3A_380 = arith.sitofp %add3A_379 : vector<16xi32> to vector<16xf32>
          %sub3A_381 = arith.subf %convert_element_type3A_380, %gather3A_298 : vector<16xf32>
          %mul3A_382 = arith.constant 2.01580381 : f32
          %mul3A_383 = vector.broadcast %mul3A_382 : f32 to vector<16xf32>
          %mul3A_384 = arith.mulf %sub3A_381, %mul3A_383 : vector<16xf32>
          %mul3A_385 = arith.constant -5.000000e-01 : f32
          %mul3A_386 = vector.broadcast %mul3A_385 : f32 to vector<16xf32>
          %mul3A_387 = arith.mulf %mul3A_386, %mul3A_384 : vector<16xf32>
          %mul3A_388 = arith.mulf %mul3A_387, %mul3A_384 : vector<16xf32>
          %exp3A = math.exp %mul3A_388 : vector<16xf32>
          %mul3A_389 = arith.mulf %exp3A, %gather3A_304 : vector<16xf32>
          %ge3A = arith.cmpf oge, %convert_element_type3A_380, %gather3A_307 : vector<16xf32>
          %lt3A_390 = arith.cmpf olt, %convert_element_type3A_380, %gather3A_310 : vector<16xf32>
          %and3A_391 = arith.andi %ge3A, %lt3A_390 : vector<16xi1>
          %jit3A_392 = arith.constant 1.000000e+00 : f32
          %jit3A_393 = arith.constant 0.000000e+00 : f32
          %broadcast_in_dim3A_394 = vector.broadcast %jit3A_392 : f32 to vector<16xf32>
          %broadcast_in_dim3A_395 = vector.broadcast %jit3A_393 : f32 to vector<16xf32>
          %select_n3A_396 = arith.select %and3A_391, %broadcast_in_dim3A_394, %broadcast_in_dim3A_395 : vector<16xi1>, vector<16xf32>
          %sub3A_397 = arith.subf %convert_element_type3A_380, %gather3A_301 : vector<16xf32>
          %mul3A_398 = arith.constant 2.01580381 : f32
          %mul3A_399 = vector.broadcast %mul3A_398 : f32 to vector<16xf32>
          %mul3A_400 = arith.mulf %sub3A_397, %mul3A_399 : vector<16xf32>
          %ge3A_401 = arith.cmpf oge, %convert_element_type3A_380, %gather3A_301 : vector<16xf32>
          %mul3A_402 = arith.constant -5.000000e-01 : f32
          %mul3A_403 = vector.broadcast %mul3A_402 : f32 to vector<16xf32>
          %mul3A_404 = arith.mulf %mul3A_403, %mul3A_400 : vector<16xf32>
          %mul3A_405 = arith.mulf %mul3A_404, %mul3A_400 : vector<16xf32>
          %exp3A_406 = math.exp %mul3A_405 : vector<16xf32>
          %mul3A_407 = arith.constant 1.000000e-01 : f32
          %mul3A_408 = vector.broadcast %mul3A_407 : f32 to vector<16xf32>
          %mul3A_409 = arith.mulf %exp3A_406, %mul3A_408 : vector<16xf32>
          %jit3A_410 = arith.constant 0.000000e+00 : f32
          %broadcast_in_dim3A_411 = vector.broadcast %jit3A_410 : f32 to vector<16xf32>
          %select_n3A_412 = arith.select %ge3A_401, %mul3A_409, %broadcast_in_dim3A_411 : vector<16xi1>, vector<16xf32>
          %add3A_413 = arith.addf %select_n3A_396, %select_n3A_412 : vector<16xf32>
          %mul3A_414 = arith.mulf %add3A_413, %gather3A_304 : vector<16xf32>
          %swap3A_415 = arith.index_cast %reduce_sum3A_330 : i32 to index
          %swap3A_416 = arith.index_cast %add3A_377 : i32 to index
          %swap3A_417 = tpu.vector_load %arg13[%swap3A_415, %swap3A_416] {strides = array<i32>} : memref<8x4134xf32, #tpu.memory_space<vmem>>, vector<16xf32>,
          tpu.vector_store %arg13[%swap3A_415, %swap3A_416], %mul3A_389 {add = true, strides = array<i32>} : memref<8x4134xf32, #tpu.memory_space<vmem>>, vector<16xf32>,
          %swap3A_418 = arith.index_cast %reduce_sum3A_330 : i32 to index
          %swap3A_419 = arith.index_cast %add3A_377 : i32 to index
          %swap3A_420 = tpu.vector_load %arg14[%swap3A_418, %swap3A_419] {strides = array<i32>} : memref<8x4134xf32, #tpu.memory_space<vmem>>, vector<16xf32>,
          tpu.vector_store %arg14[%swap3A_418, %swap3A_419], %add3A_413 {add = true, strides = array<i32>} : memref<8x4134xf32, #tpu.memory_space<vmem>>, vector<16xf32>,
          %swap3A_421 = arith.index_cast %reduce_sum3A_330 : i32 to index
          %swap3A_422 = arith.index_cast %add3A_377 : i32 to index
          %swap3A_423 = tpu.vector_load %arg15[%swap3A_421, %swap3A_422] {strides = array<i32>} : memref<8x4134xf32, #tpu.memory_space<vmem>>, vector<16xf32>,
          tpu.vector_store %arg15[%swap3A_421, %swap3A_422], %mul3A_414 {add = true, strides = array<i32>} : memref<8x4134xf32, #tpu.memory_space<vmem>>, vector<16xf32>,
          %while3A_424 = arith.constant 0 : i32
          scf.yield %while3A_424 : i32
        }
        %while3A_370 = arith.constant 1 : i32
        %while3A_371 = scf.for %while3A_373 = %while3A_367 to %while3A_363 step %while3A_370 iter_args(%while3A_374 = %while3A_369) -> (i32)  : i32 {
          %mul3A_375 = arith.constant 16 : i32
          %mul3A_376 = arith.muli %while3A_373, %mul3A_375 : i32
          %add3A_377 = arith.addi %reduce_sum3A_316, %mul3A_376 : i32
          %add3A_378 = vector.broadcast %add3A_377 : i32 to vector<16xi32>
          %add3A_379 = arith.addi %add3A_378, %iota3A : vector<16xi32>
          %convert_element_type3A_380 = arith.sitofp %add3A_379 : vector<16xi32> to vector<16xf32>
          %sub3A_381 = arith.subf %convert_element_type3A_380, %gather3A_298 : vector<16xf32>
          %mul3A_382 = arith.constant 2.01580381 : f32
          %mul3A_383 = vector.broadcast %mul3A_382 : f32 to vector<16xf32>
          %mul3A_384 = arith.mulf %sub3A_381, %mul3A_383 : vector<16xf32>
          %mul3A_385 = arith.constant -5.000000e-01 : f32
          %mul3A_386 = vector.broadcast %mul3A_385 : f32 to vector<16xf32>
          %mul3A_387 = arith.mulf %mul3A_386, %mul3A_384 : vector<16xf32>
          %mul3A_388 = arith.mulf %mul3A_387, %mul3A_384 : vector<16xf32>
          %exp3A = math.exp %mul3A_388 : vector<16xf32>
          %mul3A_389 = arith.mulf %exp3A, %gather3A_304 : vector<16xf32>
          %ge3A = arith.cmpf oge, %convert_element_type3A_380, %gather3A_307 : vector<16xf32>
          %lt3A_390 = arith.cmpf olt, %convert_element_type3A_380, %gather3A_310 : vector<16xf32>
          %and3A_391 = arith.andi %ge3A, %lt3A_390 : vector<16xi1>
          %jit3A_392 = arith.constant 1.000000e+00 : f32
          %jit3A_393 = arith.constant 0.000000e+00 : f32
          %broadcast_in_dim3A_394 = vector.broadcast %jit3A_392 : f32 to vector<16xf32>
          %broadcast_in_dim3A_395 = vector.broadcast %jit3A_393 : f32 to vector<16xf32>
          %select_n3A_396 = arith.select %and3A_391, %broadcast_in_dim3A_394, %broadcast_in_dim3A_395 : vector<16xi1>, vector<16xf32>
          %sub3A_397 = arith.subf %convert_element_type3A_380, %gather3A_301 : vector<16xf32>
          %mul3A_398 = arith.constant 2.01580381 : f32
          %mul3A_399 = vector.broadcast %mul3A_398 : f32 to vector<16xf32>
          %mul3A_400 = arith.mulf %sub3A_397, %mul3A_399 : vector<16xf32>
          %ge3A_401 = arith.cmpf oge, %convert_element_type3A_380, %gather3A_301 : vector<16xf32>
          %mul3A_402 = arith.constant -5.000000e-01 : f32
          %mul3A_403 = vector.broadcast %mul3A_402 : f32 to vector<16xf32>
          %mul3A_404 = arith.mulf %mul3A_403, %mul3A_400 : vector<16xf32>
          %mul3A_405 = arith.mulf %mul3A_404, %mul3A_400 : vector<16xf32>
          %exp3A_406 = math.exp %mul3A_405 : vector<16xf32>
          %mul3A_407 = arith.constant 1.000000e-01 : f32
          %mul3A_408 = vector.broadcast %mul3A_407 : f32 to vector<16xf32>
          %mul3A_409 = arith.mulf %exp3A_406, %mul3A_408 : vector<16xf32>
          %jit3A_410 = arith.constant 0.000000e+00 : f32
          %broadcast_in_dim3A_411 = vector.broadcast %jit3A_410 : f32 to vector<16xf32>
          %select_n3A_412 = arith.select %ge3A_401, %mul3A_409, %broadcast_in_dim3A_411 : vector<16xi1>, vector<16xf32>
          %add3A_413 = arith.addf %select_n3A_396, %select_n3A_412 : vector<16xf32>
          %mul3A_414 = arith.mulf %add3A_413, %gather3A_304 : vector<16xf32>
          %swap3A_415 = arith.index_cast %reduce_sum3A_330 : i32 to index
          %swap3A_416 = arith.index_cast %add3A_377 : i32 to index
          %swap3A_417 = tpu.vector_load %arg13[%swap3A_415, %swap3A_416] {strides = array<i32>} : memref<8x4134xf32, #tpu.memory_space<vmem>>, vector<16xf32>,
          tpu.vector_store %arg13[%swap3A_415, %swap3A_416], %mul3A_389 {add = true, strides = array<i32>} : memref<8x4134xf32, #tpu.memory_space<vmem>>, vector<16xf32>,
          %swap3A_418 = arith.index_cast %reduce_sum3A_330 : i32 to index
          %swap3A_419 = arith.index_cast %add3A_377 : i32 to index
          %swap3A_420 = tpu.vector_load %arg14[%swap3A_418, %swap3A_419] {strides = array<i32>} : memref<8x4134xf32, #tpu.memory_space<vmem>>, vector<16xf32>,
          tpu.vector_store %arg14[%swap3A_418, %swap3A_419], %add3A_413 {add = true, strides = array<i32>} : memref<8x4134xf32, #tpu.memory_space<vmem>>, vector<16xf32>,
          %swap3A_421 = arith.index_cast %reduce_sum3A_330 : i32 to index
          %swap3A_422 = arith.index_cast %add3A_377 : i32 to index
          %swap3A_423 = tpu.vector_load %arg15[%swap3A_421, %swap3A_422] {strides = array<i32>} : memref<8x4134xf32, #tpu.memory_space<vmem>>, vector<16xf32>,
          tpu.vector_store %arg15[%swap3A_421, %swap3A_422], %mul3A_414 {add = true, strides = array<i32>} : memref<8x4134xf32, #tpu.memory_space<vmem>>, vector<16xf32>,
          %while3A_424 = arith.constant 0 : i32
          scf.yield %while3A_424 : i32
        }
        %scan3A_372 = arith.constant 0 : i32
        scf.yield %scan3A_372 : i32
      }
      %scan3A_286 = arith.constant 16 : i32
      %while3A_287 = arith.constant 0 : i32
      scf.yield %while3A_287 : i32
    }
    %while3A_187 = arith.constant 1 : i32
    %while3A_188 = scf.for %while3A_241 = %while3A_184 to %while3A_180 step %while3A_187 iter_args(%while3A_242 = %while3A_186) -> (i32)  : i32 {
      %mul3A_243 = arith.constant 16 : i32
      %mul3A_244 = arith.muli %while3A_241, %mul3A_243 : i32
      %add3A_245 = arith.constant 528 : i32
      %add3A_246 = arith.addi %add3A_245, %mul3A_244 : i32
      %get3A = arith.index_cast %add3A_246 : i32 to index
      %get3A_247 = tpu.vector_load %arg12[%get3A] {strides = array<i32>} : memref<1056xi32, #tpu.memory_space<vmem>>, vector<16xi32>,
      %gather3A = tpu.vector_load_idx %arg8[%get3A_247] : memref<528xf32, #tpu.memory_space<vmem>>[vector<16xi32>], vector<16xf32>,
      %gather3A_248 = tpu.vector_load_idx %arg9[%get3A_247] : memref<528xf32, #tpu.memory_space<vmem>>[vector<16xi32>], vector<16xf32>,
      %gather3A_249 = tpu.vector_load_idx %arg10[%get3A_247] : memref<528xf32, #tpu.memory_space<vmem>>[vector<16xi32>], vector<16xf32>,
      %gather3A_250 = tpu.vector_load_idx %arg11[%get3A_247] : memref<528xi32, #tpu.memory_space<vmem>>[vector<16xi32>], vector<16xi32>,
      %convert_element_type3A = arith.fptosi %gather3A : vector<16xf32> to vector<16xi32>
      %convert_element_type3A_251 = arith.fptosi %gather3A_248 : vector<16xf32> to vector<16xi32>
      %convert_element_type3A_252 = arith.sitofp %convert_element_type3A_251 : vector<16xi32> to vector<16xf32>
      %lt3A_253 = arith.cmpf olt, %convert_element_type3A_252, %gather3A_248 : vector<16xf32>
      %jit3A_254 = arith.constant 1 : i32
      %jit3A_255 = arith.constant 0 : i32
      %broadcast_in_dim3A_256 = vector.broadcast %jit3A_254 : i32 to vector<16xi32>
      %broadcast_in_dim3A_257 = vector.broadcast %jit3A_255 : i32 to vector<16xi32>
      %select_n3A_258 = arith.select %lt3A_253, %broadcast_in_dim3A_256, %broadcast_in_dim3A_257 : vector<16xi1>, vector<16xi32>
      %add3A_259 = arith.addi %convert_element_type3A_251, %select_n3A_258 : vector<16xi32>
      %convert_element_type3A_260 = arith.sitofp %convert_element_type3A : vector<16xi32> to vector<16xf32>
      %convert_element_type3A_261 = arith.sitofp %add3A_259 : vector<16xi32> to vector<16xf32>
      %min3A = arith.constant 4.134000e+03 : f32
      %min3A_262 = vector.broadcast %min3A : f32 to vector<16xf32>
      %min3A_263 = arith.minimumf %convert_element_type3A_261, %min3A_262 : vector<16xf32>
      %sub3A_264 = arith.constant 6 : i32
      %sub3A_265 = vector.broadcast %sub3A_264 : i32 to vector<16xi32>
      %sub3A_266 = arith.subi %convert_element_type3A, %sub3A_265 : vector<16xi32>
      %max3A = arith.constant 0 : i32
      %max3A_267 = vector.broadcast %max3A : i32 to vector<16xi32>
      %max3A_268 = arith.maxsi %sub3A_266, %max3A_267 : vector<16xi32>
      %and3A_269 = arith.constant -16 : i32
      %and3A_270 = vector.broadcast %and3A_269 : i32 to vector<16xi32>
      %and3A_271 = arith.andi %max3A_268, %and3A_270 : vector<16xi32>
      %add3A_272 = arith.constant 7 : i32
      %add3A_273 = vector.broadcast %add3A_272 : i32 to vector<16xi32>
      %add3A_274 = arith.addi %add3A_259, %add3A_273 : vector<16xi32>
      %min3A_275 = arith.constant 4134 : i32
      %min3A_276 = vector.broadcast %min3A_275 : i32 to vector<16xi32>
      %min3A_277 = arith.minsi %add3A_274, %min3A_276 : vector<16xi32>
      %sub3A_278 = vector.broadcast %add3A_176 : i32 to vector<16xi32>
      %sub3A_279 = arith.subi %gather3A_250, %sub3A_278 : vector<16xi32>
      %scan3A_280 = arith.constant 0 : i32
      %scan3A_281 = arith.constant 0 : i32
      %scan3A_282 = arith.constant 16 : i32
      %scan3A_283 = arith.addi %scan3A_281, %scan3A_282 : i32
      %scan3A_284 = arith.constant 1 : i32
      %scan3A_285 = scf.for %scan3A_288 = %scan3A_281 to %scan3A_283 step %scan3A_284 iter_args(%scan3A_289 = %scan3A_280) -> (i32)  : i32 {
        %broadcast_in_dim3A_290 = arith.constant 0 : i32
        %broadcast_in_dim3A_291 = vector.broadcast %broadcast_in_dim3A_290 : i32 to vector<16xi32>
        %add3A_292 = vector.broadcast %scan3A_288 : i32 to vector<16xi32>
        %add3A_293 = arith.addi %broadcast_in_dim3A_291, %add3A_292 : vector<16xi32>
        %eq3A_294 = vector.broadcast %scan3A_288 : i32 to vector<16xi32>
        %eq3A_295 = arith.cmpi eq, %iota3A, %eq3A_294 : vector<16xi32>
        %broadcast_in_dim3A_296 = vector.shape_cast %add3A_293 : vector<16xi32> to vector<16x1xi32>
        %gather3A_297 = vector.shape_cast %broadcast_in_dim3A_296 : vector<16x1xi32> to vector<16xi32>
        %gather3A_298 = tpu.dynamic_gather %gather3A[%gather3A_297] in [0] : vector<16xf32>, vector<16xi32> -> vector<16xf32>
        %broadcast_in_dim3A_299 = vector.shape_cast %add3A_293 : vector<16xi32> to vector<16x1xi32>
        %gather3A_300 = vector.shape_cast %broadcast_in_dim3A_299 : vector<16x1xi32> to vector<16xi32>
        %gather3A_301 = tpu.dynamic_gather %gather3A_248[%gather3A_300] in [0] : vector<16xf32>, vector<16xi32> -> vector<16xf32>
        %broadcast_in_dim3A_302 = vector.shape_cast %add3A_293 : vector<16xi32> to vector<16x1xi32>
        %gather3A_303 = vector.shape_cast %broadcast_in_dim3A_302 : vector<16x1xi32> to vector<16xi32>
        %gather3A_304 = tpu.dynamic_gather %gather3A_249[%gather3A_303] in [0] : vector<16xf32>, vector<16xi32> -> vector<16xf32>
        %broadcast_in_dim3A_305 = vector.shape_cast %add3A_293 : vector<16xi32> to vector<16x1xi32>
        %gather3A_306 = vector.shape_cast %broadcast_in_dim3A_305 : vector<16x1xi32> to vector<16xi32>
        %gather3A_307 = tpu.dynamic_gather %convert_element_type3A_260[%gather3A_306] in [0] : vector<16xf32>, vector<16xi32> -> vector<16xf32>
        %broadcast_in_dim3A_308 = vector.shape_cast %add3A_293 : vector<16xi32> to vector<16x1xi32>
        %gather3A_309 = vector.shape_cast %broadcast_in_dim3A_308 : vector<16x1xi32> to vector<16xi32>
        %gather3A_310 = tpu.dynamic_gather %min3A_263[%gather3A_309] in [0] : vector<16xf32>, vector<16xi32> -> vector<16xf32>
        %jit3A_311 = arith.constant 0 : i32
        %broadcast_in_dim3A_312 = vector.broadcast %jit3A_311 : i32 to vector<16xi32>
        %select_n3A_313 = arith.select %eq3A_295, %and3A_271, %broadcast_in_dim3A_312 : vector<16xi1>, vector<16xi32>
        %reduce_sum3A = arith.constant true
        %reduce_sum3A_314 = vector.broadcast %reduce_sum3A : i1 to vector<16xi1>
        %reduce_sum3A_315 = tpu.scan <sum>, %select_n3A_313 masked %reduce_sum3A_314 : vector<16xi32>, vector<16xi1> -> vector<16xi32>
        %reduce_sum3A_316 = vector.extract %reduce_sum3A_315[15] : i32 from vector<16xi32>
        %jit3A_317 = arith.constant 0 : i32
        %broadcast_in_dim3A_318 = vector.broadcast %jit3A_317 : i32 to vector<16xi32>
        %select_n3A_319 = arith.select %eq3A_295, %min3A_277, %broadcast_in_dim3A_318 : vector<16xi1>, vector<16xi32>
        %reduce_sum3A_320 = arith.constant true
        %reduce_sum3A_321 = vector.broadcast %reduce_sum3A_320 : i1 to vector<16xi1>
        %reduce_sum3A_322 = tpu.scan <sum>, %select_n3A_319 masked %reduce_sum3A_321 : vector<16xi32>, vector<16xi1> -> vector<16xi32>
        %reduce_sum3A_323 = vector.extract %reduce_sum3A_322[15] : i32 from vector<16xi32>
        %jit3A_324 = arith.constant 0 : i32
        %broadcast_in_dim3A_325 = vector.broadcast %jit3A_324 : i32 to vector<16xi32>
        %select_n3A_326 = arith.select %eq3A_295, %sub3A_279, %broadcast_in_dim3A_325 : vector<16xi1>, vector<16xi32>
        %reduce_sum3A_327 = arith.constant true
        %reduce_sum3A_328 = vector.broadcast %reduce_sum3A_327 : i1 to vector<16xi1>
        %reduce_sum3A_329 = tpu.scan <sum>, %select_n3A_326 masked %reduce_sum3A_328 : vector<16xi32>, vector<16xi1> -> vector<16xi32>
        %reduce_sum3A_330 = vector.extract %reduce_sum3A_329[15] : i32 from vector<16xi32>
        %sub3A_331 = arith.subi %reduce_sum3A_323, %reduce_sum3A_316 : i32
        %max3A_332 = arith.constant 0 : i32
        %max3A_333 = arith.maxsi %sub3A_331, %max3A_332 : i32
        %add3A_334 = arith.constant 15 : i32
        %add3A_335 = arith.addi %max3A_333, %add3A_334 : i32
        %jit3A_336 = arith.constant 16 : i32
        %div3A_337 = arith.divsi %add3A_335, %jit3A_336 : i32
        %sign3A_338 = arith.constant 0 : i32
        %sign3A_339 = arith.cmpi sgt, %add3A_335, %sign3A_338 : i32
        %sign3A_340 = arith.extui %sign3A_339 : i1 to i32
        %sign3A_341 = arith.constant 0 : i32
        %sign3A_342 = arith.cmpi slt, %add3A_335, %sign3A_341 : i32
        %sign3A_343 = arith.extui %sign3A_342 : i1 to i32
        %sign3A_344 = arith.subi %sign3A_340, %sign3A_343 : i32
        %sign3A_345 = arith.constant 0 : i32
        %sign3A_346 = arith.cmpi sgt, %jit3A_336, %sign3A_345 : i32
        %sign3A_347 = arith.extui %sign3A_346 : i1 to i32
        %sign3A_348 = arith.constant 0 : i32
        %sign3A_349 = arith.cmpi slt, %jit3A_336, %sign3A_348 : i32
        %sign3A_350 = arith.extui %sign3A_349 : i1 to i32
        %sign3A_351 = arith.subi %sign3A_347, %sign3A_350 : i32
        %ne3A_352 = arith.cmpi ne, %sign3A_344, %sign3A_351 : i32
        %rem3A_353 = arith.remsi %add3A_335, %jit3A_336 : i32
        %ne3A_354 = arith.constant 0 : i32
        %ne3A_355 = arith.cmpi ne, %rem3A_353, %ne3A_354 : i32
        %and3A_356 = arith.andi %ne3A_352, %ne3A_355 : i1
        %sub3A_357 = arith.constant 1 : i32
        %sub3A_358 = arith.subi %div3A_337, %sub3A_357 : i32
        %select_n3A_359 = arith.select %and3A_356, %sub3A_358, %div3A_337 : i32
        %while3A_360 = arith.constant 0 : i32
        %while3A_361 = arith.constant 0 : i32
        %while3A_362 = arith.subi %select_n3A_359, %while3A_360 : i32
        %while3A_363 = arith.addi %while3A_360, %while3A_362 : i32
        %while3A_364 = arith.constant 1 : i32
        %while3A_365 = arith.divsi %while3A_362, %while3A_364 : i32
        %while3A_366 = arith.muli %while3A_365, %while3A_364 : i32
        %while3A_367 = arith.addi %while3A_360, %while3A_366 : i32
        %while3A_368 = arith.constant 1 : i32
        %while3A_369 = scf.for %while3A_373 = %while3A_360 to %while3A_367 step %while3A_368 iter_args(%while3A_374 = %while3A_361) -> (i32)  : i32 {
          %mul3A_375 = arith.constant 16 : i32
          %mul3A_376 = arith.muli %while3A_373, %mul3A_375 : i32
          %add3A_377 = arith.addi %reduce_sum3A_316, %mul3A_376 : i32
          %add3A_378 = vector.broadcast %add3A_377 : i32 to vector<16xi32>
          %add3A_379 = arith.addi %add3A_378, %iota3A : vector<16xi32>
          %convert_element_type3A_380 = arith.sitofp %add3A_379 : vector<16xi32> to vector<16xf32>
          %sub3A_381 = arith.subf %convert_element_type3A_380, %gather3A_298 : vector<16xf32>
          %mul3A_382 = arith.constant 2.01580381 : f32
          %mul3A_383 = vector.broadcast %mul3A_382 : f32 to vector<16xf32>
          %mul3A_384 = arith.mulf %sub3A_381, %mul3A_383 : vector<16xf32>
          %mul3A_385 = arith.constant -5.000000e-01 : f32
          %mul3A_386 = vector.broadcast %mul3A_385 : f32 to vector<16xf32>
          %mul3A_387 = arith.mulf %mul3A_386, %mul3A_384 : vector<16xf32>
          %mul3A_388 = arith.mulf %mul3A_387, %mul3A_384 : vector<16xf32>
          %exp3A = math.exp %mul3A_388 : vector<16xf32>
          %mul3A_389 = arith.mulf %exp3A, %gather3A_304 : vector<16xf32>
          %ge3A = arith.cmpf oge, %convert_element_type3A_380, %gather3A_307 : vector<16xf32>
          %lt3A_390 = arith.cmpf olt, %convert_element_type3A_380, %gather3A_310 : vector<16xf32>
          %and3A_391 = arith.andi %ge3A, %lt3A_390 : vector<16xi1>
          %jit3A_392 = arith.constant 1.000000e+00 : f32
          %jit3A_393 = arith.constant 0.000000e+00 : f32
          %broadcast_in_dim3A_394 = vector.broadcast %jit3A_392 : f32 to vector<16xf32>
          %broadcast_in_dim3A_395 = vector.broadcast %jit3A_393 : f32 to vector<16xf32>
          %select_n3A_396 = arith.select %and3A_391, %broadcast_in_dim3A_394, %broadcast_in_dim3A_395 : vector<16xi1>, vector<16xf32>
          %sub3A_397 = arith.subf %convert_element_type3A_380, %gather3A_301 : vector<16xf32>
          %mul3A_398 = arith.constant 2.01580381 : f32
          %mul3A_399 = vector.broadcast %mul3A_398 : f32 to vector<16xf32>
          %mul3A_400 = arith.mulf %sub3A_397, %mul3A_399 : vector<16xf32>
          %ge3A_401 = arith.cmpf oge, %convert_element_type3A_380, %gather3A_301 : vector<16xf32>
          %mul3A_402 = arith.constant -5.000000e-01 : f32
          %mul3A_403 = vector.broadcast %mul3A_402 : f32 to vector<16xf32>
          %mul3A_404 = arith.mulf %mul3A_403, %mul3A_400 : vector<16xf32>
          %mul3A_405 = arith.mulf %mul3A_404, %mul3A_400 : vector<16xf32>
          %exp3A_406 = math.exp %mul3A_405 : vector<16xf32>
          %mul3A_407 = arith.constant 1.000000e-01 : f32
          %mul3A_408 = vector.broadcast %mul3A_407 : f32 to vector<16xf32>
          %mul3A_409 = arith.mulf %exp3A_406, %mul3A_408 : vector<16xf32>
          %jit3A_410 = arith.constant 0.000000e+00 : f32
          %broadcast_in_dim3A_411 = vector.broadcast %jit3A_410 : f32 to vector<16xf32>
          %select_n3A_412 = arith.select %ge3A_401, %mul3A_409, %broadcast_in_dim3A_411 : vector<16xi1>, vector<16xf32>
          %add3A_413 = arith.addf %select_n3A_396, %select_n3A_412 : vector<16xf32>
          %mul3A_414 = arith.mulf %add3A_413, %gather3A_304 : vector<16xf32>
          %swap3A_415 = arith.index_cast %reduce_sum3A_330 : i32 to index
          %swap3A_416 = arith.index_cast %add3A_377 : i32 to index
          %swap3A_417 = tpu.vector_load %arg13[%swap3A_415, %swap3A_416] {strides = array<i32>} : memref<8x4134xf32, #tpu.memory_space<vmem>>, vector<16xf32>,
          tpu.vector_store %arg13[%swap3A_415, %swap3A_416], %mul3A_389 {add = true, strides = array<i32>} : memref<8x4134xf32, #tpu.memory_space<vmem>>, vector<16xf32>,
          %swap3A_418 = arith.index_cast %reduce_sum3A_330 : i32 to index
          %swap3A_419 = arith.index_cast %add3A_377 : i32 to index
          %swap3A_420 = tpu.vector_load %arg14[%swap3A_418, %swap3A_419] {strides = array<i32>} : memref<8x4134xf32, #tpu.memory_space<vmem>>, vector<16xf32>,
          tpu.vector_store %arg14[%swap3A_418, %swap3A_419], %add3A_413 {add = true, strides = array<i32>} : memref<8x4134xf32, #tpu.memory_space<vmem>>, vector<16xf32>,
          %swap3A_421 = arith.index_cast %reduce_sum3A_330 : i32 to index
          %swap3A_422 = arith.index_cast %add3A_377 : i32 to index
          %swap3A_423 = tpu.vector_load %arg15[%swap3A_421, %swap3A_422] {strides = array<i32>} : memref<8x4134xf32, #tpu.memory_space<vmem>>, vector<16xf32>,
          tpu.vector_store %arg15[%swap3A_421, %swap3A_422], %mul3A_414 {add = true, strides = array<i32>} : memref<8x4134xf32, #tpu.memory_space<vmem>>, vector<16xf32>,
          %while3A_424 = arith.constant 0 : i32
          scf.yield %while3A_424 : i32
        }
        %while3A_370 = arith.constant 1 : i32
        %while3A_371 = scf.for %while3A_373 = %while3A_367 to %while3A_363 step %while3A_370 iter_args(%while3A_374 = %while3A_369) -> (i32)  : i32 {
          %mul3A_375 = arith.constant 16 : i32
          %mul3A_376 = arith.muli %while3A_373, %mul3A_375 : i32
          %add3A_377 = arith.addi %reduce_sum3A_316, %mul3A_376 : i32
          %add3A_378 = vector.broadcast %add3A_377 : i32 to vector<16xi32>
          %add3A_379 = arith.addi %add3A_378, %iota3A : vector<16xi32>
          %convert_element_type3A_380 = arith.sitofp %add3A_379 : vector<16xi32> to vector<16xf32>
          %sub3A_381 = arith.subf %convert_element_type3A_380, %gather3A_298 : vector<16xf32>
          %mul3A_382 = arith.constant 2.01580381 : f32
          %mul3A_383 = vector.broadcast %mul3A_382 : f32 to vector<16xf32>
          %mul3A_384 = arith.mulf %sub3A_381, %mul3A_383 : vector<16xf32>
          %mul3A_385 = arith.constant -5.000000e-01 : f32
          %mul3A_386 = vector.broadcast %mul3A_385 : f32 to vector<16xf32>
          %mul3A_387 = arith.mulf %mul3A_386, %mul3A_384 : vector<16xf32>
          %mul3A_388 = arith.mulf %mul3A_387, %mul3A_384 : vector<16xf32>
          %exp3A = math.exp %mul3A_388 : vector<16xf32>
          %mul3A_389 = arith.mulf %exp3A, %gather3A_304 : vector<16xf32>
          %ge3A = arith.cmpf oge, %convert_element_type3A_380, %gather3A_307 : vector<16xf32>
          %lt3A_390 = arith.cmpf olt, %convert_element_type3A_380, %gather3A_310 : vector<16xf32>
          %and3A_391 = arith.andi %ge3A, %lt3A_390 : vector<16xi1>
          %jit3A_392 = arith.constant 1.000000e+00 : f32
          %jit3A_393 = arith.constant 0.000000e+00 : f32
          %broadcast_in_dim3A_394 = vector.broadcast %jit3A_392 : f32 to vector<16xf32>
          %broadcast_in_dim3A_395 = vector.broadcast %jit3A_393 : f32 to vector<16xf32>
          %select_n3A_396 = arith.select %and3A_391, %broadcast_in_dim3A_394, %broadcast_in_dim3A_395 : vector<16xi1>, vector<16xf32>
          %sub3A_397 = arith.subf %convert_element_type3A_380, %gather3A_301 : vector<16xf32>
          %mul3A_398 = arith.constant 2.01580381 : f32
          %mul3A_399 = vector.broadcast %mul3A_398 : f32 to vector<16xf32>
          %mul3A_400 = arith.mulf %sub3A_397, %mul3A_399 : vector<16xf32>
          %ge3A_401 = arith.cmpf oge, %convert_element_type3A_380, %gather3A_301 : vector<16xf32>
          %mul3A_402 = arith.constant -5.000000e-01 : f32
          %mul3A_403 = vector.broadcast %mul3A_402 : f32 to vector<16xf32>
          %mul3A_404 = arith.mulf %mul3A_403, %mul3A_400 : vector<16xf32>
          %mul3A_405 = arith.mulf %mul3A_404, %mul3A_400 : vector<16xf32>
          %exp3A_406 = math.exp %mul3A_405 : vector<16xf32>
          %mul3A_407 = arith.constant 1.000000e-01 : f32
          %mul3A_408 = vector.broadcast %mul3A_407 : f32 to vector<16xf32>
          %mul3A_409 = arith.mulf %exp3A_406, %mul3A_408 : vector<16xf32>
          %jit3A_410 = arith.constant 0.000000e+00 : f32
          %broadcast_in_dim3A_411 = vector.broadcast %jit3A_410 : f32 to vector<16xf32>
          %select_n3A_412 = arith.select %ge3A_401, %mul3A_409, %broadcast_in_dim3A_411 : vector<16xi1>, vector<16xf32>
          %add3A_413 = arith.addf %select_n3A_396, %select_n3A_412 : vector<16xf32>
          %mul3A_414 = arith.mulf %add3A_413, %gather3A_304 : vector<16xf32>
          %swap3A_415 = arith.index_cast %reduce_sum3A_330 : i32 to index
          %swap3A_416 = arith.index_cast %add3A_377 : i32 to index
          %swap3A_417 = tpu.vector_load %arg13[%swap3A_415, %swap3A_416] {strides = array<i32>} : memref<8x4134xf32, #tpu.memory_space<vmem>>, vector<16xf32>,
          tpu.vector_store %arg13[%swap3A_415, %swap3A_416], %mul3A_389 {add = true, strides = array<i32>} : memref<8x4134xf32, #tpu.memory_space<vmem>>, vector<16xf32>,
          %swap3A_418 = arith.index_cast %reduce_sum3A_330 : i32 to index
          %swap3A_419 = arith.index_cast %add3A_377 : i32 to index
          %swap3A_420 = tpu.vector_load %arg14[%swap3A_418, %swap3A_419] {strides = array<i32>} : memref<8x4134xf32, #tpu.memory_space<vmem>>, vector<16xf32>,
          tpu.vector_store %arg14[%swap3A_418, %swap3A_419], %add3A_413 {add = true, strides = array<i32>} : memref<8x4134xf32, #tpu.memory_space<vmem>>, vector<16xf32>,
          %swap3A_421 = arith.index_cast %reduce_sum3A_330 : i32 to index
          %swap3A_422 = arith.index_cast %add3A_377 : i32 to index
          %swap3A_423 = tpu.vector_load %arg15[%swap3A_421, %swap3A_422] {strides = array<i32>} : memref<8x4134xf32, #tpu.memory_space<vmem>>, vector<16xf32>,
          tpu.vector_store %arg15[%swap3A_421, %swap3A_422], %mul3A_414 {add = true, strides = array<i32>} : memref<8x4134xf32, #tpu.memory_space<vmem>>, vector<16xf32>,
          %while3A_424 = arith.constant 0 : i32
          scf.yield %while3A_424 : i32
        }
        %scan3A_372 = arith.constant 0 : i32
        scf.yield %scan3A_372 : i32
      }
      %scan3A_286 = arith.constant 16 : i32
      %while3A_287 = arith.constant 0 : i32
      scf.yield %while3A_287 : i32
    }
    %while3A_189 = arith.constant 0 : i32
    %while3A_190 = arith.constant 0 : i32
    %while3A_191 = arith.subi %select_n3A_111, %while3A_189 : i32
    %while3A_192 = arith.addi %while3A_189, %while3A_191 : i32
    %while3A_193 = arith.constant 1 : i32
    %while3A_194 = arith.divsi %while3A_191, %while3A_193 : i32
    %while3A_195 = arith.muli %while3A_194, %while3A_193 : i32
    %while3A_196 = arith.addi %while3A_189, %while3A_195 : i32
    %while3A_197 = arith.constant 1 : i32
    %while3A_198 = scf.for %while3A_241 = %while3A_189 to %while3A_196 step %while3A_197 iter_args(%while3A_242 = %while3A_190) -> (i32)  : i32 {
      %mul3A_243 = arith.constant 16 : i32
      %mul3A_244 = arith.muli %while3A_241, %mul3A_243 : i32
      %add3A_245 = arith.constant 528 : i32
      %add3A_246 = arith.addi %add3A_245, %mul3A_244 : i32
      %get3A = arith.index_cast %add3A_246 : i32 to index
      %get3A_247 = tpu.vector_load %arg12[%get3A] {strides = array<i32>} : memref<1056xi32, #tpu.memory_space<vmem>>, vector<16xi32>,
      %gather3A = tpu.vector_load_idx %arg8[%get3A_247] : memref<528xf32, #tpu.memory_space<vmem>>[vector<16xi32>], vector<16xf32>,
      %gather3A_248 = tpu.vector_load_idx %arg9[%get3A_247] : memref<528xf32, #tpu.memory_space<vmem>>[vector<16xi32>], vector<16xf32>,
      %gather3A_249 = tpu.vector_load_idx %arg11[%get3A_247] : memref<528xi32, #tpu.memory_space<vmem>>[vector<16xi32>], vector<16xi32>,
      %convert_element_type3A = arith.fptosi %gather3A : vector<16xf32> to vector<16xi32>
      %convert_element_type3A_250 = arith.fptosi %gather3A_248 : vector<16xf32> to vector<16xi32>
      %convert_element_type3A_251 = arith.sitofp %convert_element_type3A_250 : vector<16xi32> to vector<16xf32>
      %lt3A_252 = arith.cmpf olt, %convert_element_type3A_251, %gather3A_248 : vector<16xf32>
      %jit3A_253 = arith.constant 1 : i32
      %jit3A_254 = arith.constant 0 : i32
      %broadcast_in_dim3A_255 = vector.broadcast %jit3A_253 : i32 to vector<16xi32>
      %broadcast_in_dim3A_256 = vector.broadcast %jit3A_254 : i32 to vector<16xi32>
      %select_n3A_257 = arith.select %lt3A_252, %broadcast_in_dim3A_255, %broadcast_in_dim3A_256 : vector<16xi1>, vector<16xi32>
      %add3A_258 = arith.addi %convert_element_type3A_250, %select_n3A_257 : vector<16xi32>
      %sub3A_259 = arith.constant 6 : i32
      %sub3A_260 = vector.broadcast %sub3A_259 : i32 to vector<16xi32>
      %sub3A_261 = arith.subi %convert_element_type3A, %sub3A_260 : vector<16xi32>
      %max3A = arith.constant 0 : i32
      %max3A_262 = vector.broadcast %max3A : i32 to vector<16xi32>
      %max3A_263 = arith.maxsi %sub3A_261, %max3A_262 : vector<16xi32>
      %and3A_264 = arith.constant -16 : i32
      %and3A_265 = vector.broadcast %and3A_264 : i32 to vector<16xi32>
      %and3A_266 = arith.andi %max3A_263, %and3A_265 : vector<16xi32>
      %add3A_267 = arith.constant 7 : i32
      %add3A_268 = vector.broadcast %add3A_267 : i32 to vector<16xi32>
      %add3A_269 = arith.addi %add3A_258, %add3A_268 : vector<16xi32>
      %min3A = arith.constant 4134 : i32
      %min3A_270 = vector.broadcast %min3A : i32 to vector<16xi32>
      %min3A_271 = arith.minsi %add3A_269, %min3A_270 : vector<16xi32>
      %add3A_272 = arith.constant 8 : i32
      %add3A_273 = arith.addi %mul3A_32, %add3A_272 : i32
      %sub3A_274 = vector.broadcast %add3A_273 : i32 to vector<16xi32>
      %sub3A_275 = arith.subi %gather3A_249, %sub3A_274 : vector<16xi32>
      %scan3A_276 = arith.constant 0 : i32
      %scan3A_277 = arith.constant 0 : i32
      %scan3A_278 = arith.constant 16 : i32
      %scan3A_279 = arith.addi %scan3A_277, %scan3A_278 : i32
      %scan3A_280 = arith.constant 1 : i32
      %scan3A_281 = scf.for %scan3A_284 = %scan3A_277 to %scan3A_279 step %scan3A_280 iter_args(%scan3A_285 = %scan3A_276) -> (i32)  : i32 {
        %eq3A_286 = vector.broadcast %scan3A_284 : i32 to vector<16xi32>
        %eq3A_287 = arith.cmpi eq, %iota3A, %eq3A_286 : vector<16xi32>
        %jit3A_288 = arith.constant 0 : i32
        %broadcast_in_dim3A_289 = vector.broadcast %jit3A_288 : i32 to vector<16xi32>
        %select_n3A_290 = arith.select %eq3A_287, %and3A_266, %broadcast_in_dim3A_289 : vector<16xi1>, vector<16xi32>
        %reduce_sum3A = arith.constant true
        %reduce_sum3A_291 = vector.broadcast %reduce_sum3A : i1 to vector<16xi1>
        %reduce_sum3A_292 = tpu.scan <sum>, %select_n3A_290 masked %reduce_sum3A_291 : vector<16xi32>, vector<16xi1> -> vector<16xi32>
        %reduce_sum3A_293 = vector.extract %reduce_sum3A_292[15] : i32 from vector<16xi32>
        %jit3A_294 = arith.constant 0 : i32
        %broadcast_in_dim3A_295 = vector.broadcast %jit3A_294 : i32 to vector<16xi32>
        %select_n3A_296 = arith.select %eq3A_287, %min3A_271, %broadcast_in_dim3A_295 : vector<16xi1>, vector<16xi32>
        %reduce_sum3A_297 = arith.constant true
        %reduce_sum3A_298 = vector.broadcast %reduce_sum3A_297 : i1 to vector<16xi1>
        %reduce_sum3A_299 = tpu.scan <sum>, %select_n3A_296 masked %reduce_sum3A_298 : vector<16xi32>, vector<16xi1> -> vector<16xi32>
        %reduce_sum3A_300 = vector.extract %reduce_sum3A_299[15] : i32 from vector<16xi32>
        %jit3A_301 = arith.constant 0 : i32
        %broadcast_in_dim3A_302 = vector.broadcast %jit3A_301 : i32 to vector<16xi32>
        %select_n3A_303 = arith.select %eq3A_287, %sub3A_275, %broadcast_in_dim3A_302 : vector<16xi1>, vector<16xi32>
        %reduce_sum3A_304 = arith.constant true
        %reduce_sum3A_305 = vector.broadcast %reduce_sum3A_304 : i1 to vector<16xi1>
        %reduce_sum3A_306 = tpu.scan <sum>, %select_n3A_303 masked %reduce_sum3A_305 : vector<16xi32>, vector<16xi1> -> vector<16xi32>
        %reduce_sum3A_307 = vector.extract %reduce_sum3A_306[15] : i32 from vector<16xi32>
        %sub3A_308 = arith.subi %reduce_sum3A_300, %reduce_sum3A_293 : i32
        %max3A_309 = arith.constant 0 : i32
        %max3A_310 = arith.maxsi %sub3A_308, %max3A_309 : i32
        %add3A_311 = arith.constant 15 : i32
        %add3A_312 = arith.addi %max3A_310, %add3A_311 : i32
        %jit3A_313 = arith.constant 16 : i32
        %div3A_314 = arith.divsi %add3A_312, %jit3A_313 : i32
        %sign3A_315 = arith.constant 0 : i32
        %sign3A_316 = arith.cmpi sgt, %add3A_312, %sign3A_315 : i32
        %sign3A_317 = arith.extui %sign3A_316 : i1 to i32
        %sign3A_318 = arith.constant 0 : i32
        %sign3A_319 = arith.cmpi slt, %add3A_312, %sign3A_318 : i32
        %sign3A_320 = arith.extui %sign3A_319 : i1 to i32
        %sign3A_321 = arith.subi %sign3A_317, %sign3A_320 : i32
        %sign3A_322 = arith.constant 0 : i32
        %sign3A_323 = arith.cmpi sgt, %jit3A_313, %sign3A_322 : i32
        %sign3A_324 = arith.extui %sign3A_323 : i1 to i32
        %sign3A_325 = arith.constant 0 : i32
        %sign3A_326 = arith.cmpi slt, %jit3A_313, %sign3A_325 : i32
        %sign3A_327 = arith.extui %sign3A_326 : i1 to i32
        %sign3A_328 = arith.subi %sign3A_324, %sign3A_327 : i32
        %ne3A_329 = arith.cmpi ne, %sign3A_321, %sign3A_328 : i32
        %rem3A_330 = arith.remsi %add3A_312, %jit3A_313 : i32
        %ne3A_331 = arith.constant 0 : i32
        %ne3A_332 = arith.cmpi ne, %rem3A_330, %ne3A_331 : i32
        %and3A_333 = arith.andi %ne3A_329, %ne3A_332 : i1
        %sub3A_334 = arith.constant 1 : i32
        %sub3A_335 = arith.subi %div3A_314, %sub3A_334 : i32
        %select_n3A_336 = arith.select %and3A_333, %sub3A_335, %div3A_314 : i32
        %while3A_337 = arith.constant 0 : i32
        %while3A_338 = arith.constant 0 : i32
        %while3A_339 = arith.subi %select_n3A_336, %while3A_337 : i32
        %while3A_340 = arith.addi %while3A_337, %while3A_339 : i32
        %while3A_341 = arith.constant 1 : i32
        %while3A_342 = arith.divsi %while3A_339, %while3A_341 : i32
        %while3A_343 = arith.muli %while3A_342, %while3A_341 : i32
        %while3A_344 = arith.addi %while3A_337, %while3A_343 : i32
        %while3A_345 = arith.constant 1 : i32
        %while3A_346 = scf.for %while3A_350 = %while3A_337 to %while3A_344 step %while3A_345 iter_args(%while3A_351 = %while3A_338) -> (i32)  : i32 {
          %mul3A_352 = arith.constant 16 : i32
          %mul3A_353 = arith.muli %while3A_350, %mul3A_352 : i32
          %add3A_354 = arith.addi %reduce_sum3A_293, %mul3A_353 : i32
          %get3A_355 = arith.index_cast %reduce_sum3A_307 : i32 to index
          %get3A_356 = arith.index_cast %add3A_354 : i32 to index
          %get3A_357 = tpu.vector_load %arg13[%get3A_355, %get3A_356] {strides = array<i32>} : memref<8x4134xf32, #tpu.memory_space<vmem>>, vector<16xf32>,
          %jit3A_358 = arith.constant 0.000000e+00 : f32
          %jit3A_359 = arith.constant 1.000000e+00 : f32
          %max3A_360 = vector.broadcast %jit3A_358 : f32 to vector<16xf32>
          %max3A_361 = arith.maximumf %max3A_360, %get3A_357 : vector<16xf32>
          %min3A_362 = vector.broadcast %jit3A_359 : f32 to vector<16xf32>
          %min3A_363 = arith.minimumf %min3A_362, %max3A_361 : vector<16xf32>
          %swap3A_364 = arith.index_cast %reduce_sum3A_307 : i32 to index
          %swap3A_365 = arith.index_cast %add3A_354 : i32 to index
          %swap3A_366 = tpu.vector_load %arg13[%swap3A_364, %swap3A_365] {strides = array<i32>} : memref<8x4134xf32, #tpu.memory_space<vmem>>, vector<16xf32>,
          tpu.vector_store %arg13[%swap3A_364, %swap3A_365], %min3A_363 {strides = array<i32>} : memref<8x4134xf32, #tpu.memory_space<vmem>>, vector<16xf32>,
          %mul3A_367 = arith.constant 16 : i32
          %mul3A_368 = arith.muli %while3A_350, %mul3A_367 : i32
          %add3A_369 = arith.addi %reduce_sum3A_293, %mul3A_368 : i32
          %get3A_370 = arith.index_cast %reduce_sum3A_307 : i32 to index
          %get3A_371 = arith.index_cast %add3A_369 : i32 to index
          %get3A_372 = tpu.vector_load %arg14[%get3A_370, %get3A_371] {strides = array<i32>} : memref<8x4134xf32, #tpu.memory_space<vmem>>, vector<16xf32>,
          %jit3A_373 = arith.constant 0.000000e+00 : f32
          %jit3A_374 = arith.constant 1.000000e+00 : f32
          %max3A_375 = vector.broadcast %jit3A_373 : f32 to vector<16xf32>
          %max3A_376 = arith.maximumf %max3A_375, %get3A_372 : vector<16xf32>
          %min3A_377 = vector.broadcast %jit3A_374 : f32 to vector<16xf32>
          %min3A_378 = arith.minimumf %min3A_377, %max3A_376 : vector<16xf32>
          %swap3A_379 = arith.index_cast %reduce_sum3A_307 : i32 to index
          %swap3A_380 = arith.index_cast %add3A_369 : i32 to index
          %swap3A_381 = tpu.vector_load %arg14[%swap3A_379, %swap3A_380] {strides = array<i32>} : memref<8x4134xf32, #tpu.memory_space<vmem>>, vector<16xf32>,
          tpu.vector_store %arg14[%swap3A_379, %swap3A_380], %min3A_378 {strides = array<i32>} : memref<8x4134xf32, #tpu.memory_space<vmem>>, vector<16xf32>,
          %mul3A_382 = arith.constant 16 : i32
          %mul3A_383 = arith.muli %while3A_350, %mul3A_382 : i32
          %add3A_384 = arith.addi %reduce_sum3A_293, %mul3A_383 : i32
          %get3A_385 = arith.index_cast %reduce_sum3A_307 : i32 to index
          %get3A_386 = arith.index_cast %add3A_384 : i32 to index
          %get3A_387 = tpu.vector_load %arg15[%get3A_385, %get3A_386] {strides = array<i32>} : memref<8x4134xf32, #tpu.memory_space<vmem>>, vector<16xf32>,
          %jit3A_388 = arith.constant 0.000000e+00 : f32
          %jit3A_389 = arith.constant 1.000000e+00 : f32
          %max3A_390 = vector.broadcast %jit3A_388 : f32 to vector<16xf32>
          %max3A_391 = arith.maximumf %max3A_390, %get3A_387 : vector<16xf32>
          %min3A_392 = vector.broadcast %jit3A_389 : f32 to vector<16xf32>
          %min3A_393 = arith.minimumf %min3A_392, %max3A_391 : vector<16xf32>
          %swap3A_394 = arith.index_cast %reduce_sum3A_307 : i32 to index
          %swap3A_395 = arith.index_cast %add3A_384 : i32 to index
          %swap3A_396 = tpu.vector_load %arg15[%swap3A_394, %swap3A_395] {strides = array<i32>} : memref<8x4134xf32, #tpu.memory_space<vmem>>, vector<16xf32>,
          tpu.vector_store %arg15[%swap3A_394, %swap3A_395], %min3A_393 {strides = array<i32>} : memref<8x4134xf32, #tpu.memory_space<vmem>>, vector<16xf32>,
          %while3A_397 = arith.constant 0 : i32
          scf.yield %while3A_397 : i32
        }
        %while3A_347 = arith.constant 1 : i32
        %while3A_348 = scf.for %while3A_350 = %while3A_344 to %while3A_340 step %while3A_347 iter_args(%while3A_351 = %while3A_346) -> (i32)  : i32 {
          %mul3A_352 = arith.constant 16 : i32
          %mul3A_353 = arith.muli %while3A_350, %mul3A_352 : i32
          %add3A_354 = arith.addi %reduce_sum3A_293, %mul3A_353 : i32
          %get3A_355 = arith.index_cast %reduce_sum3A_307 : i32 to index
          %get3A_356 = arith.index_cast %add3A_354 : i32 to index
          %get3A_357 = tpu.vector_load %arg13[%get3A_355, %get3A_356] {strides = array<i32>} : memref<8x4134xf32, #tpu.memory_space<vmem>>, vector<16xf32>,
          %jit3A_358 = arith.constant 0.000000e+00 : f32
          %jit3A_359 = arith.constant 1.000000e+00 : f32
          %max3A_360 = vector.broadcast %jit3A_358 : f32 to vector<16xf32>
          %max3A_361 = arith.maximumf %max3A_360, %get3A_357 : vector<16xf32>
          %min3A_362 = vector.broadcast %jit3A_359 : f32 to vector<16xf32>
          %min3A_363 = arith.minimumf %min3A_362, %max3A_361 : vector<16xf32>
          %swap3A_364 = arith.index_cast %reduce_sum3A_307 : i32 to index
          %swap3A_365 = arith.index_cast %add3A_354 : i32 to index
          %swap3A_366 = tpu.vector_load %arg13[%swap3A_364, %swap3A_365] {strides = array<i32>} : memref<8x4134xf32, #tpu.memory_space<vmem>>, vector<16xf32>,
          tpu.vector_store %arg13[%swap3A_364, %swap3A_365], %min3A_363 {strides = array<i32>} : memref<8x4134xf32, #tpu.memory_space<vmem>>, vector<16xf32>,
          %mul3A_367 = arith.constant 16 : i32
          %mul3A_368 = arith.muli %while3A_350, %mul3A_367 : i32
          %add3A_369 = arith.addi %reduce_sum3A_293, %mul3A_368 : i32
          %get3A_370 = arith.index_cast %reduce_sum3A_307 : i32 to index
          %get3A_371 = arith.index_cast %add3A_369 : i32 to index
          %get3A_372 = tpu.vector_load %arg14[%get3A_370, %get3A_371] {strides = array<i32>} : memref<8x4134xf32, #tpu.memory_space<vmem>>, vector<16xf32>,
          %jit3A_373 = arith.constant 0.000000e+00 : f32
          %jit3A_374 = arith.constant 1.000000e+00 : f32
          %max3A_375 = vector.broadcast %jit3A_373 : f32 to vector<16xf32>
          %max3A_376 = arith.maximumf %max3A_375, %get3A_372 : vector<16xf32>
          %min3A_377 = vector.broadcast %jit3A_374 : f32 to vector<16xf32>
          %min3A_378 = arith.minimumf %min3A_377, %max3A_376 : vector<16xf32>
          %swap3A_379 = arith.index_cast %reduce_sum3A_307 : i32 to index
          %swap3A_380 = arith.index_cast %add3A_369 : i32 to index
          %swap3A_381 = tpu.vector_load %arg14[%swap3A_379, %swap3A_380] {strides = array<i32>} : memref<8x4134xf32, #tpu.memory_space<vmem>>, vector<16xf32>,
          tpu.vector_store %arg14[%swap3A_379, %swap3A_380], %min3A_378 {strides = array<i32>} : memref<8x4134xf32, #tpu.memory_space<vmem>>, vector<16xf32>,
          %mul3A_382 = arith.constant 16 : i32
          %mul3A_383 = arith.muli %while3A_350, %mul3A_382 : i32
          %add3A_384 = arith.addi %reduce_sum3A_293, %mul3A_383 : i32
          %get3A_385 = arith.index_cast %reduce_sum3A_307 : i32 to index
          %get3A_386 = arith.index_cast %add3A_384 : i32 to index
          %get3A_387 = tpu.vector_load %arg15[%get3A_385, %get3A_386] {strides = array<i32>} : memref<8x4134xf32, #tpu.memory_space<vmem>>, vector<16xf32>,
          %jit3A_388 = arith.constant 0.000000e+00 : f32
          %jit3A_389 = arith.constant 1.000000e+00 : f32
          %max3A_390 = vector.broadcast %jit3A_388 : f32 to vector<16xf32>
          %max3A_391 = arith.maximumf %max3A_390, %get3A_387 : vector<16xf32>
          %min3A_392 = vector.broadcast %jit3A_389 : f32 to vector<16xf32>
          %min3A_393 = arith.minimumf %min3A_392, %max3A_391 : vector<16xf32>
          %swap3A_394 = arith.index_cast %reduce_sum3A_307 : i32 to index
          %swap3A_395 = arith.index_cast %add3A_384 : i32 to index
          %swap3A_396 = tpu.vector_load %arg15[%swap3A_394, %swap3A_395] {strides = array<i32>} : memref<8x4134xf32, #tpu.memory_space<vmem>>, vector<16xf32>,
          tpu.vector_store %arg15[%swap3A_394, %swap3A_395], %min3A_393 {strides = array<i32>} : memref<8x4134xf32, #tpu.memory_space<vmem>>, vector<16xf32>,
          %while3A_397 = arith.constant 0 : i32
          scf.yield %while3A_397 : i32
        }
        %scan3A_349 = arith.constant 0 : i32
        scf.yield %scan3A_349 : i32
      }
      %scan3A_282 = arith.constant 16 : i32
      %while3A_283 = arith.constant 0 : i32
      scf.yield %while3A_283 : i32
    }
    %while3A_199 = arith.constant 1 : i32
    %while3A_200 = scf.for %while3A_241 = %while3A_196 to %while3A_192 step %while3A_199 iter_args(%while3A_242 = %while3A_198) -> (i32)  : i32 {
      %mul3A_243 = arith.constant 16 : i32
      %mul3A_244 = arith.muli %while3A_241, %mul3A_243 : i32
      %add3A_245 = arith.constant 528 : i32
      %add3A_246 = arith.addi %add3A_245, %mul3A_244 : i32
      %get3A = arith.index_cast %add3A_246 : i32 to index
      %get3A_247 = tpu.vector_load %arg12[%get3A] {strides = array<i32>} : memref<1056xi32, #tpu.memory_space<vmem>>, vector<16xi32>,
      %gather3A = tpu.vector_load_idx %arg8[%get3A_247] : memref<528xf32, #tpu.memory_space<vmem>>[vector<16xi32>], vector<16xf32>,
      %gather3A_248 = tpu.vector_load_idx %arg9[%get3A_247] : memref<528xf32, #tpu.memory_space<vmem>>[vector<16xi32>], vector<16xf32>,
      %gather3A_249 = tpu.vector_load_idx %arg11[%get3A_247] : memref<528xi32, #tpu.memory_space<vmem>>[vector<16xi32>], vector<16xi32>,
      %convert_element_type3A = arith.fptosi %gather3A : vector<16xf32> to vector<16xi32>
      %convert_element_type3A_250 = arith.fptosi %gather3A_248 : vector<16xf32> to vector<16xi32>
      %convert_element_type3A_251 = arith.sitofp %convert_element_type3A_250 : vector<16xi32> to vector<16xf32>
      %lt3A_252 = arith.cmpf olt, %convert_element_type3A_251, %gather3A_248 : vector<16xf32>
      %jit3A_253 = arith.constant 1 : i32
      %jit3A_254 = arith.constant 0 : i32
      %broadcast_in_dim3A_255 = vector.broadcast %jit3A_253 : i32 to vector<16xi32>
      %broadcast_in_dim3A_256 = vector.broadcast %jit3A_254 : i32 to vector<16xi32>
      %select_n3A_257 = arith.select %lt3A_252, %broadcast_in_dim3A_255, %broadcast_in_dim3A_256 : vector<16xi1>, vector<16xi32>
      %add3A_258 = arith.addi %convert_element_type3A_250, %select_n3A_257 : vector<16xi32>
      %sub3A_259 = arith.constant 6 : i32
      %sub3A_260 = vector.broadcast %sub3A_259 : i32 to vector<16xi32>
      %sub3A_261 = arith.subi %convert_element_type3A, %sub3A_260 : vector<16xi32>
      %max3A = arith.constant 0 : i32
      %max3A_262 = vector.broadcast %max3A : i32 to vector<16xi32>
      %max3A_263 = arith.maxsi %sub3A_261, %max3A_262 : vector<16xi32>
      %and3A_264 = arith.constant -16 : i32
      %and3A_265 = vector.broadcast %and3A_264 : i32 to vector<16xi32>
      %and3A_266 = arith.andi %max3A_263, %and3A_265 : vector<16xi32>
      %add3A_267 = arith.constant 7 : i32
      %add3A_268 = vector.broadcast %add3A_267 : i32 to vector<16xi32>
      %add3A_269 = arith.addi %add3A_258, %add3A_268 : vector<16xi32>
      %min3A = arith.constant 4134 : i32
      %min3A_270 = vector.broadcast %min3A : i32 to vector<16xi32>
      %min3A_271 = arith.minsi %add3A_269, %min3A_270 : vector<16xi32>
      %add3A_272 = arith.constant 8 : i32
      %add3A_273 = arith.addi %mul3A_32, %add3A_272 : i32
      %sub3A_274 = vector.broadcast %add3A_273 : i32 to vector<16xi32>
      %sub3A_275 = arith.subi %gather3A_249, %sub3A_274 : vector<16xi32>
      %scan3A_276 = arith.constant 0 : i32
      %scan3A_277 = arith.constant 0 : i32
      %scan3A_278 = arith.constant 16 : i32
      %scan3A_279 = arith.addi %scan3A_277, %scan3A_278 : i32
      %scan3A_280 = arith.constant 1 : i32
      %scan3A_281 = scf.for %scan3A_284 = %scan3A_277 to %scan3A_279 step %scan3A_280 iter_args(%scan3A_285 = %scan3A_276) -> (i32)  : i32 {
        %eq3A_286 = vector.broadcast %scan3A_284 : i32 to vector<16xi32>
        %eq3A_287 = arith.cmpi eq, %iota3A, %eq3A_286 : vector<16xi32>
        %jit3A_288 = arith.constant 0 : i32
        %broadcast_in_dim3A_289 = vector.broadcast %jit3A_288 : i32 to vector<16xi32>
        %select_n3A_290 = arith.select %eq3A_287, %and3A_266, %broadcast_in_dim3A_289 : vector<16xi1>, vector<16xi32>
        %reduce_sum3A = arith.constant true
        %reduce_sum3A_291 = vector.broadcast %reduce_sum3A : i1 to vector<16xi1>
        %reduce_sum3A_292 = tpu.scan <sum>, %select_n3A_290 masked %reduce_sum3A_291 : vector<16xi32>, vector<16xi1> -> vector<16xi32>
        %reduce_sum3A_293 = vector.extract %reduce_sum3A_292[15] : i32 from vector<16xi32>
        %jit3A_294 = arith.constant 0 : i32
        %broadcast_in_dim3A_295 = vector.broadcast %jit3A_294 : i32 to vector<16xi32>
        %select_n3A_296 = arith.select %eq3A_287, %min3A_271, %broadcast_in_dim3A_295 : vector<16xi1>, vector<16xi32>
        %reduce_sum3A_297 = arith.constant true
        %reduce_sum3A_298 = vector.broadcast %reduce_sum3A_297 : i1 to vector<16xi1>
        %reduce_sum3A_299 = tpu.scan <sum>, %select_n3A_296 masked %reduce_sum3A_298 : vector<16xi32>, vector<16xi1> -> vector<16xi32>
        %reduce_sum3A_300 = vector.extract %reduce_sum3A_299[15] : i32 from vector<16xi32>
        %jit3A_301 = arith.constant 0 : i32
        %broadcast_in_dim3A_302 = vector.broadcast %jit3A_301 : i32 to vector<16xi32>
        %select_n3A_303 = arith.select %eq3A_287, %sub3A_275, %broadcast_in_dim3A_302 : vector<16xi1>, vector<16xi32>
        %reduce_sum3A_304 = arith.constant true
        %reduce_sum3A_305 = vector.broadcast %reduce_sum3A_304 : i1 to vector<16xi1>
        %reduce_sum3A_306 = tpu.scan <sum>, %select_n3A_303 masked %reduce_sum3A_305 : vector<16xi32>, vector<16xi1> -> vector<16xi32>
        %reduce_sum3A_307 = vector.extract %reduce_sum3A_306[15] : i32 from vector<16xi32>
        %sub3A_308 = arith.subi %reduce_sum3A_300, %reduce_sum3A_293 : i32
        %max3A_309 = arith.constant 0 : i32
        %max3A_310 = arith.maxsi %sub3A_308, %max3A_309 : i32
        %add3A_311 = arith.constant 15 : i32
        %add3A_312 = arith.addi %max3A_310, %add3A_311 : i32
        %jit3A_313 = arith.constant 16 : i32
        %div3A_314 = arith.divsi %add3A_312, %jit3A_313 : i32
        %sign3A_315 = arith.constant 0 : i32
        %sign3A_316 = arith.cmpi sgt, %add3A_312, %sign3A_315 : i32
        %sign3A_317 = arith.extui %sign3A_316 : i1 to i32
        %sign3A_318 = arith.constant 0 : i32
        %sign3A_319 = arith.cmpi slt, %add3A_312, %sign3A_318 : i32
        %sign3A_320 = arith.extui %sign3A_319 : i1 to i32
        %sign3A_321 = arith.subi %sign3A_317, %sign3A_320 : i32
        %sign3A_322 = arith.constant 0 : i32
        %sign3A_323 = arith.cmpi sgt, %jit3A_313, %sign3A_322 : i32
        %sign3A_324 = arith.extui %sign3A_323 : i1 to i32
        %sign3A_325 = arith.constant 0 : i32
        %sign3A_326 = arith.cmpi slt, %jit3A_313, %sign3A_325 : i32
        %sign3A_327 = arith.extui %sign3A_326 : i1 to i32
        %sign3A_328 = arith.subi %sign3A_324, %sign3A_327 : i32
        %ne3A_329 = arith.cmpi ne, %sign3A_321, %sign3A_328 : i32
        %rem3A_330 = arith.remsi %add3A_312, %jit3A_313 : i32
        %ne3A_331 = arith.constant 0 : i32
        %ne3A_332 = arith.cmpi ne, %rem3A_330, %ne3A_331 : i32
        %and3A_333 = arith.andi %ne3A_329, %ne3A_332 : i1
        %sub3A_334 = arith.constant 1 : i32
        %sub3A_335 = arith.subi %div3A_314, %sub3A_334 : i32
        %select_n3A_336 = arith.select %and3A_333, %sub3A_335, %div3A_314 : i32
        %while3A_337 = arith.constant 0 : i32
        %while3A_338 = arith.constant 0 : i32
        %while3A_339 = arith.subi %select_n3A_336, %while3A_337 : i32
        %while3A_340 = arith.addi %while3A_337, %while3A_339 : i32
        %while3A_341 = arith.constant 1 : i32
        %while3A_342 = arith.divsi %while3A_339, %while3A_341 : i32
        %while3A_343 = arith.muli %while3A_342, %while3A_341 : i32
        %while3A_344 = arith.addi %while3A_337, %while3A_343 : i32
        %while3A_345 = arith.constant 1 : i32
        %while3A_346 = scf.for %while3A_350 = %while3A_337 to %while3A_344 step %while3A_345 iter_args(%while3A_351 = %while3A_338) -> (i32)  : i32 {
          %mul3A_352 = arith.constant 16 : i32
          %mul3A_353 = arith.muli %while3A_350, %mul3A_352 : i32
          %add3A_354 = arith.addi %reduce_sum3A_293, %mul3A_353 : i32
          %get3A_355 = arith.index_cast %reduce_sum3A_307 : i32 to index
          %get3A_356 = arith.index_cast %add3A_354 : i32 to index
          %get3A_357 = tpu.vector_load %arg13[%get3A_355, %get3A_356] {strides = array<i32>} : memref<8x4134xf32, #tpu.memory_space<vmem>>, vector<16xf32>,
          %jit3A_358 = arith.constant 0.000000e+00 : f32
          %jit3A_359 = arith.constant 1.000000e+00 : f32
          %max3A_360 = vector.broadcast %jit3A_358 : f32 to vector<16xf32>
          %max3A_361 = arith.maximumf %max3A_360, %get3A_357 : vector<16xf32>
          %min3A_362 = vector.broadcast %jit3A_359 : f32 to vector<16xf32>
          %min3A_363 = arith.minimumf %min3A_362, %max3A_361 : vector<16xf32>
          %swap3A_364 = arith.index_cast %reduce_sum3A_307 : i32 to index
          %swap3A_365 = arith.index_cast %add3A_354 : i32 to index
          %swap3A_366 = tpu.vector_load %arg13[%swap3A_364, %swap3A_365] {strides = array<i32>} : memref<8x4134xf32, #tpu.memory_space<vmem>>, vector<16xf32>,
          tpu.vector_store %arg13[%swap3A_364, %swap3A_365], %min3A_363 {strides = array<i32>} : memref<8x4134xf32, #tpu.memory_space<vmem>>, vector<16xf32>,
          %mul3A_367 = arith.constant 16 : i32
          %mul3A_368 = arith.muli %while3A_350, %mul3A_367 : i32
          %add3A_369 = arith.addi %reduce_sum3A_293, %mul3A_368 : i32
          %get3A_370 = arith.index_cast %reduce_sum3A_307 : i32 to index
          %get3A_371 = arith.index_cast %add3A_369 : i32 to index
          %get3A_372 = tpu.vector_load %arg14[%get3A_370, %get3A_371] {strides = array<i32>} : memref<8x4134xf32, #tpu.memory_space<vmem>>, vector<16xf32>,
          %jit3A_373 = arith.constant 0.000000e+00 : f32
          %jit3A_374 = arith.constant 1.000000e+00 : f32
          %max3A_375 = vector.broadcast %jit3A_373 : f32 to vector<16xf32>
          %max3A_376 = arith.maximumf %max3A_375, %get3A_372 : vector<16xf32>
          %min3A_377 = vector.broadcast %jit3A_374 : f32 to vector<16xf32>
          %min3A_378 = arith.minimumf %min3A_377, %max3A_376 : vector<16xf32>
          %swap3A_379 = arith.index_cast %reduce_sum3A_307 : i32 to index
          %swap3A_380 = arith.index_cast %add3A_369 : i32 to index
          %swap3A_381 = tpu.vector_load %arg14[%swap3A_379, %swap3A_380] {strides = array<i32>} : memref<8x4134xf32, #tpu.memory_space<vmem>>, vector<16xf32>,
          tpu.vector_store %arg14[%swap3A_379, %swap3A_380], %min3A_378 {strides = array<i32>} : memref<8x4134xf32, #tpu.memory_space<vmem>>, vector<16xf32>,
          %mul3A_382 = arith.constant 16 : i32
          %mul3A_383 = arith.muli %while3A_350, %mul3A_382 : i32
          %add3A_384 = arith.addi %reduce_sum3A_293, %mul3A_383 : i32
          %get3A_385 = arith.index_cast %reduce_sum3A_307 : i32 to index
          %get3A_386 = arith.index_cast %add3A_384 : i32 to index
          %get3A_387 = tpu.vector_load %arg15[%get3A_385, %get3A_386] {strides = array<i32>} : memref<8x4134xf32, #tpu.memory_space<vmem>>, vector<16xf32>,
          %jit3A_388 = arith.constant 0.000000e+00 : f32
          %jit3A_389 = arith.constant 1.000000e+00 : f32
          %max3A_390 = vector.broadcast %jit3A_388 : f32 to vector<16xf32>
          %max3A_391 = arith.maximumf %max3A_390, %get3A_387 : vector<16xf32>
          %min3A_392 = vector.broadcast %jit3A_389 : f32 to vector<16xf32>
          %min3A_393 = arith.minimumf %min3A_392, %max3A_391 : vector<16xf32>
          %swap3A_394 = arith.index_cast %reduce_sum3A_307 : i32 to index
          %swap3A_395 = arith.index_cast %add3A_384 : i32 to index
          %swap3A_396 = tpu.vector_load %arg15[%swap3A_394, %swap3A_395] {strides = array<i32>} : memref<8x4134xf32, #tpu.memory_space<vmem>>, vector<16xf32>,
          tpu.vector_store %arg15[%swap3A_394, %swap3A_395], %min3A_393 {strides = array<i32>} : memref<8x4134xf32, #tpu.memory_space<vmem>>, vector<16xf32>,
          %while3A_397 = arith.constant 0 : i32
          scf.yield %while3A_397 : i32
        }
        %while3A_347 = arith.constant 1 : i32
        %while3A_348 = scf.for %while3A_350 = %while3A_344 to %while3A_340 step %while3A_347 iter_args(%while3A_351 = %while3A_346) -> (i32)  : i32 {
          %mul3A_352 = arith.constant 16 : i32
          %mul3A_353 = arith.muli %while3A_350, %mul3A_352 : i32
          %add3A_354 = arith.addi %reduce_sum3A_293, %mul3A_353 : i32
          %get3A_355 = arith.index_cast %reduce_sum3A_307 : i32 to index
          %get3A_356 = arith.index_cast %add3A_354 : i32 to index
          %get3A_357 = tpu.vector_load %arg13[%get3A_355, %get3A_356] {strides = array<i32>} : memref<8x4134xf32, #tpu.memory_space<vmem>>, vector<16xf32>,
          %jit3A_358 = arith.constant 0.000000e+00 : f32
          %jit3A_359 = arith.constant 1.000000e+00 : f32
          %max3A_360 = vector.broadcast %jit3A_358 : f32 to vector<16xf32>
          %max3A_361 = arith.maximumf %max3A_360, %get3A_357 : vector<16xf32>
          %min3A_362 = vector.broadcast %jit3A_359 : f32 to vector<16xf32>
          %min3A_363 = arith.minimumf %min3A_362, %max3A_361 : vector<16xf32>
          %swap3A_364 = arith.index_cast %reduce_sum3A_307 : i32 to index
          %swap3A_365 = arith.index_cast %add3A_354 : i32 to index
          %swap3A_366 = tpu.vector_load %arg13[%swap3A_364, %swap3A_365] {strides = array<i32>} : memref<8x4134xf32, #tpu.memory_space<vmem>>, vector<16xf32>,
          tpu.vector_store %arg13[%swap3A_364, %swap3A_365], %min3A_363 {strides = array<i32>} : memref<8x4134xf32, #tpu.memory_space<vmem>>, vector<16xf32>,
          %mul3A_367 = arith.constant 16 : i32
          %mul3A_368 = arith.muli %while3A_350, %mul3A_367 : i32
          %add3A_369 = arith.addi %reduce_sum3A_293, %mul3A_368 : i32
          %get3A_370 = arith.index_cast %reduce_sum3A_307 : i32 to index
          %get3A_371 = arith.index_cast %add3A_369 : i32 to index
          %get3A_372 = tpu.vector_load %arg14[%get3A_370, %get3A_371] {strides = array<i32>} : memref<8x4134xf32, #tpu.memory_space<vmem>>, vector<16xf32>,
          %jit3A_373 = arith.constant 0.000000e+00 : f32
          %jit3A_374 = arith.constant 1.000000e+00 : f32
          %max3A_375 = vector.broadcast %jit3A_373 : f32 to vector<16xf32>
          %max3A_376 = arith.maximumf %max3A_375, %get3A_372 : vector<16xf32>
          %min3A_377 = vector.broadcast %jit3A_374 : f32 to vector<16xf32>
          %min3A_378 = arith.minimumf %min3A_377, %max3A_376 : vector<16xf32>
          %swap3A_379 = arith.index_cast %reduce_sum3A_307 : i32 to index
          %swap3A_380 = arith.index_cast %add3A_369 : i32 to index
          %swap3A_381 = tpu.vector_load %arg14[%swap3A_379, %swap3A_380] {strides = array<i32>} : memref<8x4134xf32, #tpu.memory_space<vmem>>, vector<16xf32>,
          tpu.vector_store %arg14[%swap3A_379, %swap3A_380], %min3A_378 {strides = array<i32>} : memref<8x4134xf32, #tpu.memory_space<vmem>>, vector<16xf32>,
          %mul3A_382 = arith.constant 16 : i32
          %mul3A_383 = arith.muli %while3A_350, %mul3A_382 : i32
          %add3A_384 = arith.addi %reduce_sum3A_293, %mul3A_383 : i32
          %get3A_385 = arith.index_cast %reduce_sum3A_307 : i32 to index
          %get3A_386 = arith.index_cast %add3A_384 : i32 to index
          %get3A_387 = tpu.vector_load %arg15[%get3A_385, %get3A_386] {strides = array<i32>} : memref<8x4134xf32, #tpu.memory_space<vmem>>, vector<16xf32>,
          %jit3A_388 = arith.constant 0.000000e+00 : f32
          %jit3A_389 = arith.constant 1.000000e+00 : f32
          %max3A_390 = vector.broadcast %jit3A_388 : f32 to vector<16xf32>
          %max3A_391 = arith.maximumf %max3A_390, %get3A_387 : vector<16xf32>
          %min3A_392 = vector.broadcast %jit3A_389 : f32 to vector<16xf32>
          %min3A_393 = arith.minimumf %min3A_392, %max3A_391 : vector<16xf32>
          %swap3A_394 = arith.index_cast %reduce_sum3A_307 : i32 to index
          %swap3A_395 = arith.index_cast %add3A_384 : i32 to index
          %swap3A_396 = tpu.vector_load %arg15[%swap3A_394, %swap3A_395] {strides = array<i32>} : memref<8x4134xf32, #tpu.memory_space<vmem>>, vector<16xf32>,
          tpu.vector_store %arg15[%swap3A_394, %swap3A_395], %min3A_393 {strides = array<i32>} : memref<8x4134xf32, #tpu.memory_space<vmem>>, vector<16xf32>,
          %while3A_397 = arith.constant 0 : i32
          scf.yield %while3A_397 : i32
        }
        %scan3A_349 = arith.constant 0 : i32
        scf.yield %scan3A_349 : i32
      }
      %scan3A_282 = arith.constant 16 : i32
      %while3A_283 = arith.constant 0 : i32
      scf.yield %while3A_283 : i32
    }
    %add3A_201 = arith.constant 128 : i32
    %add3A_202 = arith.addi %add3A_201, %add3A_176 : i32
    %add3A_203 = arith.constant 256 : i32
    %add3A_204 = arith.addi %add3A_203, %add3A_176 : i32
    %dma_start3A_205 = arith.constant 0 : i32
    %dma_start3A_206 = tpu.memref_slice %arg7[%select_n3A, %add3A_176, %dma_start3A_205] : memref<4x384x4134xf32, #tpu.memory_space<hbm>> -> memref<1x8x4134xf32, #tpu.memory_space<hbm>>
    %dma_start3A_207 = tpu.memref_squeeze %dma_start3A_206 : memref<1x8x4134xf32, #tpu.memory_space<hbm>> -> memref<8x4134xf32, #tpu.memory_space<hbm>>
    %dma_start3A_208 = arith.constant 0 : i32
    %dma_start3A_209 = tpu.memref_slice %arg7[%select_n3A, %add3A_176, %dma_start3A_208] : memref<4x384x4134xf32, #tpu.memory_space<hbm>> -> memref<1x8x4134xf32, #tpu.memory_space<hbm>>
    %dma_start3A_210 = tpu.memref_squeeze %dma_start3A_209 : memref<1x8x4134xf32, #tpu.memory_space<hbm>> -> memref<8x4134xf32, #tpu.memory_space<hbm>>
    tpu.enqueue_dma source(%arg13 : memref<8x4134xf32, #tpu.memory_space<vmem>>) target(%dma_start3A_210 : memref<8x4134xf32, #tpu.memory_space<hbm>>) target_semaphore(%arg16 : memref<!tpu.dma_semaphore, #tpu.memory_space<semaphore_mem>>)
    %dma_start3A_211 = arith.constant 0 : i32
    %dma_start3A_212 = tpu.memref_slice %arg7[%select_n3A, %add3A_202, %dma_start3A_211] : memref<4x384x4134xf32, #tpu.memory_space<hbm>> -> memref<1x8x4134xf32, #tpu.memory_space<hbm>>
    %dma_start3A_213 = tpu.memref_squeeze %dma_start3A_212 : memref<1x8x4134xf32, #tpu.memory_space<hbm>> -> memref<8x4134xf32, #tpu.memory_space<hbm>>
    %dma_start3A_214 = arith.constant 0 : i32
    %dma_start3A_215 = tpu.memref_slice %arg7[%select_n3A, %add3A_202, %dma_start3A_214] : memref<4x384x4134xf32, #tpu.memory_space<hbm>> -> memref<1x8x4134xf32, #tpu.memory_space<hbm>>
    %dma_start3A_216 = tpu.memref_squeeze %dma_start3A_215 : memref<1x8x4134xf32, #tpu.memory_space<hbm>> -> memref<8x4134xf32, #tpu.memory_space<hbm>>
    tpu.enqueue_dma source(%arg14 : memref<8x4134xf32, #tpu.memory_space<vmem>>) target(%dma_start3A_216 : memref<8x4134xf32, #tpu.memory_space<hbm>>) target_semaphore(%arg16 : memref<!tpu.dma_semaphore, #tpu.memory_space<semaphore_mem>>)
    %dma_start3A_217 = arith.constant 0 : i32
    %dma_start3A_218 = tpu.memref_slice %arg7[%select_n3A, %add3A_204, %dma_start3A_217] : memref<4x384x4134xf32, #tpu.memory_space<hbm>> -> memref<1x8x4134xf32, #tpu.memory_space<hbm>>
    %dma_start3A_219 = tpu.memref_squeeze %dma_start3A_218 : memref<1x8x4134xf32, #tpu.memory_space<hbm>> -> memref<8x4134xf32, #tpu.memory_space<hbm>>
    %dma_start3A_220 = arith.constant 0 : i32
    %dma_start3A_221 = tpu.memref_slice %arg7[%select_n3A, %add3A_204, %dma_start3A_220] : memref<4x384x4134xf32, #tpu.memory_space<hbm>> -> memref<1x8x4134xf32, #tpu.memory_space<hbm>>
    %dma_start3A_222 = tpu.memref_squeeze %dma_start3A_221 : memref<1x8x4134xf32, #tpu.memory_space<hbm>> -> memref<8x4134xf32, #tpu.memory_space<hbm>>
    tpu.enqueue_dma source(%arg15 : memref<8x4134xf32, #tpu.memory_space<vmem>>) target(%dma_start3A_222 : memref<8x4134xf32, #tpu.memory_space<hbm>>) target_semaphore(%arg16 : memref<!tpu.dma_semaphore, #tpu.memory_space<semaphore_mem>>)
    %dma_wait3A_223 = arith.constant 0 : i32
    %dma_wait3A_224 = tpu.memref_slice %arg7[%select_n3A, %add3A_176, %dma_wait3A_223] : memref<4x384x4134xf32, #tpu.memory_space<hbm>> -> memref<1x8x4134xf32, #tpu.memory_space<hbm>>
    %dma_wait3A_225 = tpu.memref_squeeze %dma_wait3A_224 : memref<1x8x4134xf32, #tpu.memory_space<hbm>> -> memref<8x4134xf32, #tpu.memory_space<hbm>>
    %dma_wait3A_226 = arith.constant 0 : i32
    %dma_wait3A_227 = tpu.memref_slice %arg7[%select_n3A, %add3A_176, %dma_wait3A_226] : memref<4x384x4134xf32, #tpu.memory_space<hbm>> -> memref<1x8x4134xf32, #tpu.memory_space<hbm>>
    %dma_wait3A_228 = tpu.memref_squeeze %dma_wait3A_227 : memref<1x8x4134xf32, #tpu.memory_space<hbm>> -> memref<8x4134xf32, #tpu.memory_space<hbm>>
    tpu.wait_dma2 semaphore(%arg16 : memref<!tpu.dma_semaphore, #tpu.memory_space<semaphore_mem>>) src(%arg13 : memref<8x4134xf32, #tpu.memory_space<vmem>>) dst(%dma_wait3A_228 : memref<8x4134xf32, #tpu.memory_space<hbm>>)
    %dma_wait3A_229 = arith.constant 0 : i32
    %dma_wait3A_230 = tpu.memref_slice %arg7[%select_n3A, %add3A_202, %dma_wait3A_229] : memref<4x384x4134xf32, #tpu.memory_space<hbm>> -> memref<1x8x4134xf32, #tpu.memory_space<hbm>>
    %dma_wait3A_231 = tpu.memref_squeeze %dma_wait3A_230 : memref<1x8x4134xf32, #tpu.memory_space<hbm>> -> memref<8x4134xf32, #tpu.memory_space<hbm>>
    %dma_wait3A_232 = arith.constant 0 : i32
    %dma_wait3A_233 = tpu.memref_slice %arg7[%select_n3A, %add3A_202, %dma_wait3A_232] : memref<4x384x4134xf32, #tpu.memory_space<hbm>> -> memref<1x8x4134xf32, #tpu.memory_space<hbm>>
    %dma_wait3A_234 = tpu.memref_squeeze %dma_wait3A_233 : memref<1x8x4134xf32, #tpu.memory_space<hbm>> -> memref<8x4134xf32, #tpu.memory_space<hbm>>
    tpu.wait_dma2 semaphore(%arg16 : memref<!tpu.dma_semaphore, #tpu.memory_space<semaphore_mem>>) src(%arg14 : memref<8x4134xf32, #tpu.memory_space<vmem>>) dst(%dma_wait3A_234 : memref<8x4134xf32, #tpu.memory_space<hbm>>)
    %dma_wait3A_235 = arith.constant 0 : i32
    %dma_wait3A_236 = tpu.memref_slice %arg7[%select_n3A, %add3A_204, %dma_wait3A_235] : memref<4x384x4134xf32, #tpu.memory_space<hbm>> -> memref<1x8x4134xf32, #tpu.memory_space<hbm>>
    %dma_wait3A_237 = tpu.memref_squeeze %dma_wait3A_236 : memref<1x8x4134xf32, #tpu.memory_space<hbm>> -> memref<8x4134xf32, #tpu.memory_space<hbm>>
    %dma_wait3A_238 = arith.constant 0 : i32
    %dma_wait3A_239 = tpu.memref_slice %arg7[%select_n3A, %add3A_204, %dma_wait3A_238] : memref<4x384x4134xf32, #tpu.memory_space<hbm>> -> memref<1x8x4134xf32, #tpu.memory_space<hbm>>
    %dma_wait3A_240 = tpu.memref_squeeze %dma_wait3A_239 : memref<1x8x4134xf32, #tpu.memory_space<hbm>> -> memref<8x4134xf32, #tpu.memory_space<hbm>>
    tpu.wait_dma2 semaphore(%arg16 : memref<!tpu.dma_semaphore, #tpu.memory_space<semaphore_mem>>) src(%arg15 : memref<8x4134xf32, #tpu.memory_space<vmem>>) dst(%dma_wait3A_240 : memref<8x4134xf32, #tpu.memory_space<hbm>>)
    return
  }
}

</mosaic_0001>

<sc_bundles>
// kernel: kernel.3.cloned.1.call-start
scs
__scs_entry_jumppad:
0x0: {  	(pc) =	sbr.rel $0x88, $3  }
0x1: {  	(tag) =	ssettag $0x0;
	lr =	simm.s32 $0x1  }
0x2: {  	[smem:$0x3F9D] =	sst lr;
	_ =	strace $0xD0000000  }
0x3: {  	_ = 	snop  }
0x4: {  	_ = 	snop  }
0x5: {  	_ = 	snop  }
0x6: {  	_ = 	snop  }
0x7: {  	_ = 	snop  }
__scs_overlays_trampoline_lowered:
0x8: {  	[smem:$0x3FAC] =	sst s0  }
0x9: {  	[smem:$0x3FAD] =	sst s1  }
0xa: {  	[smem:$0x3FAE] =	sst s2  }
0xb: {  	[smem:$0x3FAF] =	sst s3  }
0xc: {  	[smem:$0x3FB0] =	sst s4  }
0xd: {  	[smem:$0x3FB1] =	sst s5  }
0xe: {  	[smem:$0x3FB2] =	sst s6  }
0xf: {  	[smem:$0x3FB3] =	sst s7  }
0x10: {  	[smem:$0x3FB4] =	sst s8  }
0x11: {  	[smem:$0x3FB5] =	sst s9;
	s0 =	simm.s32 @!p0 $0x0  }
0x12: {  	s1 =	sld [smem:$0x3F9B];
	s0 =	simm.s32 @p0 $0x1  }
0x13: {  	[smem:$0x3FB6] =	sst s0;
	s0 =	simm.s32 @!p1 $0x0  }
0x14: {  	s2 =	sld [smem:$0x3F9A];
	s0 =	simm.s32 @p1 $0x1  }
0x15: {  	[smem:$0x3FB7] =	sst s0;
	s0 =	simm.s32 @!p2 $0x0  }
0x16: {  	s3 =	sld [smem:$0x3FDB];
	s0 =	simm.s32 @p2 $0x1  }
0x17: {  	s4 =	simm.s32 $0x1BF5;
	[smem:$0x3FB9] =	sst s0  }
0x18: {  	s0 =	sld [smem:$0x3F9C];
	_ =	swait.ge [sflag:s4], $0x0  }
0x19: {  	s7 =	sld [smem:$0x3F9D]  }
0x1a: {  	s8 =	sadd.s32 $0xFFFFE003, lr  }
0x1b: {  	s9 =	sadd.s32 $0xFFFFFEF7, lr;
	s5 =	simm.s32 $0xFFFFFFFF;
	p2 =	slt.u32 s8, $0xFFFFF086  }
0x1c: {  	p1 =	slt.u32 s9, $0xF7A;
	s5 =	simm.s32 @!p2 $0x0  }
0x1d: {  	s5 =	simm.s32 @p1 $0x1;
	p0 =	seq.s32 s7, s2  }
0x1e: {  	s7 =	smul.u32 @!p0 $0xF7A, s2;
	p2 =	seq.s32 @!p0 s5, $0x0  }
0x1f: {  	s9 =	smul.u32 $0xF7A, s1;
	s8 =	simm.s32 @!p0 $0x1BF5;
	p2 =	por !p2, p0  }
0x20: {  	[sflag:s8] =	ssyncset.s32 @!p0 $0xFFFFF086;
	s6 =	sadd.s32 @!p0 s3, s7;
	s7 =	simm.s32 @!p0 $0x108  }
0x21: {  	s3 =	sadd.s32 s3, s9;
	s6 =	sadd.s32 @!p0 $0x88, s6;
	s7 =	simm.s32 @p2 $0x1082  }
0x22: {  	[simem:s7], [sflag:s8] =	dma.local @!p0 [hbm:s6], $0xF7A  }
0x23: {  	s9 =	sor.u32 $0xD0000000, s2;
	s6 =	simm.s32 $0x108;
	_ =	swait.ge @!p0 [sflag:s8], $0x0  }
0x24: {  	s3 =	sadd.s32 $0x88, s3;
	s6 =	simm.s32 @!p1 $0x1082;
	[sflag:s4] =	ssyncset.s32 $0xFFFFF086  }
0x25: {  	[simem:s6], [sflag:s4] =	dma.local [hbm:s3], $0xF7A  }
0x26: {  	[smem:$0x3F9D] =	sst s1;
	(tag) =	ssettag s2;
	_ =	strace s9  }
0x27: {  	s1 =	sld [smem:$0x3FAD]  }
0x28: {  	s2 =	sld [smem:$0x3FAE]  }
0x29: {  	s4 =	sld [smem:$0x3FB0]  }
0x2a: {  	p0 =	seq.s32 s5, $0x0;
	s5 =	sld [smem:$0x3FB1]  }
0x2b: {  	s6 =	sld [smem:$0x3FB2]  }
0x2c: {  	s7 =	sld [smem:$0x3FB3]  }
0x2d: {  	s3 =	simm.s32 $0x108;
	s8 =	sld [smem:$0x3FB4]  }
0x2e: {  	s3 =	simm.s32 @!p0 $0x1082;
	s9 =	sld [smem:$0x3FB5]  }
0x2f: {  	lr =	sadd.s32 s0, s3;
	s0 =	sld [smem:$0x3FAC]  }
0x30: {  	s3 =	sld [smem:$0x3FAF]  }
0x31: {  	[smem:$0x3FB8] =	sst s10  }
0x32: {  	s10 =	sld [smem:$0x3FB6];
	_ =	sdelay $0x3  }
0x33: {  	p0 =	seq.s32 s10, $0x1;
	s10 =	sld [smem:$0x3FB8];
	_ =	sdelay $0x3  }
0x34: {  	[smem:$0x3FB8] =	sst s10  }
0x35: {  	s10 =	sld [smem:$0x3FB7];
	_ =	sdelay $0x3  }
0x36: {  	p1 =	seq.s32 s10, $0x1;
	s10 =	sld [smem:$0x3FB8];
	_ =	sdelay $0x3  }
0x37: {  	[smem:$0x3FB8] =	sst s10  }
0x38: {  	s10 =	sld [smem:$0x3FB9]  }
0x39: {  	_ = 	snop;
	(pc) =	sbr.ind lr, $3  }
0x3a: {  	_ = 	snop  }
0x3b: {  	_ = 	snop  }
0x3c: {  	p2 =	seq.s32 s10, $0x1;
	s10 =	sld [smem:$0x3FB8]  }
0x3d: {  	_ =	shalt  }
0x3e: {  	_ =	shalt  }
0x3f: {  	_ =	shalt  }
0x40: {  	_ =	shalt  }
0x41: {  	_ =	shalt  }
0x42: {  	_ =	shalt  }
0x43: {  	_ =	shalt  }
0x44: {  	_ =	shalt  }
0x45: {  	_ =	shalt  }
0x46: {  	_ =	shalt  }
0x47: {  	_ =	shalt  }
0x48: {  	_ =	shalt  }
0x49: {  	_ =	shalt  }
0x4a: {  	_ =	shalt  }
0x4b: {  	_ =	shalt  }
0x4c: {  	_ =	shalt  }
0x4d: {  	_ =	shalt  }
0x4e: {  	_ =	shalt  }
0x4f: {  	_ =	shalt  }
0x50: {  	_ =	shalt  }
0x51: {  	_ =	shalt  }
0x52: {  	_ =	shalt  }
0x53: {  	_ =	shalt  }
0x54: {  	_ =	shalt  }
0x55: {  	_ =	shalt  }
0x56: {  	_ =	shalt  }
0x57: {  	_ =	shalt  }
0x58: {  	_ =	shalt  }
0x59: {  	_ =	shalt  }
0x5a: {  	_ =	shalt  }
0x5b: {  	_ =	shalt  }
0x5c: {  	_ =	shalt  }
0x5d: {  	_ =	shalt  }
0x5e: {  	_ =	shalt  }
0x5f: {  	_ =	shalt  }
0x60: {  	_ =	shalt  }
0x61: {  	_ =	shalt  }
0x62: {  	_ =	shalt  }
0x63: {  	_ =	shalt  }
0x64: {  	_ =	shalt  }
0x65: {  	_ =	shalt  }
0x66: {  	_ =	shalt  }
0x67: {  	_ =	shalt  }
0x68: {  	_ =	shalt  }
0x69: {  	_ =	shalt  }
0x6a: {  	_ =	shalt  }
0x6b: {  	_ =	shalt  }
0x6c: {  	_ =	shalt  }
0x6d: {  	_ =	shalt  }
0x6e: {  	_ =	shalt  }
0x6f: {  	_ =	shalt  }
0x70: {  	_ =	shalt  }
0x71: {  	_ =	shalt  }
0x72: {  	_ =	shalt  }
0x73: {  	_ =	shalt  }
0x74: {  	_ =	shalt  }
0x75: {  	_ =	shalt  }
0x76: {  	_ =	shalt  }
0x77: {  	_ =	shalt  }
0x78: {  	_ =	shalt  }
0x79: {  	_ =	shalt  }
0x7a: {  	_ =	shalt  }
0x7b: {  	_ =	shalt  }
0x7c: {  	_ =	shalt  }
0x7d: {  	_ =	shalt  }
0x7e: {  	_ =	shalt  }
0x7f: {  	_ =	shalt  }
0x80: {  	_ =	shalt  }
0x81: {  	_ =	shalt  }
0x82: {  	_ =	shalt  }
0x83: {  	_ =	shalt  }
0x84: {  	_ =	shalt  }
0x85: {  	_ =	shalt  }
0x86: {  	_ =	shalt  }
0x87: {  	_ =	shalt  }
.Lfunc_end0:
.L_simem_size_0:
called_computation_lowered:
.L_overlay_start_0:
0x88: {  	s2 =	sld [smem:$0x3FD9]  }
0x89: {  	s3 =	sld [smem:$0x3FFE];
	_ =	sdelay $0x1  }
0x8a: {  	s1 =	srdreg.scid  }
0x8b: {  	s0 =	sand.u32 $0x1, s1  }
0x8c: {  	s17 =	sshll.u32 s0, $0xA;
	s2 =	sadd.s32 s3, s2  }
0x8d: {  	s2 =	sadd.s32 s2, s17  }
0x8e: {  	[smem:$0x3FC4] =	sst s2  }
0x8f: {  	_ = 	snop  }
0x90: {  	s2 =	sld [smem:$0x3FD0];
	(tm) =	ssettm $0x1  }
0x91: {  	s18 =	sld [smem:$0x3FFB];
	_ =	sdelay $0x3  }
0x92: {  	_ =	strace s18  }
0x93: {  	s3 =	sld [smem:$0x3FFC];
	_ =	sdelay $0x3  }
0x94: {  	_ =	strace s3  }
0x95: {  	s3 =	sld [smem:$0x3FFD];
	_ =	sdelay $0x3  }
0x96: {  	_ =	strace s3  }
0x97: {  	_ =	strace $0x8FFFFFFF  }
0x98: {  	s19 =	sld [smem:$0x3FDB];
	_ =	sdelay $0x1  }
0x99: {  	s4 =	simm.s32 $_scs_section_size  }
0x9a: {  	s5 =	simm.s32 $_size__tile_overlayer_lowered;
	s6 =	simm.s32 $_tile_overlayer_lowered  }
0x9b: {  	s22 =	simm.s32 $0x1BFF;
	s21 =	sshll.u32 s6, $0x1;
	s3 =	sadd.s32 s4, s19  }
0x9c: {  	s7 =	simm.s32 $0x0;
	s20 =	sshll.u32 s5, $0x1;
	s5 =	sadd.s32 s21, s3  }
0x9d: {  	[timem:s7], [sflag:s22] =	dma.local [hbm:s5], s20  }
0x9e: {  	_ =	swait.ge [sflag:s22], s20  }
0x9f: {  	s4 =	ssub.s32 $0x0, s20;
	[sflag:s22] =	ssyncset.done $0x0  }
0xa0: {  	[sflag:s22] =	ssyncadd.s32 s4;
	_ =	sdelay $0x1  }
0xa1: {  	s23 =	simm.s32 $0x1B8B  }
0xa2: {  	_ =	swait.ge [sflag:s23], $0x1  }
0xa3: {  	[sflag:s23] =	ssyncset.done $0x0  }
0xa4: {  	s25 =	simm.s32 $0x1B8E;
	s24 =	sld [smem:$0x3FFE];
	[sflag:s23] =	ssyncadd.s32 $0xFFFFFFFF  }
0xa5: {  	s26 =	simm.s32 $execute0_lowered;
	[smem:$0x3FD2] =	sst s25  }
0xa6: {  	s5 =	sshll.u32 s26, $0x1;
	_ =	strace $0x80000046;
	[dreg:$0x1] =	wrdreg $0xFFFFFFFF  }
0xa7: {  	s28 =	simm.s32 $_size_execute0_lowered;
	s3 =	sadd.s32 s3, s5;
	[dreg:$0x0] =	wrdreg $0x0  }
0xa8: {  	s5 =	sshll.u32 s28, $0x1;
	[dreg:$0x2] =	wrdreg s3  }
0xa9: {  	[dreg:$0x3] =	wrdreg s5  }
0xaa: {  	[dreg:$0x4] =	wrdreg $0xC0  }
0xab: {  	_ =	task [dreg:s7], $0x5FFFF  }
0xac: {  	[dreg:$0x1] =	wrdreg $0xFFFFFFFF  }
0xad: {  	[dreg:$0x0] =	wrdreg $0x60  }
0xae: {  	[dreg:$0x2] =	wrdreg s24  }
0xaf: {  	[dreg:$0x3] =	wrdreg s2  }
0xb0: {  	[dreg:$0x4] =	wrdreg $0x9  }
0xb1: {  	_ =	task.clear_ibuf [dreg:s7], $0x5FFFF;
	_ =	strace $0x90000046  }
0xb2: {  	s29 =	simm.s32 $0x9;
	_ =	strace $0x80000048  }
0xb3: {  	_ =	swait.ge [sflag:s29], $0x1  }
0xb4: {  	[sflag:s29] =	ssyncadd.s32 $0xFFFFFFFF  }
0xb5: {  	_ =	strace $0x90000048  }
0xb6: {  	_ =	sfence  }
0xb7: {  	s30 =	sld [smem:$0x0];
	_ =	sdelay $0x2  }
0xb8: {  	s31 =	sshll.u32 s1, $0xD;
	s1 =	sshrl.u32 s1, $0x2  }
0xb9: {  	s3 =	sand.u32 $0x4000, s31;
	s1 =	sadd.s32 s1, s30  }
0xba: {  	s0 =	sor.u32 s3, s0;
	s1 =	sshll.u32 s1, $0x11  }
0xbb: {  	s0 =	sor.u32 s1, s0  }
0xbc: {  	s0 =	sadd.s32 $0x8F2B, s0  }
0xbd: {  	[sflag:s0] =	ssyncadd.remote.s32 $0x1  }
0xbe: {  	_ =	sfence.sel $0xFFFF  }
0xbf: {  	[dreg:$0x0] =	wrdreg $0xFFFFFFFF;
	(pc) =	sbr.abs _section_cstart, $3  }
0xc0: {  	[dreg:$0x1] =	wrdreg $0xFFFFFFFF  }
0xc1: {  	_ =	task.clear_ibuf [dreg:s7], $0x2FFFF;
	_ =	strace $0x9FFFFFFF  }
0xc2: {  	(tm) =	ssettm $0x7FFFFFFF  }
0xc3: {  	_ =	shalt  }
tec
execute0_lowered:
.L_overlay_start_1:
0x0: {  	(tag) =	ssettag $0x1  }
0x1: {  	s0 =	rddreg [dreg:$0x0]  }
0x2: {  	s2 =	rddreg [dreg:$0x1];
	s3 =	simm.s32 $0x0  }
0x3: {  	s5 =	stileid.u32;
	s4 =	srdreg.scid;
	s31 =	simm.s32 $0xE80  }
0x4: {  	s28 =	simm.s32 $0x0;
	[smem:$0x7FF] =	sst s3;
	s1 =	sshrl.u32 s5, $0x2  }
0x5: {  	s5 =	sshll.u32 s5, $0x1;
	s4 =	sand.u32 $0x1, s4;
	s6 =	sshll.u32 s1, $0x4  }
0x6: {  	s5 =	sand.u32 $0x6, s5;
	_ =	strace $0x80000047;
	s1 =	smul.u32 $0x18C000, s1  }
0x7: {  	s6 =	sadd.s32 s6, s0;
	s5 =	sor.u32 s4, s5;
	s4 =	ssub.s32 $0x2, s4  }
0x8: {  	s0 =	sadd.s32 $0xC00, s0;
	s7 =	sshll.u32 s5, $0x4;
	s10 =	sadd.s32 $0x400, s6  }
0x9: {  	s8 =	sshrl.u32 s4, $0x1;
	s20 =	sadd.s32 $0x600, s6;
	[dreg:$0x3] =	wrdreg s10  }
0xa: {  	s5 =	smul.u32 $0x10800, s5;
	s21 =	sadd.s32 $0xA00, s6;
	[dreg:$0x4] =	wrdreg s20  }
0xb: {  	s6 =	sadd.s32 $0x800, s6;
	s9 =	sor.u32 $0x8, s7;
	[dreg:$0x5] =	wrdreg s21  }
0xc: {  	s4 =	ssub.s32 s4, s8;
	[dreg:$0x6] =	wrdreg s6;
	s23 =	sadd.s32 $0x10, s7  }
0xd: {  	s20 =	simm.s32 $0x3;
	s21 =	simm.s32 $0x280;
	s5 =	sadd.s32 s1, s5  }
0xe: {  	s19 =	sshrl.u32 s9, $0x3;
	s30 =	smax.u32 s4, $0x1;
	s5 =	sshrl.u32 s5, $0x3  }
0xf: {  	s4 =	simm.s32 $0x11680;
	[dreg:$0xd] =	wrdreg s30;
	s22 =	sadd.s32 s0, s5  }
0x10: {  	v2 =	vmov s23;
	s23 =	simm.s32 $0xA00;
	s24 =	sadd.s32 $0x10800, s22;
	[dreg:$0x7] =	wrdreg s22  }
0x11: {  	s8 =	smul.u32 $0x8400, s19;
	s25 =	sadd.s32 $0x21000, s22;
	[dreg:$0x8] =	wrdreg s24  }
.Ltmp0:
0x12: {  	s26 =	sadd.s32 $0x11880, s22;
	[dreg:$0x9] =	wrdreg s25;
	(pc) =	sbr.rel .LBB2_1-.Ltmp0, $4  }
0x13: {  	s1 =	sadd.s32 s1, s8;
	s29 =	sadd.s32 $0x22080, s22;
	[dreg:$0xb] =	wrdreg s26  }
0x14: {  	s22 =	simm.s32 $0x500;
	s1 =	sshrl.u32 s1, $0x3;
	[dreg:$0xc] =	wrdreg s29  }
0x15: {  	v3 =	vimm.s32 $0x0;
	v4 =	vlaneseq.u32;
	v5 =	vimm.s32 $0x200;
	s24 =	simm.s32 $0x1;
	s25 =	simm.s32 $0x2;
	s0 =	sadd.s32 s0, s1  }
0x16: {  	v6 =	vimm.f32 $0.0e+00;
	v0 =	vmov s7;
	v1 =	vmov s9;
	s26 =	simm.s32 $0x780;
	s1 =	simm.s32 $0x9280;
	[dreg:$0xa] =	wrdreg s0  }
.LBB2_61:
0x17: {  	s0 =	rddreg [dreg:$0xa]  }
0x18: {  	[hbm4b:s0+s3] =	stream.linear.scatter [tilespmem:s31], [sflag:$0x1], $0x8400, $0x38;
	[tilespmem:$0x19A80] =	vst v63  }
0x19: {  	s19 =	rddreg [dreg:$0xb];
	s1 =	simm.s32 $0x9280  }
0x1a: {  	[hbm4b:s19+s3] =	stream.linear.scatter [tilespmem:s1], [sflag:$0x1], $0x8400, $0x38;
	[tilespmem:$0x19A80] =	vst v63  }
0x1b: {  	s29 =	rddreg [dreg:$0xc];
	s4 =	simm.s32 $0x11680  }
0x1c: {  	[hbm4b:s29+s3] =	stream.linear.scatter [tilespmem:s4], [sflag:$0x1], $0x8400, $0x38;
	[tilespmem:$0x19A80] =	vst v63  }
0x1d: {  	_ =	swait.ge [sflag:s24], $0x8400  }
0x1e: {  	[sflag:s24] =	ssyncset.done $0x0  }
0x1f: {  	[sflag:s24] =	ssyncadd.s32 $0xFFFF7C00  }
0x20: {  	_ =	swait.ge [sflag:s24], $0x8400  }
0x21: {  	[sflag:s24] =	ssyncset.done $0x0  }
0x22: {  	[sflag:s24] =	ssyncadd.s32 $0xFFFF7C00  }
0x23: {  	_ =	swait.ge [sflag:s24], $0x8400  }
0x24: {  	s28 =	sadd.s32 $0x1, s28;
	s30 =	rddreg [dreg:$0xd]  }
0x25: {  	p0 =	sne.s32 s28, s30  }
.Ltmp1:
0x26: {  	_ = 	snop;
	(pc) =	sbr.rel @!p0 .LBB2_62-.Ltmp1, $3  }
0x27: {  	_ =	sdelay $0x1  }
0x28: {  	[sflag:s24] =	ssyncset.done $0x0  }
0x29: {  	[sflag:s24] =	ssyncadd.s32 $0xFFFF7C00  }
.LBB2_1:
0x2a: {  	[tilespmem:s31], [sflag:$0x2] =	stream.linear.gather [hbm4b:s2+s3], $0x8400, $0x38;
	[tilespmem:$0x19A80] =	vst v63  }
0x2b: {  	_ = 	snop  }
0x2c: {  	[tilespmem:s1], [sflag:$0x2] =	stream.linear.gather [hbm4b:s2+s3], $0x8400, $0x38;
	[tilespmem:$0x19A80] =	vst v63  }
0x2d: {  	_ = 	snop  }
0x2e: {  	[tilespmem:s4], [sflag:$0x2] =	stream.linear.gather [hbm4b:s2+s3], $0x8400, $0x38;
	[tilespmem:$0x19A80] =	vst v63  }
0x2f: {  	s0 =	rddreg [dreg:$0x3];
	s18 =	simm.s32 $0x80;
	s19 =	simm.s32 $0x200  }
0x30: {  	[tilespmem:s3], [sflag:$0x3] =	stream.strided.gather [hbm4b:s0+s18], $0x280, s19, s18, $0x38;
	[tilespmem:$0x19A80] =	vst v63  }
0x31: {  	_ =	swait.ge [sflag:s20], $0x280  }
0x32: {  	[sflag:s20] =	ssyncset.done $0x0  }
0x33: {  	s29 =	rddreg [dreg:$0x4];
	[sflag:s20] =	ssyncadd.s32 $0xFFFFFD80  }
0x34: {  	[tilespmem:s21], [sflag:$0x3] =	stream.strided.gather [hbm4b:s29+s18], $0x280, s19, s18, $0x38;
	[tilespmem:$0x19A80] =	vst v63  }
0x35: {  	_ =	swait.ge [sflag:s20], $0x280  }
0x36: {  	[sflag:s20] =	ssyncset.done $0x0  }
0x37: {  	s30 =	rddreg [dreg:$0x5];
	[sflag:s20] =	ssyncadd.s32 $0xFFFFFD80  }
0x38: {  	[tilespmem:s22], [sflag:$0x3] =	stream.strided.gather [hbm4b:s30+s18], $0x280, s19, s18, $0x38;
	[tilespmem:$0x19A80] =	vst v63  }
0x39: {  	_ =	swait.ge [sflag:s20], $0x280  }
0x3a: {  	[sflag:s20] =	ssyncset.done $0x0  }
0x3b: {  	s31 =	rddreg [dreg:$0x6];
	[sflag:s20] =	ssyncadd.s32 $0xFFFFFD80  }
0x3c: {  	[tilespmem:s26], [sflag:$0x3] =	stream.strided.gather [hbm4b:s31+s18], $0x280, s19, s18, $0x38;
	[tilespmem:$0x19A80] =	vst v63  }
0x3d: {  	_ =	swait.ge [sflag:s20], $0x280  }
0x3e: {  	[sflag:s20] =	ssyncset.done $0x0  }
0x3f: {  	[sflag:s20] =	ssyncadd.s32 $0xFFFFFD80  }
0x40: {  	v7 =	vld [tilespmem:s26+$0x0];
	_ =	sdelay $0x4  }
0x41: {  	vm0 =	vge.s32 v7, v0;
	vm1 =	vlt.s32 v7, v1  }
0x42: {  	vm0 =	vmand vm0, vm1  }
0x43: {  	v7 =	vmpcnt.ones.xlane vm0;
	_ =	sdelay $0x1  }
0x44: {  	(v2sf) =	vpush v7, $0x0;
	v7 =	vsel vm0, $0x1, v3  }
0x45: {  	(xrf0) =	vadd.scan.msk.s32 $0xffff, v7;
	_ =	sdelay $0x2  }
0x46: {  	v7 =	vmov s3  }
0x47: {  	v7 =	vadd.s32 $0xFFFFFFFF, v7  }
0x48: {  	v7 =	vbroadcast v7, $0x0  }
0x49: {  	v8, _, _ =	vpop (xrf0)  }
0x4a: {  	v7 =	vadd.s32 v8, v7;
	_ =	sdelay $0x3  }
0x4b: {  	v8 =	vor.u32 s3, v4  }
0x4c: {  	s4 =	simm.s32 $0x790;
	[tilespmem:v7+s23+$0x0] =	vst.idx.msk vm0, v8  }
0x4d: {  	v7 =	vld [tilespmem:s4+$0x0]  }
0x4e: {  	s5 =	simm.s32 $0x20  }
0x4f: {  	s1 =	simm.s32 $0x0;
	s0 =	simm.s32 $0x10;
	s6 =	spop (v2sf)  }
.LBB2_2:
0x50: {  	p0 =	sne.s32 s5, $0x1F0  }
0x51: {  	s1 =	sadd.s32 s1, s6;
	s6 =	smov.u32 s5;
	s5 =	sadd.s32 $0x10, s5  }
0x52: {  	vm0 =	vge.s32 v7, v0;
	vm1 =	vlt.s32 v7, v1;
	v7 =	vmov s1  }
0x53: {  	vm0 =	vmand vm0, vm1;
	v7 =	vadd.s32 $0xFFFFFFFF, v7  }
0x54: {  	v8 =	vsel vm0, $0x1, v3;
	v9 =	vmpcnt.ones.xlane vm0  }
0x55: {  	(xrf0) =	vadd.scan.msk.s32 $0xffff, v8  }
0x56: {  	(v2sf) =	vpush v9, $0x0;
	_ =	sdelay $0x3  }
0x57: {  	v7 =	vbroadcast v7, $0x0  }
0x58: {  	v8, _, _ =	vpop (xrf0)  }
0x59: {  	v7 =	vadd.s32 v8, v7;
	_ =	sdelay $0x3  }
0x5a: {  	v8 =	vor.u32 s0, v4;
	s0 =	smov.u32 s6  }
.Ltmp2:
0x5b: {  	s4 =	sadd.s32 $0x10, s4;
	[tilespmem:v7+s23+$0x0] =	vst.idx.msk vm0, v8;
	(pc) =	sbr.rel @p0 .LBB2_2-.Ltmp2, $2  }
0x5c: {  	v7 =	vld [tilespmem:s4+$0x0];
	_ =	sdelay $0x2  }
0x5d: {  	s6 =	spop (v2sf)  }
0x5e: {  	_ = 	snop  }
0x5f: {  	vm0 =	vge.s32 v7, v0;
	vm1 =	vlt.s32 v7, v1  }
0x60: {  	vm0 =	vmand vm0, vm1  }
0x61: {  	v7 =	vmpcnt.ones.xlane vm0;
	_ =	sdelay $0x1  }
0x62: {  	(v2sf) =	vpush v7, $0x0;
	_ =	sdelay $0x2  }
0x63: {  	v7 =	vsel vm0, $0x1, v3  }
0x64: {  	(xrf0) =	vadd.scan.msk.s32 $0xffff, v7;
	_ =	sdelay $0x1  }
0x65: {  	s1 =	sadd.s32 s1, s6  }
0x66: {  	v7 =	vmov s1  }
0x67: {  	v7 =	vadd.s32 $0xFFFFFFFF, v7  }
0x68: {  	v7 =	vbroadcast v7, $0x0  }
0x69: {  	v8, _, _ =	vpop (xrf0)  }
0x6a: {  	v7 =	vadd.s32 v8, v7;
	_ =	sdelay $0x3  }
0x6b: {  	v8 =	vor.u32 s0, v4;
	s29 =	spop (v2sf)  }
0x6c: {  	[tilespmem:v7+s23+$0x0] =	vst.idx.msk vm0, v8;
	s0 =	sadd.s32 s1, s29  }
0x6d: {  	s30 =	simm.s32 $0x780;
	[tilespmem:s0+$0xA00] =	vst v5  }
0x6e: {  	v7 =	vld [tilespmem:s30+$0x0];
	_ =	sdelay $0x4  }
0x6f: {  	vm14 =	vge.s32 v7, v1;
	vm15 =	vlt.s32 v7, v2  }
0x70: {  	vm0 =	vmand vm14, vm15  }
0x71: {  	v7 =	vmpcnt.ones.xlane vm0;
	_ =	sdelay $0x1  }
0x72: {  	(v2sf) =	vpush v7, $0x0;
	v7 =	vsel vm0, $0x1, v3  }
0x73: {  	(xrf0) =	vadd.scan.msk.s32 $0xffff, v7;
	_ =	sdelay $0x1  }
0x74: {  	s31 =	simm.s32 $0x210  }
0x75: {  	v7 =	vmov s31  }
0x76: {  	v7 =	vadd.s32 $0xFFFFFFFF, v7  }
0x77: {  	v7 =	vbroadcast v7, $0x0  }
0x78: {  	v8, _, _ =	vpop (xrf0)  }
0x79: {  	v7 =	vadd.s32 v8, v7;
	_ =	sdelay $0x2  }
0x7a: {  	s4 =	simm.s32 $0x0  }
0x7b: {  	v8 =	vor.u32 s4, v4  }
0x7c: {  	s5 =	simm.s32 $0x790;
	[tilespmem:v7+s23+$0x0] =	vst.idx.msk vm0, v8  }
0x7d: {  	v7 =	vld [tilespmem:s5+$0x0];
	_ =	sdelay $0x1  }
0x7e: {  	s6 =	simm.s32 $0x20;
	s1 =	simm.s32 $0x10;
	s7 =	spop (v2sf)  }
.LBB2_4:
0x7f: {  	p0 =	sne.s32 s6, $0x1F0  }
0x80: {  	s4 =	sadd.s32 s4, s7;
	s7 =	smov.u32 s6;
	s6 =	sadd.s32 $0x10, s6  }
0x81: {  	vm0 =	vge.s32 v7, v1;
	vm1 =	vlt.s32 v7, v2;
	s8 =	sadd.s32 $0x210, s4  }
0x82: {  	vm0 =	vmand vm0, vm1;
	v7 =	vmov s8  }
0x83: {  	v8 =	vsel vm0, $0x1, v3;
	v7 =	vadd.s32 $0xFFFFFFFF, v7;
	v9 =	vmpcnt.ones.xlane vm0  }
0x84: {  	(xrf0) =	vadd.scan.msk.s32 $0xffff, v8  }
0x85: {  	(v2sf) =	vpush v9, $0x0;
	_ =	sdelay $0x3  }
0x86: {  	v7 =	vbroadcast v7, $0x0  }
0x87: {  	v8, _, _ =	vpop (xrf0)  }
0x88: {  	v7 =	vadd.s32 v8, v7;
	_ =	sdelay $0x3  }
0x89: {  	v8 =	vor.u32 s1, v4;
	s1 =	smov.u32 s7  }
.Ltmp3:
0x8a: {  	s5 =	sadd.s32 $0x10, s5;
	[tilespmem:v7+s23+$0x0] =	vst.idx.msk vm0, v8;
	(pc) =	sbr.rel @p0 .LBB2_4-.Ltmp3, $2  }
0x8b: {  	v7 =	vld [tilespmem:s5+$0x0];
	_ =	sdelay $0x2  }
0x8c: {  	s7 =	spop (v2sf)  }
0x8d: {  	_ = 	snop  }
0x8e: {  	vm0 =	vge.s32 v7, v1;
	vm1 =	vlt.s32 v7, v2  }
0x8f: {  	vm0 =	vmand vm0, vm1  }
0x90: {  	v7 =	vmpcnt.ones.xlane vm0;
	_ =	sdelay $0x1  }
0x91: {  	(v2sf) =	vpush v7, $0x0;
	_ =	sdelay $0x2  }
0x92: {  	v7 =	vsel vm0, $0x1, v3  }
0x93: {  	(xrf0) =	vadd.scan.msk.s32 $0xffff, v7  }
0x94: {  	s4 =	sadd.s32 s4, s7  }
0x95: {  	s5 =	sadd.s32 $0x210, s4  }
0x96: {  	v7 =	vmov s5  }
0x97: {  	v7 =	vadd.s32 $0xFFFFFFFF, v7  }
0x98: {  	v7 =	vbroadcast v7, $0x0  }
0x99: {  	v8, _, _ =	vpop (xrf0)  }
0x9a: {  	v7 =	vadd.s32 v8, v7;
	_ =	sdelay $0x1  }
0x9b: {  	s0 =	sadd.s32 $0xF, s0  }
0x9c: {  	s19 =	sand.u32 $0xF, s0  }
0x9d: {  	p0 =	slt.s32 s0, $0x1;
	p1 =	sne.s32 s19, $0x0;
	v8 =	vor.u32 s1, v4;
	s17 =	spop (v2sf)  }
0x9e: {  	s18 =	sshra.s32 s0, $0x1F;
	p0 =	por !p0, !p1;
	[tilespmem:v7+s23+$0x0] =	vst.idx.msk vm0, v8;
	s29 =	sadd.s32 s4, s17  }
0x9f: {  	p0 =	por !p0, !p0;
	s1 =	sshrl.u32 s18, $0x1C;
	[tilespmem:s29+$0xC10] =	vst v5  }
0xa0: {  	s0 =	sadd.s32 s1, s0;
	s1 =	simm.s32 $0x1;
	_ =	swait.ge [sflag:s25], $0x8400  }
0xa1: {  	s0 =	sshra.s32 s0, $0x4;
	s1 =	simm.s32 @!p0 $0x0;
	[sflag:s25] =	ssyncset.done $0x0  }
0xa2: {  	s30 =	ssub.s32 s0, s1;
	[sflag:s25] =	ssyncadd.s32 $0xFFFF7C00  }
0xa3: {  	p0 =	slt.s32 s30, $0x1;
	_ =	swait.ge [sflag:s25], $0x8400  }
.Ltmp4:
0xa4: {  	[sflag:s25] =	ssyncset.done $0x0;
	(pc) =	sbr.rel @!p0 .LBB2_6-.Ltmp4, $4  }
0xa5: {  	[sflag:s25] =	ssyncadd.s32 $0xFFFF7C00  }
0xa6: {  	_ =	swait.ge [sflag:s25], $0x8400  }
0xa7: {  	[sflag:s25] =	ssyncset.done $0x0  }
0xa8: {  	s31 =	simm.s32 $0x0;
	s0 =	simm.s32 $0x0;
	[sflag:s25] =	ssyncadd.s32 $0xFFFF7C00  }
.LBB2_33:
0xa9: {  	s30 =	simm.s32 $0x0;
	s0 =	rddreg [dreg:$0x7];
	s31 =	simm.s32 $0xE80  }
0xaa: {  	[hbm4b:s0+s30] =	stream.linear.scatter [tilespmem:s31], [sflag:$0x1], $0x8400, $0x38;
	[tilespmem:$0x19A80] =	vst v63  }
0xab: {  	s15 =	rddreg [dreg:$0x8];
	s1 =	simm.s32 $0x9280  }
0xac: {  	[hbm4b:s15+s30] =	stream.linear.scatter [tilespmem:s1], [sflag:$0x1], $0x8400, $0x38;
	[tilespmem:$0x19A80] =	vst v63  }
0xad: {  	s16 =	rddreg [dreg:$0x9];
	s4 =	simm.s32 $0x11680  }
0xae: {  	[hbm4b:s16+s30] =	stream.linear.scatter [tilespmem:s4], [sflag:$0x1], $0x8400, $0x38;
	[tilespmem:$0x19A80] =	vst v63  }
0xaf: {  	_ =	swait.ge [sflag:s24], $0x8400  }
0xb0: {  	[sflag:s24] =	ssyncset.done $0x0  }
0xb1: {  	[sflag:s24] =	ssyncadd.s32 $0xFFFF7C00  }
0xb2: {  	[tilespmem:s31], [sflag:$0x2] =	stream.linear.gather [hbm4b:s2+s30], $0x8400, $0x38;
	[tilespmem:$0x19A80] =	vst v63  }
0xb3: {  	_ =	swait.ge [sflag:s24], $0x8400  }
0xb4: {  	s17 =	sadd.s32 $0xF, s29;
	[sflag:s24] =	ssyncset.done $0x0  }
0xb5: {  	s18 =	sand.u32 $0xF, s17;
	[sflag:s24] =	ssyncadd.s32 $0xFFFF7C00  }
0xb6: {  	[tilespmem:s1], [sflag:$0x2] =	stream.linear.gather [hbm4b:s2+s30], $0x8400, $0x38;
	[tilespmem:$0x19A80] =	vst v63  }
0xb7: {  	p1 =	slt.s32 s17, $0x1;
	p0 =	sne.s32 s18, $0x0;
	_ =	swait.ge [sflag:s24], $0x8400  }
0xb8: {  	s19 =	sshra.s32 s17, $0x1F;
	p0 =	por !p1, !p0;
	[sflag:s24] =	ssyncset.done $0x0  }
0xb9: {  	p0 =	por !p0, !p0;
	s1 =	sshrl.u32 s19, $0x1C;
	[sflag:s24] =	ssyncadd.s32 $0xFFFF7C00  }
0xba: {  	[tilespmem:s4], [sflag:$0x2] =	stream.linear.gather [hbm4b:s2+s30], $0x8400, $0x38;
	[tilespmem:$0x19A80] =	vst v63  }
0xbb: {  	s0 =	sadd.s32 s1, s17;
	s1 =	simm.s32 $0x1;
	_ =	swait.ge [sflag:s25], $0x8400  }
0xbc: {  	s0 =	sshra.s32 s0, $0x4;
	s1 =	simm.s32 @!p0 $0x0;
	[sflag:s25] =	ssyncset.done $0x0  }
0xbd: {  	s29 =	ssub.s32 s0, s1;
	[sflag:s25] =	ssyncadd.s32 $0xFFFF7C00  }
0xbe: {  	p0 =	slt.s32 s29, $0x1;
	_ =	swait.ge [sflag:s25], $0x8400  }
.Ltmp5:
0xbf: {  	[sflag:s25] =	ssyncset.done $0x0;
	(pc) =	sbr.rel @!p0 .LBB2_34-.Ltmp5, $4  }
.Ltmp6:
0xc0: {  	[sflag:s25] =	ssyncadd.s32 $0xFFFF7C00;
	(pc) =	sbr.rel @p0 .LBB2_61-.Ltmp6, $4  }
0xc1: {  	_ =	swait.ge [sflag:s25], $0x8400  }
0xc2: {  	[sflag:s25] =	ssyncset.done $0x0  }
0xc3: {  	s0 =	simm.s32 $0x0;
	[sflag:s25] =	ssyncadd.s32 $0xFFFF7C00  }
0xc4: {  	_ = 	snop  }
.LBB2_22:
0xc5: {  	s0 =	sadd.s32 $0x1, s0  }
0xc6: {  	p0 =	sne.s32 s0, s30  }
.Ltmp7:
0xc7: {  	_ = 	snop;
	(pc) =	sbr.rel @!p0 .LBB2_23-.Ltmp7, $2  }
0xc8: {  	_ =	sdelay $0x2  }
0xc9: {  	s1 =	simm.s32 $0x0  }
.LBB2_6:
0xca: {  	s1 =	sshll.u32 s0, $0x6  }
0xcb: {  	s1 =	sshra.s32 s1, $0x2  }
0xcc: {  	v11 =	vld [tilespmem:s1+$0xA00];
	_ =	sdelay $0x7  }
0xcd: {  	v7 =	vld.idx.msk [tilespmem:v11+s21+$0x0], $0xffff  }
0xce: {  	v8 =	vld.idx.msk [tilespmem:v11+s31+$0x0], $0xffff;
	_ =	sdelay $0x3  }
0xcf: {  	v14 =	vld.idx.msk [tilespmem:v11+s26+$0x0], $0xffff;
	v9 =	vtrunc.f32 v7  }
0xd0: {  	v10 =	vtrunc.f32 v8;
	v12 =	vcvt.f32.s32 v9;
	vm0 =	vgt.f32 v7, v9  }
0xd1: {  	v9 =	vcvt.f32.s32 v10;
	v10 =	vsel vm0, $0x1, v3  }
.Ltmp8:
0xd2: {  	v10 =	vadd.s32 v12, v10;
	(pc) =	sbr.rel .LBB2_7-.Ltmp8, $4  }
0xd3: {  	v13 =	vadd.s32 $0xFFFFFFFA, v9;
	v12 =	vcvt.s32.f32 v10  }
0xd4: {  	v14 =	vsub.s32 v14, v0;
	vm14 =	vgt.s32 v13, $0x0;
	v15 =	vadd.s32 $0x7, v10  }
0xd5: {  	vm15 =	vlt.s32 v15, $0x1026;
	v10 =	vmin.f32 v12, $4.134000000e+03;
	v12 =	vnsel vm14, $0x0, v13  }
0xd6: {  	s1 =	simm.s32 $0x0;
	v11 =	vld.idx.msk [tilespmem:v11+s22+$0x0], $0xffff;
	v9 =	vcvt.s32.f32 v9;
	v13 =	vnsel vm15, $0x1026, v15;
	v12 =	vand.u32 $0x7FFFFFF0, v12  }
.LBB2_9:
0xd7: {  	s16 =	smov.u32 s8;
	s5 =	smov.u32 s11;
	v17 =	vmov v26  }
.LBB2_20:
0xd8: {  	v27 =	vmul.f32 @p0 $1.442695020e+00, v27  }
0xd9: {  	v32 =	vmul.f32 $-5.000000000e-01, v20;
	v18 =	vmul.f32 @p0 v24, v18  }
0xda: {  	(erf) = vpow2.f32 @p0 v27  }
0xdb: {  	v20 =	vmul.f32 v32, v20;
	v18 =	vmul.f32 @p0 $1.442695020e+00, v18;
	_ =	sdelay $0x1  }
0xdc: {  	v56 =	vmul.f32 $2.015803810e+00, v25;
	v25 =	vnsel @p2 vm2, $0x0, v35;
	v20 =	vmul.f32 $1.442695020e+00, v20  }
0xdd: {  	vm2 =	vle.f32 @p1 v16, v31;
	v25 =	vadd.f32 @p2 v25, v34;
	(erf) = vpow2.f32 @p0 v18  }
0xde: {  	v22 =	vpsel p0, v22, v23;
	v57 =	vmul.f32 $-5.000000000e-01, v56;
	v18 =	vpop @p1 (erf);
	(erf) = vpow2.f32 v20  }
0xdf: {  	v24 =	vmovc @p0 v26;
	vm15 =	vle.f32 v16, v17;
	v31 =	vmul.f32 @p2 v25, v15;
	v18 =	vmul.f32 @p1 $1.000000010e-01, v18  }
0xe0: {  	s5 =	sadd.s32 @p2 $0x80, s5;
	s6 =	smov.u32 s11;
	v19 =	vpsel p0, v24, v19;
	v27 =	vmul.f32 @p3 v36, v15;
	v58 =	vmul.f32 v57, v56  }
0xe1: {  	s7 =	sadd.s32 @p2 s4, s10;
	s10 =	smov.u32 @p1 s17;
	vm1 =	vmmov @p1 vm2;
	s6 =	smov.u32 @p2 s5;
	v23 =	vpsel p2, v31, v0;
	v20 =	vmovc @p1 v30;
	v30 =	vmovc @p2 v38;
	v18 =	vpsel p1, v18, v28  }
0xe2: {  	s5 =	sand.u32 @p2 $0x7F, s9;
	s8 =	smov.u32 @p1 s10;
	s10 =	smov.u32 @p0 s15;
	v34 =	vpop @p1 (erf);
	v20 =	vpsel p1, v20, v21;
	v26 =	vpsel p2, v30, v0;
	v21 =	vmul.f32 $1.442695020e+00, v58  }
0xe3: {  	[tilespmem:s12+$0x11680] =	vst.add.f32.msk @p3 $0xffff, v33;
	s9 =	sand.u32 @p1 $0xFFFFFC00, s6;
	s5 =	sor.u32 @p2 s5, s7;
	s6 =	sadd.s32 @p1 $0x80, s6;
	v28 =	vpsel p1, v34, v29;
	v18 =	vnsel @p1 vm1, $0x0, v18;
	vm1 =	vle.f32 @p0 v16, v19;
	v29 =	vpop @p0 (erf)  }
0xe4: {  	s13 =	smov.u32 @p0 s10;
	s7 =	smov.u32 @p1 s9;
	s9 =	smov.u32 s11;
	[tilespmem:s12+$0xE80] =	vst.add.f32.msk @p3 $0xffff, v27;
	v18 =	vadd.f32 @p1 v18, v20;
	(erf) = vpow2.f32 v21;
	v20 =	vmul.f32 @p0 $1.000000010e-01, v29  }
0xe5: {  	s14 =	smov.u32 @p1 s7;
	s9 =	smov.u32 @p1 s6;
	[tilespmem:s5+$0x9280] =	vst.add.f32.msk @p2 $0xffff, v25;
	s5 =	smov.u32 @p2 s5;
	v24 =	vmul.f32 @p2 v26, v15;
	v19 =	vmovc @p0 v22;
	v22 =	vmov @p1 v28;
	vm1 =	vmmov @p0 vm1  }
0xe6: {  	s7 =	sand.u32 @p1 $0x7F, s8;
	s6 =	sand.u32 @p0 $0xFFFFFC00, s9;
	s8 =	sadd.s32 @p1 s4, s14;
	[tilespmem:s5+$0x11680] =	vst.add.f32.msk @p2 $0xffff, v23;
	v19 =	vpsel p0, v19, v0;
	v22 =	vpsel p1, v22, v0;
	v23 =	vpop @p0 (erf);
	v20 =	vpsel p0, v20, v0  }
0xe7: {  	s10 =	smov.u32 @p0 s13;
	s7 =	sor.u32 @p1 s7, s8;
	[tilespmem:s5+$0xE80] =	vst.add.f32.msk @p2 $0xffff, v24;
	s5 =	smov.u32 @p0 s6;
	v22 =	vmul.f32 @p1 v22, v15;
	v21 =	vmul.f32 @p1 v18, v15;
	v20 =	vnsel @p0 vm1, $0x0, v20;
	v59 =	vpop (erf)  }
0xe8: {  	s6 =	smov.u32 @p0 s10;
	[tilespmem:s7+$0x9280] =	vst.add.f32.msk @p1 $0xffff, v18;
	s5 =	smov.u32 @p0 s5;
	s7 =	smov.u32 @p1 s7;
	v60 =	vpsel p0, v23, v0;
	v19 =	vadd.f32 @p0 v20, v19;
	v20 =	vmul.f32 $1.000000010e-01, v59  }
0xe9: {  	v61 =	vsel vm0, $0x3F800000, v6;
	s8 =	sadd.s32 @p0 $0x80, s9;
	s6 =	sand.u32 @p0 $0x7F, s6;
	s5 =	sadd.s32 @p0 s4, s5;
	[tilespmem:s7+$0xE80] =	vst.add.f32.msk @p1 $0xffff, v22;
	v21 =	vpsel p1, v21, v0;
	v18 =	vpsel p0, v60, v0  }
0xea: {  	s11 =	smov.u32 @p0 s8;
	s5 =	sor.u32 @p0 s6, s5;
	[tilespmem:s7+$0x11680] =	vst.add.f32.msk @p1 $0xffff, v21;
	v18 =	vmul.f32 @p0 v18, v15;
	v16 =	vmul.f32 @p0 v19, v15;
	v20 =	vnsel vm15, $0x0, v20  }
0xeb: {  	s17 =	sand.u32 $0xFFFFFC00, s11;
	[tilespmem:s5+$0x9280] =	vst.add.f32.msk @p0 $0xffff, v19;
	s5 =	smov.u32 @p0 s5;
	v17 =	vadd.f32 v20, v61  }
0xec: {  	s18 =	sand.u32 $0x7F, s16;
	s19 =	sadd.s32 s4, s17;
	[tilespmem:s5+$0xE80] =	vst.add.f32.msk @p0 $0xffff, v18;
	v16 =	vpsel p0, v16, v0  }
0xed: {  	s4 =	sor.u32 s18, s19;
	v62 =	vpop (erf);
	[tilespmem:s5+$0x11680] =	vst.add.f32.msk @p0 $0xffff, v16;
	v63 =	vmul.f32 v17, v15  }
0xee: {  	v15 =	vmul.f32 v62, v15;
	[tilespmem:s4+$0x9280] =	vst.add.f32.msk $0xffff, v17  }
0xef: {  	[tilespmem:s4+$0x11680] =	vst.add.f32.msk $0xffff, v63  }
0xf0: {  	[tilespmem:s4+$0xE80] =	vst.add.f32.msk $0xffff, v15  }
.LBB2_21:
0xf1: {  	s1 =	sadd.s32 $0x1, s1  }
0xf2: {  	p0 =	sne.s32 s1, $0x10  }
.Ltmp9:
0xf3: {  	_ = 	snop;
	(pc) =	sbr.rel @!p0 .LBB2_22-.Ltmp9, $1  }
0xf4: {  	_ =	sdelay $0x3  }
.LBB2_7:
0xf5: {  	v15 =	vmov s1  }
0xf6: {  	vm0 =	veq.s32 v15, v4  }
0xf7: {  	v16 =	vnsel vm0, $0x0, v12  }
0xf8: {  	(xrf0) =	vadd.scan.msk.s32 $0xffff, v16;
	v16 =	vnsel vm0, $0x0, v13  }
0xf9: {  	(xrf0) =	vadd.scan.msk.s32 $0xffff, v16;
	_ =	sdelay $0x4  }
0xfa: {  	v16, _, _ =	vpop (xrf0)  }
0xfb: {  	(v2sf) =	vpush v16, $0xF;
	v16, _, _ =	vpop (xrf0)  }
0xfc: {  	(v2sf) =	vpush v16, $0xF;
	_ =	sdelay $0xd  }
0xfd: {  	s8 =	spop (v2sf)  }
0xfe: {  	s4 =	spop (v2sf)  }
0xff: {  	s4 =	ssub.s32 s4, s8  }
0x100: {  	p0 =	sgt.s32 s4, $0x0  }
0x101: {  	s4 =	simm.s32 @!p0 $0x0  }
0x102: {  	s4 =	sadd.s32 $0xF, s4  }
0x103: {  	s5 =	sand.u32 $0xF, s4  }
0x104: {  	s19 =	sshra.s32 s4, $0x1F;
	p1 =	slt.s32 s4, $0x0;
	p6 =	sne.s32 s5, $0x0  }
0x105: {  	s5 =	sshrl.u32 s19, $0x1C;
	p0 =	por !p1, !p6  }
0x106: {  	s4 =	sadd.s32 s5, s4;
	s5 =	simm.s32 $0x1;
	p0 =	por !p0, !p0  }
0x107: {  	s4 =	sshra.s32 s4, $0x4;
	s5 =	simm.s32 @!p0 $0x0  }
0x108: {  	s5 =	ssub.s32 s4, s5  }
0x109: {  	p0 =	slt.s32 s5, $0x1  }
.Ltmp10:
0x10a: {  	_ = 	snop;
	(pc) =	sbr.rel @p0 .LBB2_21-.Ltmp10, $1  }
0x10b: {  	_ =	sdelay $0x3  }
0x10c: {  	v16 =	vnsel vm0, $0x0, v14  }
0x10d: {  	(xrf0) =	vadd.scan.msk.s32 $0xffff, v16;
	_ =	sdelay $0x5  }
0x10e: {  	v16, _, _ =	vpop (xrf0)  }
0x10f: {  	(v2sf) =	vpush v16, $0xF;
	_ =	sdelay $0xd  }
0x110: {  	v17 =	vadd.s32 s8, v4;
	v30 =	vperm.xlane v9, v15;
	p4 =	sne.s32 s5, $0x1  }
.Ltmp11:
0x111: {  	v26 =	vcvt.s32.f32 v17;
	v16 =	vperm.xlane v7, v15;
	s4 =	spop (v2sf);
	(pc) =	sbr.rel @!p4 .LBB2_9-.Ltmp11, $4  }
0x112: {  	v31 =	vperm.xlane v10, v15;
	v32 =	vperm.xlane v8, v15;
	s11 =	sshll.u32 s8, $0x3;
	s6 =	sshrl.u32 s4, $0x3  }
0x113: {  	s5 =	sadd.s32 $0xFFFFFFFF, s5;
	v17 =	vsub.f32 v26, v16;
	s4 =	sshll.u32 s4, $0x7;
	s6 =	smul.u32 $0x8400, s6  }
0x114: {  	p0 =	por $0x0, $0x0;
	p1 =	por $0x0, $0x0;
	vm0 =	vle.f32 v30, v26;
	vm1 =	vgt.f32 v31, v26;
	v25 =	vsub.f32 v26, v32;
	s4 =	sand.u32 $0x380, s4  }
0x115: {  	p2 =	por $0x0, $0x0;
	p3 =	por $0x0, $0x0;
	vm0 =	vmand vm0, vm1;
	v15 =	vperm.xlane v11, v15;
	v20 =	vmul.f32 $2.015803810e+00, v17;
	s4 =	sor.u32 s4, s6  }
0x116: {  	s13 =	sadd.s32 $0x10, s8  }
0x117: {  	p4 =	sne.s32 s5, $0x1;
	v17 =	vadd.s32 s13, v4  }
.Ltmp12:
0x118: {  	v18 =	vmul.f32 $2.015803810e+00, v25;
	v19 =	vcvt.s32.f32 v17;
	(pc) =	sbr.rel @!p4 .LBB2_11-.Ltmp12, $4  }
0x119: {  	v17 =	vmul.f32 $-5.000000000e-01, v20  }
0x11a: {  	v21 =	vsel vm0, $0x3F800000, v6;
	v24 =	vmul.f32 $-5.000000000e-01, v18;
	v22 =	vsub.f32 v19, v16  }
0x11b: {  	v27 =	vmul.f32 v17, v20;
	vm0 =	vle.f32 v30, v19;
	vm1 =	vgt.f32 v31, v19  }
0x11c: {  	s5 =	sadd.s32 $0xFFFFFFFF, s5;
	p0 =	por $0x1, $0x1;
	v25 =	vsub.f32 v19, v32;
	vm0 =	vmand vm0, vm1;
	v20 =	vmul.f32 $2.015803810e+00, v22  }
0x11d: {  	v17 =	vmul.f32 v24, v18;
	s16 =	sadd.s32 $0x10, s13;
	v22 =	vmul.f32 $1.442695020e+00, v27  }
0x11e: {  	p4 =	sne.s32 s5, $0x1;
	v23 =	vadd.s32 s16, v4;
	v18 =	vmul.f32 $2.015803810e+00, v25;
	v27 =	vmul.f32 $-5.000000000e-01, v20  }
.Ltmp13:
0x11f: {  	v25 =	vmul.f32 $1.442695020e+00, v17;
	v17 =	vcvt.s32.f32 v23;
	(pc) =	sbr.rel @!p4 .LBB2_13-.Ltmp13, $4  }
0x120: {  	v23 =	vsel vm0, $0x3F800000, v6;
	(erf) = vpow2.f32 v22  }
0x121: {  	v24 =	vmul.f32 $-5.000000000e-01, v18;
	v27 =	vmul.f32 v27, v20;
	v22 =	vsub.f32 v17, v16  }
0x122: {  	(erf) = vpow2.f32 v25;
	vm0 =	vle.f32 v30, v17;
	vm1 =	vgt.f32 v31, v17  }
0x123: {  	s5 =	sadd.s32 $0xFFFFFFFF, s5;
	p1 =	por $0x1, $0x1;
	v25 =	vsub.f32 v17, v32;
	vm0 =	vmand vm0, vm1;
	v20 =	vmul.f32 $2.015803810e+00, v22  }
0x124: {  	v22 =	vmul.f32 v24, v18  }
0x125: {  	v24 =	vmul.f32 $1.442695020e+00, v27;
	s6 =	sadd.s32 $0x10, s16  }
0x126: {  	p4 =	sne.s32 s5, $0x1;
	v28 =	vadd.s32 s6, v4;
	v18 =	vmul.f32 $2.015803810e+00, v25;
	v25 =	vmul.f32 $1.442695020e+00, v22  }
.Ltmp14:
0x127: {  	vm1 =	vle.f32 v16, v26;
	v27 =	vmul.f32 $-5.000000000e-01, v20;
	v37 =	vcvt.s32.f32 v28;
	(pc) =	sbr.rel @!p4 .LBB2_15-.Ltmp14, $4  }
0x128: {  	(erf) = vpow2.f32 v24;
	v22 =	vsel vm0, $0x3F800000, v6;
	v24 =	vmul.f32 $-5.000000000e-01, v18  }
0x129: {  	v26 =	vsub.f32 v37, v16;
	vm0 =	vle.f32 v30, v37;
	vm2 =	vgt.f32 v31, v37  }
0x12a: {  	v27 =	vmul.f32 v27, v20;
	(erf) = vpow2.f32 v25;
	vm0 =	vmand vm0, vm2;
	v25 =	vpop (erf)  }
0x12b: {  	s9 =	sadd.s32 $0xFFFFFFFF, s5;
	s14 =	sand.u32 $0xFFFFFC00, s11;
	p2 =	por $0x1, $0x1;
	v20 =	vmul.f32 $2.015803810e+00, v26;
	v28 =	vmul.f32 $1.000000010e-01, v25;
	v29 =	vpop (erf);
	v25 =	vsub.f32 v37, v32  }
0x12c: {  	v24 =	vmul.f32 v24, v18  }
0x12d: {  	v27 =	vmul.f32 $1.442695020e+00, v27;
	s7 =	sadd.s32 $0x10, s6;
	v18 =	vnsel vm1, $0x0, v28;
	v33 =	vmul.f32 $-5.000000000e-01, v20  }
0x12e: {  	v26 =	vadd.s32 s7, v4;
	v34 =	vadd.f32 v18, v21;
	v18 =	vmul.f32 $2.015803810e+00, v25  }
0x12f: {  	v25 =	vmul.f32 $1.442695020e+00, v24;
	v39 =	vcvt.s32.f32 v26  }
0x130: {  	vm2 =	vle.f32 v16, v19;
	p4 =	sne.s32 s9, $0x1  }
.Ltmp15:
0x131: {  	(erf) = vpow2.f32 v27;
	v27 =	vmul.f32 v33, v20;
	v36 =	vsub.f32 v39, v16;
	(pc) =	sbr.rel @!p4 .LBB2_17-.Ltmp15, $4  }
0x132: {  	v26 =	vsel vm0, $0x3F800000, v6;
	v24 =	vmul.f32 $-5.000000000e-01, v18;
	(erf) = vpow2.f32 v25  }
0x133: {  	s10 =	sand.u32 $0x7F, s8;
	s12 =	sadd.s32 s4, s14;
	s5 =	sadd.s32 $0x80, s11;
	vm0 =	vle.f32 v30, v39;
	vm3 =	vgt.f32 v31, v39;
	v33 =	vmul.f32 v34, v15;
	v25 =	vpop (erf)  }
0x134: {  	s15 =	sadd.s32 $0xFFFFFFFF, s9;
	p3 =	por $0x1, $0x1;
	s12 =	sor.u32 s10, s12;
	vm0 =	vmand vm0, vm3;
	v20 =	vmul.f32 $2.015803810e+00, v36;
	v35 =	vmul.f32 $1.000000010e-01, v25  }
0x135: {  	s9 =	smov.u32 s13;
	s10 =	sand.u32 $0xFFFFFC00, s5;
	s17 =	smov.u32 s7;
	[tilespmem:s12+$0x9280] =	vst.add.f32.msk $0xffff, v34;
	v34 =	vmov v23;
	v38 =	vpop (erf);
	v25 =	vsub.f32 v39, v32;
	v36 =	vmov v29  }
.LBB2_18:
0x136: {  	p4 =	sne.s32 s15, $0x1;
	s15 =	sadd.s32 $0xFFFFFFFF, s15;
	v24 =	vmul.f32 v24, v18;
	v27 =	vmul.f32 $1.442695020e+00, v27;
	v18 =	vnsel vm2, $0x0, v35;
	s5 =	sadd.s32 $0x80, s5  }
0x137: {  	s17 =	sadd.s32 $0x10, s17;
	v41 =	vmul.f32 v36, v15;
	s19 =	sand.u32 $0x7F, s9;
	v35 =	vmul.f32 $-5.000000000e-01, v20;
	s18 =	sand.u32 $0xFFFFFC00, s5;
	v40 =	vadd.f32 v18, v34;
	v34 =	vmovc v22;
	v22 =	vmovc v26  }
0x138: {  	s10 =	sadd.s32 s4, s10;
	v36 =	vmovc v38;
	s9 =	smov.u32 s16;
	v26 =	vadd.s32 s17, v4;
	v18 =	vmul.f32 $2.015803810e+00, v25;
	v25 =	vmul.f32 $1.442695020e+00, v24;
	[tilespmem:s12+$0x11680] =	vst.add.f32.msk $0xffff, v33  }
.Ltmp16:
0x139: {  	s16 =	smov.u32 s6;
	v42 =	vcvt.s32.f32 v26;
	v26 =	vsel vm0, $0x3F800000, v6;
	(erf) = vpow2.f32 v27;
	[tilespmem:s12+$0xE80] =	vst.add.f32.msk $0xffff, v41;
	s12 =	sor.u32 s19, s10;
	(pc) =	sbr.rel @p4 .LBB2_18-.Ltmp16, $4  }
0x13a: {  	vm2 =	vle.f32 v16, v17;
	s6 =	smov.u32 s7;
	s7 =	smov.u32 s17;
	v24 =	vmul.f32 $-5.000000000e-01, v18;
	s10 =	smov.u32 s18;
	(erf) = vpow2.f32 v25;
	v17 =	vpop (erf);
	[tilespmem:s12+$0x9280] =	vst.add.f32.msk $0xffff, v40  }
0x13b: {  	v27 =	vmul.f32 v35, v20;
	v41 =	vsub.f32 v42, v16;
	v35 =	vmul.f32 $1.000000010e-01, v17;
	v38 =	vpop (erf)  }
0x13c: {  	v33 =	vmul.f32 v40, v15;
	vm0 =	vle.f32 v30, v42;
	vm3 =	vgt.f32 v31, v42;
	v17 =	vmovc v37  }
0x13d: {  	v25 =	vsub.f32 v42, v32;
	vm0 =	vmand vm0, vm3;
	v37 =	vmovc v39;
	v39 =	vmovc v42;
	v20 =	vmul.f32 $2.015803810e+00, v41  }
.Ltmp17:
0x13e: {  	(pc) =	sbr.rel .LBB2_20-.Ltmp17, $2  }
0x13f: {  	_ =	sdelay $0x2  }
0x140: {  	v30 =	vmovc v22;
	s17 =	smov.u32 s16;
	v31 =	vmovc v17;
	v22 =	vmov v26;
	s15 =	smov.u32 s6;
	s16 =	smov.u32 s7;
	v26 =	vmov v37;
	v17 =	vmov v39  }
.LBB2_11:
.Ltmp18:
0x141: {  	(pc) =	sbr.rel .LBB2_20-.Ltmp18, $2  }
0x142: {  	_ =	sdelay $0x2  }
0x143: {  	v22 =	vmov v21;
	s15 =	smov.u32 s8;
	s16 =	smov.u32 s13;
	v17 =	vmov v19;
	s5 =	smov.u32 s11  }
.LBB2_13:
.Ltmp19:
0x144: {  	(pc) =	sbr.rel .LBB2_20-.Ltmp19, $2  }
0x145: {  	_ =	sdelay $0x2  }
0x146: {  	v31 =	vmovc v26;
	v30 =	vmov v21;
	v22 =	vmov v23;
	s17 =	smov.u32 s8;
	s15 =	smov.u32 s13;
	v26 =	vmov v19;
	s5 =	smov.u32 s11  }
.LBB2_15:
.Ltmp20:
0x147: {  	(pc) =	sbr.rel .LBB2_20-.Ltmp20, $3  }
0x148: {  	_ =	sdelay $0x1  }
0x149: {  	s15 =	smov.u32 s16;
	v26 =	vmov v17;
	vm2 =	vmmov vm1;
	s5 =	smov.u32 s11;
	v34 =	vmov v21;
	s9 =	smov.u32 s8  }
0x14a: {  	v30 =	vmovc v23;
	s10 =	smov.u32 s14;
	v38 =	vmovc v29;
	s17 =	smov.u32 s13;
	v31 =	vmov v19;
	s16 =	smov.u32 s6;
	v17 =	vmov v37;
	v35 =	vmov v28  }
.LBB2_17:
.Ltmp21:
0x14b: {  	(pc) =	sbr.rel .LBB2_20-.Ltmp21, $3  }
0x14c: {  	_ =	sdelay $0x1  }
0x14d: {  	v30 =	vmov v22;
	s17 =	smov.u32 s16;
	v31 =	vmov v17  }
0x14e: {  	v34 =	vmovc v23;
	v36 =	vmovc v29;
	v22 =	vmov v26;
	s9 =	smov.u32 s13;
	s15 =	smov.u32 s6;
	s16 =	smov.u32 s7;
	v26 =	vmov v37;
	v17 =	vmov v39  }
.LBB2_50:
0x14f: {  	s0 =	sadd.s32 $0x1, s0  }
0x150: {  	p0 =	sne.s32 s0, s29  }
.Ltmp22:
0x151: {  	_ = 	snop;
	(pc) =	sbr.rel @!p0 .LBB2_51-.Ltmp22, $2  }
0x152: {  	_ =	sdelay $0x2  }
0x153: {  	s1 =	simm.s32 $0x0  }
.LBB2_34:
0x154: {  	s1 =	sshll.u32 s0, $0x6  }
0x155: {  	s1 =	sshra.s32 s1, $0x2  }
0x156: {  	v11 =	vld [tilespmem:s1+$0xC10];
	_ =	sdelay $0x7  }
0x157: {  	v7 =	vld.idx.msk [tilespmem:v11+s21+$0x0], $0xffff  }
0x158: {  	v8 =	vld.idx.msk [tilespmem:v11+s30+$0x0], $0xffff;
	_ =	sdelay $0x3  }
0x159: {  	v14 =	vld.idx.msk [tilespmem:v11+s26+$0x0], $0xffff;
	v9 =	vtrunc.f32 v7  }
0x15a: {  	v10 =	vtrunc.f32 v8;
	v12 =	vcvt.f32.s32 v9;
	vm0 =	vgt.f32 v7, v9  }
0x15b: {  	v9 =	vcvt.f32.s32 v10;
	v10 =	vsel vm0, $0x1, v3  }
.Ltmp23:
0x15c: {  	v10 =	vadd.s32 v12, v10;
	(pc) =	sbr.rel .LBB2_35-.Ltmp23, $4  }
0x15d: {  	v13 =	vadd.s32 $0xFFFFFFFA, v9;
	v12 =	vcvt.s32.f32 v10  }
0x15e: {  	v14 =	vsub.s32 v14, v1;
	vm14 =	vgt.s32 v13, $0x0;
	v15 =	vadd.s32 $0x7, v10  }
0x15f: {  	vm15 =	vlt.s32 v15, $0x1026;
	v10 =	vmin.f32 v12, $4.134000000e+03;
	v12 =	vnsel vm14, $0x0, v13  }
0x160: {  	s1 =	simm.s32 $0x0;
	v11 =	vld.idx.msk [tilespmem:v11+s22+$0x0], $0xffff;
	v9 =	vcvt.s32.f32 v9;
	v13 =	vnsel vm15, $0x1026, v15;
	v12 =	vand.u32 $0x7FFFFFF0, v12  }
.LBB2_37:
0x161: {  	s7 =	smov.u32 s6;
	s11 =	smov.u32 s5;
	v17 =	vmov v26  }
.LBB2_48:
0x162: {  	v27 =	vmul.f32 @p0 $1.442695020e+00, v27  }
0x163: {  	v32 =	vmul.f32 $-5.000000000e-01, v20;
	v18 =	vmul.f32 @p0 v24, v18  }
0x164: {  	(erf) = vpow2.f32 @p0 v27  }
0x165: {  	v20 =	vmul.f32 v32, v20;
	v18 =	vmul.f32 @p0 $1.442695020e+00, v18;
	_ =	sdelay $0x1  }
0x166: {  	v56 =	vmul.f32 $2.015803810e+00, v25;
	v25 =	vnsel @p2 vm2, $0x0, v35;
	v20 =	vmul.f32 $1.442695020e+00, v20  }
0x167: {  	vm2 =	vle.f32 @p1 v16, v31;
	v25 =	vadd.f32 @p2 v25, v34;
	(erf) = vpow2.f32 @p0 v18  }
0x168: {  	v22 =	vpsel p0, v22, v23;
	v57 =	vmul.f32 $-5.000000000e-01, v56;
	v18 =	vpop @p1 (erf);
	(erf) = vpow2.f32 v20  }
0x169: {  	v24 =	vmovc @p0 v26;
	vm15 =	vle.f32 v16, v17;
	v31 =	vmul.f32 @p2 v25, v15;
	v18 =	vmul.f32 @p1 $1.000000010e-01, v18  }
0x16a: {  	v19 =	vpsel p0, v24, v19;
	v27 =	vmul.f32 @p3 v36, v15;
	v58 =	vmul.f32 v57, v56  }
0x16b: {  	s8 =	sadd.s32 @p2 $0x80, s11;
	s11 =	smov.u32 s5;
	s6 =	smov.u32 @p1 s16;
	vm1 =	vmmov @p1 vm2;
	v23 =	vpsel p2, v31, v0;
	v20 =	vmovc @p1 v30;
	v30 =	vmovc @p2 v38;
	v18 =	vpsel p1, v18, v28  }
0x16c: {  	s11 =	smov.u32 @p2 s8;
	s8 =	sand.u32 @p2 $0x7F, s13;
	s13 =	sadd.s32 @p2 s4, s14;
	v34 =	vpop @p1 (erf);
	v20 =	vpsel p1, v20, v21;
	v26 =	vpsel p2, v30, v0;
	v21 =	vmul.f32 $1.442695020e+00, v58  }
0x16d: {  	[tilespmem:s12+$0x11680] =	vst.add.f32.msk @p3 $0xffff, v33;
	s6 =	sand.u32 @p1 $0x7F, s6;
	s14 =	sand.u32 @p1 $0xFFFFFC00, s11;
	s8 =	sor.u32 @p2 s8, s13;
	v28 =	vpsel p1, v34, v29;
	v18 =	vnsel @p1 vm1, $0x0, v18;
	vm1 =	vle.f32 @p0 v16, v19;
	v29 =	vpop @p0 (erf)  }
0x16e: {  	s11 =	sadd.s32 @p1 $0x80, s11;
	s13 =	smov.u32 @p1 s14;
	s14 =	smov.u32 s5;
	[tilespmem:s12+$0xE80] =	vst.add.f32.msk @p3 $0xffff, v27;
	v18 =	vadd.f32 @p1 v18, v20;
	(erf) = vpow2.f32 v21;
	v20 =	vmul.f32 @p0 $1.000000010e-01, v29  }
0x16f: {  	s10 =	smov.u32 @p1 s13;
	s14 =	smov.u32 @p1 s11;
	[tilespmem:s8+$0x9280] =	vst.add.f32.msk @p2 $0xffff, v25;
	s8 =	smov.u32 @p2 s8;
	v24 =	vmul.f32 @p2 v26, v15;
	v19 =	vmovc @p0 v22;
	v22 =	vmov @p1 v28;
	vm1 =	vmmov @p0 vm1  }
0x170: {  	s12 =	smov.u32 @p0 s15;
	s11 =	sand.u32 @p0 $0xFFFFFC00, s14;
	s10 =	sadd.s32 @p1 s4, s10;
	[tilespmem:s8+$0x11680] =	vst.add.f32.msk @p2 $0xffff, v23;
	v19 =	vpsel p0, v19, v0;
	v22 =	vpsel p1, v22, v0;
	v23 =	vpop @p0 (erf);
	v20 =	vpsel p0, v20, v0  }
0x171: {  	s9 =	smov.u32 @p0 s12;
	s6 =	sor.u32 @p1 s6, s10;
	[tilespmem:s8+$0xE80] =	vst.add.f32.msk @p2 $0xffff, v24;
	s8 =	smov.u32 @p0 s11;
	v22 =	vmul.f32 @p1 v22, v15;
	v21 =	vmul.f32 @p1 v18, v15;
	v20 =	vnsel @p0 vm1, $0x0, v20;
	v59 =	vpop (erf)  }
0x172: {  	s9 =	smov.u32 @p0 s9;
	[tilespmem:s6+$0x9280] =	vst.add.f32.msk @p1 $0xffff, v18;
	s8 =	smov.u32 @p0 s8;
	s6 =	smov.u32 @p1 s6;
	v60 =	vpsel p0, v23, v0;
	v19 =	vadd.f32 @p0 v20, v19;
	v20 =	vmul.f32 $1.000000010e-01, v59  }
0x173: {  	v61 =	vsel vm0, $0x3F800000, v6;
	s10 =	sadd.s32 @p0 $0x80, s14;
	s9 =	sand.u32 @p0 $0x7F, s9;
	s8 =	sadd.s32 @p0 s4, s8;
	[tilespmem:s6+$0xE80] =	vst.add.f32.msk @p1 $0xffff, v22;
	v21 =	vpsel p1, v21, v0;
	v18 =	vpsel p0, v60, v0  }
0x174: {  	s5 =	smov.u32 @p0 s10;
	s8 =	sor.u32 @p0 s9, s8;
	[tilespmem:s6+$0x11680] =	vst.add.f32.msk @p1 $0xffff, v21;
	v18 =	vmul.f32 @p0 v18, v15;
	v16 =	vmul.f32 @p0 v19, v15;
	v20 =	vnsel vm15, $0x0, v20  }
0x175: {  	s5 =	sand.u32 $0xFFFFFC00, s5;
	s6 =	smov.u32 @p0 s8;
	[tilespmem:s8+$0x9280] =	vst.add.f32.msk @p0 $0xffff, v19;
	v17 =	vadd.f32 v20, v61  }
0x176: {  	s7 =	sand.u32 $0x7F, s7;
	s19 =	sadd.s32 s4, s5;
	[tilespmem:s6+$0xE80] =	vst.add.f32.msk @p0 $0xffff, v18;
	v16 =	vpsel p0, v16, v0  }
0x177: {  	s4 =	sor.u32 s7, s19;
	v62 =	vpop (erf);
	[tilespmem:s6+$0x11680] =	vst.add.f32.msk @p0 $0xffff, v16;
	v63 =	vmul.f32 v17, v15  }
0x178: {  	v15 =	vmul.f32 v62, v15;
	[tilespmem:s4+$0x9280] =	vst.add.f32.msk $0xffff, v17  }
0x179: {  	[tilespmem:s4+$0x11680] =	vst.add.f32.msk $0xffff, v63  }
0x17a: {  	[tilespmem:s4+$0xE80] =	vst.add.f32.msk $0xffff, v15  }
.LBB2_49:
0x17b: {  	s1 =	sadd.s32 $0x1, s1  }
0x17c: {  	p0 =	sne.s32 s1, $0x10  }
.Ltmp24:
0x17d: {  	_ = 	snop;
	(pc) =	sbr.rel @!p0 .LBB2_50-.Ltmp24, $1  }
0x17e: {  	_ =	sdelay $0x3  }
.LBB2_35:
0x17f: {  	v15 =	vmov s1  }
0x180: {  	vm0 =	veq.s32 v15, v4  }
0x181: {  	v16 =	vnsel vm0, $0x0, v12  }
0x182: {  	(xrf0) =	vadd.scan.msk.s32 $0xffff, v16;
	v16 =	vnsel vm0, $0x0, v13  }
0x183: {  	(xrf0) =	vadd.scan.msk.s32 $0xffff, v16;
	_ =	sdelay $0x4  }
0x184: {  	v16, _, _ =	vpop (xrf0)  }
0x185: {  	(v2sf) =	vpush v16, $0xF;
	v16, _, _ =	vpop (xrf0)  }
0x186: {  	(v2sf) =	vpush v16, $0xF;
	_ =	sdelay $0xd  }
0x187: {  	s6 =	spop (v2sf)  }
0x188: {  	s4 =	spop (v2sf)  }
0x189: {  	s4 =	ssub.s32 s4, s6  }
0x18a: {  	p0 =	sgt.s32 s4, $0x0  }
0x18b: {  	s4 =	simm.s32 @!p0 $0x0  }
0x18c: {  	s4 =	sadd.s32 $0xF, s4  }
0x18d: {  	s5 =	sand.u32 $0xF, s4  }
0x18e: {  	s19 =	sshra.s32 s4, $0x1F;
	p1 =	slt.s32 s4, $0x0;
	p6 =	sne.s32 s5, $0x0  }
0x18f: {  	s5 =	sshrl.u32 s19, $0x1C;
	p0 =	por !p1, !p6  }
0x190: {  	s4 =	sadd.s32 s5, s4;
	s5 =	simm.s32 $0x1;
	p0 =	por !p0, !p0  }
0x191: {  	s4 =	sshra.s32 s4, $0x4;
	s5 =	simm.s32 @!p0 $0x0  }
0x192: {  	s7 =	ssub.s32 s4, s5  }
0x193: {  	p0 =	slt.s32 s7, $0x1  }
.Ltmp25:
0x194: {  	_ = 	snop;
	(pc) =	sbr.rel @p0 .LBB2_49-.Ltmp25, $1  }
0x195: {  	_ =	sdelay $0x3  }
0x196: {  	v16 =	vnsel vm0, $0x0, v14  }
0x197: {  	(xrf0) =	vadd.scan.msk.s32 $0xffff, v16;
	_ =	sdelay $0x5  }
0x198: {  	v16, _, _ =	vpop (xrf0)  }
0x199: {  	(v2sf) =	vpush v16, $0xF;
	_ =	sdelay $0xd  }
0x19a: {  	v17 =	vadd.s32 s6, v4;
	v30 =	vperm.xlane v9, v15;
	p4 =	sne.s32 s7, $0x1  }
.Ltmp26:
0x19b: {  	v26 =	vcvt.s32.f32 v17;
	v16 =	vperm.xlane v7, v15;
	s4 =	spop (v2sf);
	(pc) =	sbr.rel @!p4 .LBB2_37-.Ltmp26, $4  }
0x19c: {  	v31 =	vperm.xlane v10, v15;
	v32 =	vperm.xlane v8, v15;
	s7 =	sadd.s32 $0xFFFFFFFF, s7;
	s5 =	sshrl.u32 s4, $0x3  }
0x19d: {  	p0 =	por $0x0, $0x0;
	v17 =	vsub.f32 v26, v16;
	s4 =	sshll.u32 s4, $0x7;
	s5 =	smul.u32 $0x8400, s5  }
0x19e: {  	p1 =	por $0x0, $0x0;
	p2 =	por $0x0, $0x0;
	vm0 =	vle.f32 v30, v26;
	vm1 =	vgt.f32 v31, v26;
	v25 =	vsub.f32 v26, v32;
	s4 =	sand.u32 $0x380, s4  }
0x19f: {  	p3 =	por $0x0, $0x0;
	vm0 =	vmand vm0, vm1;
	v15 =	vperm.xlane v11, v15;
	v20 =	vmul.f32 $2.015803810e+00, v17;
	s4 =	sor.u32 s4, s5;
	s5 =	sshll.u32 s6, $0x3  }
0x1a0: {  	s9 =	sadd.s32 $0x10, s6  }
0x1a1: {  	p4 =	sne.s32 s7, $0x1;
	v17 =	vadd.s32 s9, v4  }
.Ltmp27:
0x1a2: {  	v18 =	vmul.f32 $2.015803810e+00, v25;
	v19 =	vcvt.s32.f32 v17;
	(pc) =	sbr.rel @!p4 .LBB2_39-.Ltmp27, $4  }
0x1a3: {  	v17 =	vmul.f32 $-5.000000000e-01, v20  }
0x1a4: {  	v21 =	vsel vm0, $0x3F800000, v6;
	v24 =	vmul.f32 $-5.000000000e-01, v18;
	v22 =	vsub.f32 v19, v16  }
0x1a5: {  	v27 =	vmul.f32 v17, v20;
	vm0 =	vle.f32 v30, v19;
	vm1 =	vgt.f32 v31, v19  }
0x1a6: {  	s8 =	sadd.s32 $0xFFFFFFFF, s7;
	p0 =	por $0x1, $0x1;
	v25 =	vsub.f32 v19, v32;
	vm0 =	vmand vm0, vm1;
	v20 =	vmul.f32 $2.015803810e+00, v22  }
0x1a7: {  	v17 =	vmul.f32 v24, v18;
	s7 =	sadd.s32 $0x10, s9;
	v22 =	vmul.f32 $1.442695020e+00, v27  }
0x1a8: {  	p4 =	sne.s32 s8, $0x1;
	v23 =	vadd.s32 s7, v4;
	v18 =	vmul.f32 $2.015803810e+00, v25;
	v27 =	vmul.f32 $-5.000000000e-01, v20  }
.Ltmp28:
0x1a9: {  	v25 =	vmul.f32 $1.442695020e+00, v17;
	v17 =	vcvt.s32.f32 v23;
	(pc) =	sbr.rel @!p4 .LBB2_41-.Ltmp28, $4  }
0x1aa: {  	v23 =	vsel vm0, $0x3F800000, v6;
	(erf) = vpow2.f32 v22  }
0x1ab: {  	v24 =	vmul.f32 $-5.000000000e-01, v18;
	v27 =	vmul.f32 v27, v20;
	v22 =	vsub.f32 v17, v16  }
0x1ac: {  	(erf) = vpow2.f32 v25;
	vm0 =	vle.f32 v30, v17;
	vm1 =	vgt.f32 v31, v17  }
0x1ad: {  	s10 =	sadd.s32 $0xFFFFFFFF, s8;
	p1 =	por $0x1, $0x1;
	v25 =	vsub.f32 v17, v32;
	vm0 =	vmand vm0, vm1;
	v20 =	vmul.f32 $2.015803810e+00, v22  }
0x1ae: {  	v22 =	vmul.f32 v24, v18  }
0x1af: {  	v24 =	vmul.f32 $1.442695020e+00, v27;
	s8 =	sadd.s32 $0x10, s7  }
0x1b0: {  	p4 =	sne.s32 s10, $0x1;
	v28 =	vadd.s32 s8, v4;
	v18 =	vmul.f32 $2.015803810e+00, v25;
	v25 =	vmul.f32 $1.442695020e+00, v22  }
.Ltmp29:
0x1b1: {  	vm1 =	vle.f32 v16, v26;
	v27 =	vmul.f32 $-5.000000000e-01, v20;
	v37 =	vcvt.s32.f32 v28;
	(pc) =	sbr.rel @!p4 .LBB2_43-.Ltmp29, $4  }
0x1b2: {  	(erf) = vpow2.f32 v24;
	v22 =	vsel vm0, $0x3F800000, v6;
	v24 =	vmul.f32 $-5.000000000e-01, v18  }
0x1b3: {  	v26 =	vsub.f32 v37, v16;
	vm0 =	vle.f32 v30, v37;
	vm2 =	vgt.f32 v31, v37  }
0x1b4: {  	v27 =	vmul.f32 v27, v20;
	(erf) = vpow2.f32 v25;
	vm0 =	vmand vm0, vm2;
	v25 =	vpop (erf)  }
0x1b5: {  	s13 =	sadd.s32 $0xFFFFFFFF, s10;
	s10 =	sand.u32 $0xFFFFFC00, s5;
	p2 =	por $0x1, $0x1;
	v20 =	vmul.f32 $2.015803810e+00, v26;
	v28 =	vmul.f32 $1.000000010e-01, v25;
	v29 =	vpop (erf);
	v25 =	vsub.f32 v37, v32  }
0x1b6: {  	v24 =	vmul.f32 v24, v18  }
0x1b7: {  	v27 =	vmul.f32 $1.442695020e+00, v27;
	s17 =	sadd.s32 $0x10, s8;
	v18 =	vnsel vm1, $0x0, v28;
	v33 =	vmul.f32 $-5.000000000e-01, v20  }
0x1b8: {  	v26 =	vadd.s32 s17, v4;
	v34 =	vadd.f32 v18, v21;
	v18 =	vmul.f32 $2.015803810e+00, v25  }
0x1b9: {  	v25 =	vmul.f32 $1.442695020e+00, v24;
	v39 =	vcvt.s32.f32 v26  }
0x1ba: {  	vm2 =	vle.f32 v16, v19;
	p4 =	sne.s32 s13, $0x1  }
.Ltmp30:
0x1bb: {  	(erf) = vpow2.f32 v27;
	v27 =	vmul.f32 v33, v20;
	v36 =	vsub.f32 v39, v16;
	(pc) =	sbr.rel @!p4 .LBB2_45-.Ltmp30, $4  }
0x1bc: {  	v26 =	vsel vm0, $0x3F800000, v6;
	v24 =	vmul.f32 $-5.000000000e-01, v18;
	(erf) = vpow2.f32 v25  }
0x1bd: {  	s12 =	sand.u32 $0x7F, s6;
	s14 =	sadd.s32 s4, s10;
	s11 =	sadd.s32 $0x80, s5;
	vm0 =	vle.f32 v30, v39;
	vm3 =	vgt.f32 v31, v39;
	v33 =	vmul.f32 v34, v15;
	v25 =	vpop (erf)  }
0x1be: {  	s15 =	sadd.s32 $0xFFFFFFFF, s13;
	p3 =	por $0x1, $0x1;
	s12 =	sor.u32 s12, s14;
	vm0 =	vmand vm0, vm3;
	v20 =	vmul.f32 $2.015803810e+00, v36;
	v35 =	vmul.f32 $1.000000010e-01, v25  }
0x1bf: {  	s13 =	smov.u32 s9;
	s14 =	sand.u32 $0xFFFFFC00, s11;
	s16 =	smov.u32 s17;
	[tilespmem:s12+$0x9280] =	vst.add.f32.msk $0xffff, v34;
	v34 =	vmov v23;
	v38 =	vpop (erf);
	v25 =	vsub.f32 v39, v32;
	v36 =	vmov v29  }
.LBB2_46:
0x1c0: {  	p4 =	sne.s32 s15, $0x1;
	s15 =	sadd.s32 $0xFFFFFFFF, s15;
	v24 =	vmul.f32 v24, v18;
	v27 =	vmul.f32 $1.442695020e+00, v27;
	v18 =	vnsel vm2, $0x0, v35;
	s11 =	sadd.s32 $0x80, s11  }
0x1c1: {  	s16 =	sadd.s32 $0x10, s16;
	v41 =	vmul.f32 v36, v15;
	s19 =	sand.u32 $0x7F, s13;
	v35 =	vmul.f32 $-5.000000000e-01, v20;
	s18 =	sand.u32 $0xFFFFFC00, s11;
	v40 =	vadd.f32 v18, v34;
	v34 =	vmovc v22;
	v22 =	vmovc v26  }
0x1c2: {  	s14 =	sadd.s32 s4, s14;
	v36 =	vmovc v38;
	s13 =	smov.u32 s7;
	v26 =	vadd.s32 s16, v4;
	v18 =	vmul.f32 $2.015803810e+00, v25;
	v25 =	vmul.f32 $1.442695020e+00, v24;
	[tilespmem:s12+$0x11680] =	vst.add.f32.msk $0xffff, v33  }
.Ltmp31:
0x1c3: {  	s7 =	smov.u32 s8;
	v42 =	vcvt.s32.f32 v26;
	v26 =	vsel vm0, $0x3F800000, v6;
	(erf) = vpow2.f32 v27;
	[tilespmem:s12+$0xE80] =	vst.add.f32.msk $0xffff, v41;
	s12 =	sor.u32 s19, s14;
	(pc) =	sbr.rel @p4 .LBB2_46-.Ltmp31, $4  }
0x1c4: {  	vm2 =	vle.f32 v16, v17;
	s8 =	smov.u32 s17;
	s17 =	smov.u32 s16;
	v24 =	vmul.f32 $-5.000000000e-01, v18;
	s14 =	smov.u32 s18;
	(erf) = vpow2.f32 v25;
	v17 =	vpop (erf);
	[tilespmem:s12+$0x9280] =	vst.add.f32.msk $0xffff, v40  }
0x1c5: {  	v27 =	vmul.f32 v35, v20;
	v41 =	vsub.f32 v42, v16;
	v35 =	vmul.f32 $1.000000010e-01, v17;
	v38 =	vpop (erf)  }
0x1c6: {  	v33 =	vmul.f32 v40, v15;
	vm0 =	vle.f32 v30, v42;
	vm3 =	vgt.f32 v31, v42;
	v17 =	vmovc v37  }
0x1c7: {  	v25 =	vsub.f32 v42, v32;
	vm0 =	vmand vm0, vm3;
	v37 =	vmovc v39;
	v39 =	vmovc v42;
	v20 =	vmul.f32 $2.015803810e+00, v41  }
.Ltmp32:
0x1c8: {  	(pc) =	sbr.rel .LBB2_48-.Ltmp32, $2  }
0x1c9: {  	_ =	sdelay $0x2  }
0x1ca: {  	v30 =	vmovc v22;
	s16 =	smov.u32 s7;
	v31 =	vmovc v17;
	v22 =	vmov v26;
	s15 =	smov.u32 s8;
	s7 =	smov.u32 s17;
	v26 =	vmov v37;
	v17 =	vmov v39  }
.LBB2_39:
.Ltmp33:
0x1cb: {  	(pc) =	sbr.rel .LBB2_48-.Ltmp33, $2  }
0x1cc: {  	_ =	sdelay $0x2  }
0x1cd: {  	v22 =	vmov v21;
	s15 =	smov.u32 s6;
	s7 =	smov.u32 s9;
	v17 =	vmov v19;
	s11 =	smov.u32 s5  }
.LBB2_41:
.Ltmp34:
0x1ce: {  	(pc) =	sbr.rel .LBB2_48-.Ltmp34, $2  }
0x1cf: {  	_ =	sdelay $0x2  }
0x1d0: {  	v31 =	vmovc v26;
	v30 =	vmov v21;
	v22 =	vmov v23;
	s16 =	smov.u32 s6;
	s15 =	smov.u32 s9;
	v26 =	vmov v19;
	s11 =	smov.u32 s5  }
.LBB2_43:
.Ltmp35:
0x1d1: {  	(pc) =	sbr.rel .LBB2_48-.Ltmp35, $3  }
0x1d2: {  	_ =	sdelay $0x1  }
0x1d3: {  	s15 =	smov.u32 s7;
	v26 =	vmov v17;
	vm2 =	vmmov vm1;
	s11 =	smov.u32 s5;
	v34 =	vmov v21;
	s13 =	smov.u32 s6  }
0x1d4: {  	v30 =	vmovc v23;
	s14 =	smov.u32 s10;
	v38 =	vmovc v29;
	s16 =	smov.u32 s9;
	v31 =	vmov v19;
	s7 =	smov.u32 s8;
	v17 =	vmov v37;
	v35 =	vmov v28  }
.LBB2_45:
.Ltmp36:
0x1d5: {  	(pc) =	sbr.rel .LBB2_48-.Ltmp36, $3  }
0x1d6: {  	_ =	sdelay $0x1  }
0x1d7: {  	v30 =	vmov v22;
	s16 =	smov.u32 s7;
	v31 =	vmov v17  }
0x1d8: {  	v34 =	vmovc v23;
	v36 =	vmovc v29;
	v22 =	vmov v26;
	s13 =	smov.u32 s9;
	s15 =	smov.u32 s8;
	s7 =	smov.u32 s17;
	v26 =	vmov v37;
	v17 =	vmov v39  }
.LBB2_23:
.Ltmp37:
0x1d9: {  	(pc) =	sbr.rel .LBB2_24-.Ltmp37, $2  }
0x1da: {  	_ =	sdelay $0x2  }
0x1db: {  	s0 =	simm.s32 $0x0  }
.LBB2_32:
0x1dc: {  	s0 =	sadd.s32 $0x1, s0  }
0x1dd: {  	p0 =	sne.s32 s0, s30  }
.Ltmp38:
0x1de: {  	_ = 	snop;
	(pc) =	sbr.rel @!p0 .LBB2_33-.Ltmp38, $1  }
0x1df: {  	_ =	sdelay $0x3  }
.LBB2_24:
0x1e0: {  	s4 =	sshll.u32 s0, $0x6  }
0x1e1: {  	s4 =	sshra.s32 s4, $0x2  }
0x1e2: {  	v7 =	vld [tilespmem:s4+$0xA00];
	_ =	sdelay $0x7  }
0x1e3: {  	v8 =	vld.idx.msk [tilespmem:v7+s1+$0x0], $0xffff  }
0x1e4: {  	v9 =	vld.idx.msk [tilespmem:v7+s21+$0x0], $0xffff;
	_ =	sdelay $0x4  }
0x1e5: {  	v8 =	vtrunc.f32 v8;
	v10 =	vtrunc.f32 v9  }
0x1e6: {  	v11 =	vld.idx.msk [tilespmem:v7+s26+$0x0], $0xffff;
	v7 =	vcvt.f32.s32 v8;
	v8 =	vcvt.f32.s32 v10;
	vm0 =	vgt.f32 v9, v10  }
.Ltmp39:
0x1e7: {  	v9 =	vsel vm0, $0x1, v3;
	(pc) =	sbr.rel .LBB2_25-.Ltmp39, $4  }
0x1e8: {  	v7 =	vadd.s32 $0xFFFFFFFA, v7;
	v8 =	vadd.s32 v9, v8  }
0x1e9: {  	vm14 =	vgt.s32 v7, $0x0;
	v8 =	vadd.s32 $0x7, v8  }
0x1ea: {  	v7 =	vnsel vm14, $0x0, v7;
	vm15 =	vlt.s32 v8, $0x1026  }
0x1eb: {  	s4 =	simm.s32 $0x0;
	v9 =	vsub.s32 v11, v0;
	v7 =	vand.u32 $0x7FFFFFF0, v7;
	v8 =	vnsel vm15, $0x1026, v8  }
.LBB2_27:
0x1ec: {  	s7 =	smov.u32 s5  }
.LBB2_30:
0x1ed: {  	v12 =	vld [tilespmem:s7+$0xE80];
	[tilespmem:s5+$0x9280] =	vst @p0 v10;
	v10 =	vmin.f32 @p0 v11, $1.000000000e+00  }
0x1ee: {  	v11 =	vld [tilespmem:s7+$0x9280];
	[tilespmem:s5+$0x11680] =	vst @p0 v10  }
0x1ef: {  	v10 =	vld [tilespmem:s7+$0x11680];
	_ =	sdelay $0x2  }
0x1f0: {  	v12 =	vmax.f32 v12, $0.0e+00  }
0x1f1: {  	v12 =	vmin.f32 v12, $1.000000000e+00;
	v11 =	vmax.f32 v11, $0.0e+00  }
0x1f2: {  	[tilespmem:s7+$0xE80] =	vst v12;
	v11 =	vmin.f32 v11, $1.000000000e+00;
	v10 =	vmax.f32 v10, $0.0e+00  }
0x1f3: {  	[tilespmem:s7+$0x9280] =	vst v11;
	v10 =	vmin.f32 v10, $1.000000000e+00  }
0x1f4: {  	[tilespmem:s7+$0x11680] =	vst v10  }
.LBB2_31:
0x1f5: {  	s4 =	sadd.s32 $0x1, s4  }
0x1f6: {  	p0 =	sne.s32 s4, $0x10  }
.Ltmp40:
0x1f7: {  	_ = 	snop;
	(pc) =	sbr.rel @!p0 .LBB2_32-.Ltmp40, $1  }
0x1f8: {  	_ =	sdelay $0x3  }
.LBB2_25:
0x1f9: {  	v10 =	vmov s4  }
0x1fa: {  	vm0 =	veq.s32 v10, v4  }
0x1fb: {  	v10 =	vnsel vm0, $0x0, v7  }
0x1fc: {  	(xrf0) =	vadd.scan.msk.s32 $0xffff, v10;
	v10 =	vnsel vm0, $0x0, v8  }
0x1fd: {  	(xrf0) =	vadd.scan.msk.s32 $0xffff, v10;
	_ =	sdelay $0x4  }
0x1fe: {  	v10, _, _ =	vpop (xrf0)  }
0x1ff: {  	(v2sf) =	vpush v10, $0xF;
	v10, _, _ =	vpop (xrf0)  }
0x200: {  	(v2sf) =	vpush v10, $0xF;
	_ =	sdelay $0xd  }
0x201: {  	s7 =	spop (v2sf)  }
0x202: {  	s5 =	spop (v2sf)  }
0x203: {  	s5 =	ssub.s32 s5, s7  }
0x204: {  	p0 =	sgt.s32 s5, $0x0  }
0x205: {  	s5 =	simm.s32 @!p0 $0x0  }
0x206: {  	s5 =	sadd.s32 $0xF, s5  }
0x207: {  	s6 =	sand.u32 $0xF, s5  }
0x208: {  	s31 =	sshra.s32 s5, $0x1F;
	p1 =	slt.s32 s5, $0x0;
	p6 =	sne.s32 s6, $0x0  }
0x209: {  	s6 =	sshrl.u32 s31, $0x1C;
	p0 =	por !p1, !p6  }
0x20a: {  	s5 =	sadd.s32 s6, s5;
	s6 =	simm.s32 $0x1;
	p0 =	por !p0, !p0  }
0x20b: {  	s5 =	sshra.s32 s5, $0x4;
	s6 =	simm.s32 @!p0 $0x0  }
0x20c: {  	s8 =	ssub.s32 s5, s6  }
0x20d: {  	p0 =	slt.s32 s8, $0x1  }
.Ltmp41:
0x20e: {  	_ = 	snop;
	(pc) =	sbr.rel @p0 .LBB2_31-.Ltmp41, $1  }
0x20f: {  	_ =	sdelay $0x3  }
0x210: {  	v10 =	vnsel vm0, $0x0, v9  }
0x211: {  	(xrf0) =	vadd.scan.msk.s32 $0xffff, v10;
	_ =	sdelay $0x5  }
0x212: {  	v10, _, _ =	vpop (xrf0)  }
0x213: {  	(v2sf) =	vpush v10, $0xF;
	_ =	sdelay $0xe  }
0x214: {  	s5 =	spop (v2sf)  }
0x215: {  	s6 =	sshrl.u32 s5, $0x3  }
0x216: {  	p1 =	sne.s32 s8, $0x1;
	s6 =	smul.u32 $0x8400, s6  }
.Ltmp42:
0x217: {  	s5 =	sshll.u32 s5, $0x7;
	(pc) =	sbr.rel @!p1 .LBB2_27-.Ltmp42, $4  }
0x218: {  	s9 =	sshll.u32 s7, $0x3;
	s5 =	sand.u32 $0x380, s5  }
0x219: {  	s31 =	sand.u32 $0xFFFFFC00, s9;
	s6 =	sor.u32 s5, s6  }
0x21a: {  	s10 =	sand.u32 $0x7F, s7;
	s5 =	sadd.s32 s6, s31  }
0x21b: {  	p0 =	por $0x0, $0x0;
	s5 =	sor.u32 s10, s5;
	s10 =	sadd.s32 $0xFFFFFFFF, s8  }
0x21c: {  	v10 =	vld [tilespmem:s5+$0xE80]  }
0x21d: {  	v11 =	vld [tilespmem:s5+$0x9280]  }
0x21e: {  	v12 =	vld [tilespmem:s5+$0x11680];
	p1 =	sne.s32 s10, $0x1  }
.Ltmp43:
0x21f: {  	_ = 	snop;
	(pc) =	sbr.rel @!p1 .LBB2_30-.Ltmp43, $4  }
0x220: {  	s8 =	sadd.s32 $0x80, s9  }
0x221: {  	s9 =	sadd.s32 $0x10, s7;
	s11 =	sand.u32 $0xFFFFFC00, s8;
	v10 =	vmax.f32 v10, $0.0e+00  }
0x222: {  	s7 =	sand.u32 $0x7F, s9;
	s11 =	sadd.s32 s6, s11;
	v11 =	vmax.f32 v11, $0.0e+00;
	v10 =	vmin.f32 v10, $1.000000000e+00  }
0x223: {  	s10 =	sadd.s32 $0xFFFFFFFF, s10;
	p0 =	por $0x1, $0x1;
	s7 =	sor.u32 s7, s11;
	[tilespmem:s5+$0xE80] =	vst v10;
	v10 =	vmin.f32 v11, $1.000000000e+00;
	v11 =	vmax.f32 v12, $0.0e+00  }
.LBB2_29:
0x224: {  	p1 =	sne.s32 s10, $0x1;
	v12 =	vld [tilespmem:s7+$0xE80];
	[tilespmem:s5+$0x9280] =	vst v10;
	v10 =	vmin.f32 v11, $1.000000000e+00  }
0x225: {  	v11 =	vld [tilespmem:s7+$0x9280];
	[tilespmem:s5+$0x11680] =	vst v10;
	s5 =	smov.u32 s7  }
0x226: {  	v13 =	vld [tilespmem:s5+$0x11680]  }
.Ltmp44:
0x227: {  	(pc) =	sbr.rel @p1 .LBB2_29-.Ltmp44, $4  }
0x228: {  	s8 =	sadd.s32 $0x80, s8  }
0x229: {  	s9 =	sadd.s32 $0x10, s9;
	s7 =	sand.u32 $0xFFFFFC00, s8;
	v10 =	vmax.f32 v12, $0.0e+00  }
0x22a: {  	s11 =	sand.u32 $0x7F, s9;
	s7 =	sadd.s32 s6, s7;
	v10 =	vmin.f32 v10, $1.000000000e+00;
	v11 =	vmax.f32 v11, $0.0e+00  }
0x22b: {  	s10 =	sadd.s32 $0xFFFFFFFF, s10;
	s7 =	sor.u32 s11, s7;
	[tilespmem:s5+$0xE80] =	vst v10;
	v10 =	vmin.f32 v11, $1.000000000e+00;
	v11 =	vmax.f32 v13, $0.0e+00  }
.Ltmp45:
0x22c: {  	_ = 	snop;
	(pc) =	sbr.rel .LBB2_30-.Ltmp45, $1  }
0x22d: {  	_ =	sdelay $0x3  }
.LBB2_51:
.Ltmp46:
0x22e: {  	(pc) =	sbr.rel .LBB2_52-.Ltmp46, $2  }
0x22f: {  	_ =	sdelay $0x2  }
0x230: {  	s0 =	simm.s32 $0x0  }
.LBB2_60:
0x231: {  	s0 =	sadd.s32 $0x1, s0  }
0x232: {  	p0 =	sne.s32 s0, s29  }
.Ltmp47:
0x233: {  	_ = 	snop;
	(pc) =	sbr.rel @!p0 .LBB2_61-.Ltmp47, $1  }
0x234: {  	_ =	sdelay $0x3  }
.LBB2_52:
0x235: {  	s4 =	sshll.u32 s0, $0x6  }
0x236: {  	s4 =	sshra.s32 s4, $0x2  }
0x237: {  	v7 =	vld [tilespmem:s4+$0xC10];
	_ =	sdelay $0x7  }
0x238: {  	v8 =	vld.idx.msk [tilespmem:v7+s1+$0x0], $0xffff  }
0x239: {  	v9 =	vld.idx.msk [tilespmem:v7+s21+$0x0], $0xffff;
	_ =	sdelay $0x4  }
0x23a: {  	v8 =	vtrunc.f32 v8;
	v10 =	vtrunc.f32 v9  }
0x23b: {  	v11 =	vld.idx.msk [tilespmem:v7+s26+$0x0], $0xffff;
	v7 =	vcvt.f32.s32 v8;
	v8 =	vcvt.f32.s32 v10;
	vm0 =	vgt.f32 v9, v10  }
.Ltmp48:
0x23c: {  	v9 =	vsel vm0, $0x1, v3;
	(pc) =	sbr.rel .LBB2_53-.Ltmp48, $4  }
0x23d: {  	v7 =	vadd.s32 $0xFFFFFFFA, v7;
	v8 =	vadd.s32 v9, v8  }
0x23e: {  	vm14 =	vgt.s32 v7, $0x0;
	v8 =	vadd.s32 $0x7, v8  }
0x23f: {  	v7 =	vnsel vm14, $0x0, v7;
	vm15 =	vlt.s32 v8, $0x1026  }
0x240: {  	s4 =	simm.s32 $0x0;
	v9 =	vsub.s32 v11, v1;
	v7 =	vand.u32 $0x7FFFFFF0, v7;
	v8 =	vnsel vm15, $0x1026, v8  }
.LBB2_55:
0x241: {  	s7 =	smov.u32 s5  }
.LBB2_58:
0x242: {  	v12 =	vld [tilespmem:s7+$0xE80];
	[tilespmem:s5+$0x9280] =	vst @p0 v10;
	v10 =	vmin.f32 @p0 v11, $1.000000000e+00  }
0x243: {  	v11 =	vld [tilespmem:s7+$0x9280];
	[tilespmem:s5+$0x11680] =	vst @p0 v10  }
0x244: {  	v10 =	vld [tilespmem:s7+$0x11680];
	_ =	sdelay $0x2  }
0x245: {  	v12 =	vmax.f32 v12, $0.0e+00  }
0x246: {  	v12 =	vmin.f32 v12, $1.000000000e+00;
	v11 =	vmax.f32 v11, $0.0e+00  }
0x247: {  	[tilespmem:s7+$0xE80] =	vst v12;
	v11 =	vmin.f32 v11, $1.000000000e+00;
	v10 =	vmax.f32 v10, $0.0e+00  }
0x248: {  	[tilespmem:s7+$0x9280] =	vst v11;
	v10 =	vmin.f32 v10, $1.000000000e+00  }
0x249: {  	[tilespmem:s7+$0x11680] =	vst v10  }
.LBB2_59:
0x24a: {  	s4 =	sadd.s32 $0x1, s4  }
0x24b: {  	p0 =	sne.s32 s4, $0x10  }
.Ltmp49:
0x24c: {  	_ = 	snop;
	(pc) =	sbr.rel @!p0 .LBB2_60-.Ltmp49, $1  }
0x24d: {  	_ =	sdelay $0x3  }
.LBB2_53:
0x24e: {  	v10 =	vmov s4  }
0x24f: {  	vm0 =	veq.s32 v10, v4  }
0x250: {  	v10 =	vnsel vm0, $0x0, v7  }
0x251: {  	(xrf0) =	vadd.scan.msk.s32 $0xffff, v10;
	v10 =	vnsel vm0, $0x0, v8  }
0x252: {  	(xrf0) =	vadd.scan.msk.s32 $0xffff, v10;
	_ =	sdelay $0x4  }
0x253: {  	v10, _, _ =	vpop (xrf0)  }
0x254: {  	(v2sf) =	vpush v10, $0xF;
	v10, _, _ =	vpop (xrf0)  }
0x255: {  	(v2sf) =	vpush v10, $0xF;
	_ =	sdelay $0xd  }
0x256: {  	s7 =	spop (v2sf)  }
0x257: {  	s5 =	spop (v2sf)  }
0x258: {  	s5 =	ssub.s32 s5, s7  }
0x259: {  	p0 =	sgt.s32 s5, $0x0  }
0x25a: {  	s5 =	simm.s32 @!p0 $0x0  }
0x25b: {  	s5 =	sadd.s32 $0xF, s5  }
0x25c: {  	s6 =	sand.u32 $0xF, s5  }
0x25d: {  	s30 =	sshra.s32 s5, $0x1F;
	p1 =	slt.s32 s5, $0x0;
	p6 =	sne.s32 s6, $0x0  }
0x25e: {  	s6 =	sshrl.u32 s30, $0x1C;
	p0 =	por !p1, !p6  }
0x25f: {  	s5 =	sadd.s32 s6, s5;
	s6 =	simm.s32 $0x1;
	p0 =	por !p0, !p0  }
0x260: {  	s5 =	sshra.s32 s5, $0x4;
	s6 =	simm.s32 @!p0 $0x0  }
0x261: {  	s8 =	ssub.s32 s5, s6  }
0x262: {  	p0 =	slt.s32 s8, $0x1  }
.Ltmp50:
0x263: {  	_ = 	snop;
	(pc) =	sbr.rel @p0 .LBB2_59-.Ltmp50, $1  }
0x264: {  	_ =	sdelay $0x3  }
0x265: {  	v10 =	vnsel vm0, $0x0, v9  }
0x266: {  	(xrf0) =	vadd.scan.msk.s32 $0xffff, v10;
	_ =	sdelay $0x5  }
0x267: {  	v10, _, _ =	vpop (xrf0)  }
0x268: {  	(v2sf) =	vpush v10, $0xF;
	_ =	sdelay $0xe  }
0x269: {  	s5 =	spop (v2sf)  }
0x26a: {  	s6 =	sshrl.u32 s5, $0x3  }
0x26b: {  	p1 =	sne.s32 s8, $0x1;
	s6 =	smul.u32 $0x8400, s6  }
.Ltmp51:
0x26c: {  	s5 =	sshll.u32 s5, $0x7;
	(pc) =	sbr.rel @!p1 .LBB2_55-.Ltmp51, $4  }
0x26d: {  	s9 =	sshll.u32 s7, $0x3;
	s5 =	sand.u32 $0x380, s5  }
0x26e: {  	s30 =	sand.u32 $0xFFFFFC00, s9;
	s6 =	sor.u32 s5, s6  }
0x26f: {  	s10 =	sand.u32 $0x7F, s7;
	s5 =	sadd.s32 s6, s30  }
0x270: {  	p0 =	por $0x0, $0x0;
	s5 =	sor.u32 s10, s5;
	s10 =	sadd.s32 $0xFFFFFFFF, s8  }
0x271: {  	v10 =	vld [tilespmem:s5+$0xE80]  }
0x272: {  	v11 =	vld [tilespmem:s5+$0x9280]  }
0x273: {  	v12 =	vld [tilespmem:s5+$0x11680];
	p1 =	sne.s32 s10, $0x1  }
.Ltmp52:
0x274: {  	_ = 	snop;
	(pc) =	sbr.rel @!p1 .LBB2_58-.Ltmp52, $4  }
0x275: {  	s8 =	sadd.s32 $0x80, s9  }
0x276: {  	s9 =	sadd.s32 $0x10, s7;
	s11 =	sand.u32 $0xFFFFFC00, s8;
	v10 =	vmax.f32 v10, $0.0e+00  }
0x277: {  	s7 =	sand.u32 $0x7F, s9;
	s11 =	sadd.s32 s6, s11;
	v11 =	vmax.f32 v11, $0.0e+00;
	v10 =	vmin.f32 v10, $1.000000000e+00  }
0x278: {  	s10 =	sadd.s32 $0xFFFFFFFF, s10;
	p0 =	por $0x1, $0x1;
	s7 =	sor.u32 s7, s11;
	[tilespmem:s5+$0xE80] =	vst v10;
	v10 =	vmin.f32 v11, $1.000000000e+00;
	v11 =	vmax.f32 v12, $0.0e+00  }
.LBB2_57:
0x279: {  	p1 =	sne.s32 s10, $0x1;
	v12 =	vld [tilespmem:s7+$0xE80];
	[tilespmem:s5+$0x9280] =	vst v10;
	v10 =	vmin.f32 v11, $1.000000000e+00  }
0x27a: {  	v11 =	vld [tilespmem:s7+$0x9280];
	[tilespmem:s5+$0x11680] =	vst v10;
	s5 =	smov.u32 s7  }
0x27b: {  	v13 =	vld [tilespmem:s5+$0x11680]  }
.Ltmp53:
0x27c: {  	(pc) =	sbr.rel @p1 .LBB2_57-.Ltmp53, $4  }
0x27d: {  	s8 =	sadd.s32 $0x80, s8  }
0x27e: {  	s9 =	sadd.s32 $0x10, s9;
	s7 =	sand.u32 $0xFFFFFC00, s8;
	v10 =	vmax.f32 v12, $0.0e+00  }
0x27f: {  	s11 =	sand.u32 $0x7F, s9;
	s7 =	sadd.s32 s6, s7;
	v10 =	vmin.f32 v10, $1.000000000e+00;
	v11 =	vmax.f32 v11, $0.0e+00  }
0x280: {  	s10 =	sadd.s32 $0xFFFFFFFF, s10;
	s7 =	sor.u32 s11, s7;
	[tilespmem:s5+$0xE80] =	vst v10;
	v10 =	vmin.f32 v11, $1.000000000e+00;
	v11 =	vmax.f32 v13, $0.0e+00  }
.Ltmp54:
0x281: {  	_ = 	snop;
	(pc) =	sbr.rel .LBB2_58-.Ltmp54, $1  }
0x282: {  	_ =	sdelay $0x3  }
.LBB2_62:
0x283: {  	_ =	sfence.sel $0x180000  }
0x284: {  	[bflag:$0x0] =	sbarrier.arrive $0xFFFF  }
0x285: {  	_ =	strace $0x90000047  }
0x286: {  	s0 =	stileid.u32;
	[bflag:$0x2] =	sbarrier.arrive $0xFFFF  }
0x287: {  	p0 =	sne.s32 s0, $0x0;
	s0 =	rddreg [dreg:$0x2]  }
0x288: {  	s0 =	sadd.s32 @!p0 $0x100000, s0  }
0x289: {  	[sflag:s0] =	ssyncadd.tile.s32 @!p0 $0x1;
	_ =	shalt  }
.Lfunc_end2:
_tile_overlayer_lowered:
.L_overlay_start_2:
0x28a: {  	(tag) =	ssettag $0x2  }
0x28b: {  	s0 =	rddreg [dreg:$0x0];
	s2 =	stileid.u32  }
0x28c: {  	s1 =	rddreg [dreg:$0x1];
	p0 =	sne.s32 s2, $0x0  }
0x28d: {  	s3 =	rddreg [dreg:$0x2];
	[bflag:$0x3] =	sbarrier.arrive $0xFFFF;
	s2 =	simm.s32 @!p0 $0x1C03  }
0x28e: {  	[timem:s3], [sflag:s2] =	dma.local @!p0 [hbm:s0], s1  }
0x28f: {  	s0 =	simm.s32 @!p0 $0x3  }
0x290: {  	_ =	swait.ge @!p0 [sflag:s0], s1  }
0x291: {  	s1 =	ssub.s32 @!p0 $0x0, s1;
	[sflag:s0] =	ssyncset.done @!p0 $0x0  }
0x292: {  	[sflag:s0] =	ssyncadd.s32 @!p0 s1  }
0x293: {  	[bflag:$0x3] =	sbarrier.arrive $0xFFFF  }
0x294: {  	_ =	shalt  }

</sc_bundles>
